<compile_context>
chip_gen: v7x
topology: tpu7x:2x2x1
jax: 0.10.2.dev20260603
libtpu: 0.0.44.dev20260713+nightly
codegen_flags: <defaults>
</compile_context>

<pallas_src>
import jax
import jax.numpy as jnp
from jax import lax
from jax.experimental import pallas as pl
from jax.experimental.pallas import tpu as pltpu
from jax.experimental.pallas import tpu_sc as plsc

N = 10000
D = 256
HOPS = 3
E = 160000

NC = 2
NS = 16
L = 16

CW = 128
PASSES = 2
RANGE = 15104
AGG_ROWS = PASSES * RANGE
TRASH = RANGE
CHUNK = 32
EPT = 10112
E_PAD = NS * EPT
NCHUNK = EPT // CHUNK
IB = 2 * CHUNK
ROWS_PER_TILE = RANGE // NS


def _sc_body(xs_hbm, idx_hbm, zer_hbm, agg_hbm,
             idxc, gidx, sidx, rows_v, shared,
             semi, semg0, semg1, sems0, sems1):
  c = lax.axis_index("c")
  s = lax.axis_index("s")
  semg = (semg0, semg1)
  sems = (sems0, sems1)

  for p in range(PASSES):
    lo = p * RANGE

    pltpu.sync_copy(zer_hbm.at[pl.ds(0, ROWS_PER_TILE)],
                    shared.at[pl.ds(s * ROWS_PER_TILE, ROWS_PER_TILE)])
    plsc.subcore_barrier()

    def _start_idx(j, b):
      pltpu.async_copy(idx_hbm.at[pl.ds((s * NCHUNK + j) * IB, IB)],
                       idxc.at[b], semi)

    def _wait_idx(b):
      pltpu.make_async_copy(idx_hbm.at[pl.ds(0, IB)], idxc.at[b],
                            semi).wait()

    def _compute(b):
      for k in range(CHUNK // L):
        t = idxc[b, pl.ds(k * L, L)]
        sv = idxc[b, pl.ds(CHUNK + k * L, L)]
        m = (t >= lo) & (t < lo + RANGE)
        sidx[b, pl.ds(k * L, L)] = jnp.where(
            m, t - lo, jnp.full((L,), TRASH, jnp.int32))
        gidx[b, pl.ds(k * L, L)] = 2 * lax.rem(sv, jnp.int32(N)) + c

    def _wait_scatter(b):
      pltpu.make_async_copy(rows_v.at[b], shared.at[sidx.at[b]],
                            sems[b]).wait()

    def _start_gather(b):
      pltpu.async_copy(xs_hbm.at[gidx.at[b]], rows_v.at[b], semg[b])

    def _wait_gather(b):
      pltpu.make_async_copy(xs_hbm.at[gidx.at[b]], rows_v.at[b],
                            semg[b]).wait()

    def _start_scatter(b):
      pltpu.async_copy(rows_v.at[b], shared.at[sidx.at[b]], sems[b],
                       add=True)

    _start_idx(0, 0)
    _wait_idx(0)
    _compute(0)
    _start_gather(0)
    _start_idx(1, 1)

    def _pair(kk, carry):
      for b in range(2):
        j = kk * 2 + b
        ob = 1 - b

        @pl.when(j + 1 < NCHUNK)
        def _():
          _wait_idx(ob)

          @pl.when(j >= 1)
          def _():
            _wait_scatter(ob)
          _compute(ob)
          _start_gather(ob)

          @pl.when(j + 2 < NCHUNK)
          def _():
            _start_idx(j + 2, b)

        _wait_gather(b)
        _start_scatter(b)
      return carry
    lax.fori_loop(0, NCHUNK // 2, _pair, 0)
    _wait_scatter(0)
    _wait_scatter(1)
    plsc.subcore_barrier()

    pltpu.sync_copy(
        shared.at[pl.ds(s * ROWS_PER_TILE, ROWS_PER_TILE)],
        agg_hbm.at[c].at[pl.ds(lo + s * ROWS_PER_TILE, ROWS_PER_TILE)])
    plsc.subcore_barrier()


@jax.jit
def _sc_scatter(xs, idx, zer):
  mesh = plsc.VectorSubcoreMesh(core_axis_name="c", subcore_axis_name="s")
  return pl.kernel(
      _sc_body,
      out_type=jax.ShapeDtypeStruct((NC, AGG_ROWS, CW), jnp.float32),
      mesh=mesh,
      scratch_types=[
          pltpu.VMEM((2, IB), jnp.int32),
          pltpu.VMEM((2, CHUNK), jnp.int32),
          pltpu.VMEM((2, CHUNK), jnp.int32),
          pltpu.VMEM((2, CHUNK, CW), jnp.float32),
          pltpu.VMEM_SHARED((RANGE + 8, CW), jnp.float32),
          pltpu.SemaphoreType.DMA,
          pltpu.SemaphoreType.DMA,
          pltpu.SemaphoreType.DMA,
          pltpu.SemaphoreType.DMA,
          pltpu.SemaphoreType.DMA,
      ],
  )(xs, idx, zer)


ROW_BLK = 1000


def _mlp_body(x_r, a0_r, a1_r, a2_r, win_r, bin_r, wg_r, bg_r,
              w10_r, b10_r, w20_r, b20_r, w11_r, b11_r, w21_r, b21_r, o_r):
  xb = x_r[...]
  a0 = jnp.concatenate([a0_r[p] for p in range(NC)], axis=-1)
  a1 = jnp.concatenate([a1_r[p] for p in range(NC)], axis=-1)
  a2 = jnp.concatenate([a2_r[p] for p in range(NC)], axis=-1)

  def _in_mm(w_r):
    w = w_r[...]
    return (jnp.dot(xb, w[0:D], preferred_element_type=jnp.float32)
            + jnp.dot(a0, w[D:2 * D], preferred_element_type=jnp.float32)
            + jnp.dot(a1, w[2 * D:3 * D], preferred_element_type=jnp.float32)
            + jnp.dot(a2, w[3 * D:4 * D], preferred_element_type=jnp.float32))

  def _silu(v):
    return v / (1.0 + jnp.exp(-v))

  h = _silu(_in_mm(win_r) + bin_r[...])
  g = _in_mm(wg_r) + bg_r[...]
  for (w1_r, b1_r, w2_r, b2_r) in ((w10_r, b10_r, w20_r, b20_r),
                                   (w11_r, b11_r, w21_r, b21_r)):
    skip = h
    t = _silu(jnp.dot(h, w1_r[...], preferred_element_type=jnp.float32)
              + b1_r[...])
    h = (jnp.dot(t, w2_r[...], preferred_element_type=jnp.float32)
         + b2_r[...] + skip)
  o_r[...] = h + g


@jax.jit
def _tc_mlp(x, aggT, W_in, b_in, W_g, b_g,
            W1_0, b1_0, W2_0, b2_0, W1_1, b1_1, W2_1, b2_1):
  row_spec = pl.BlockSpec((ROW_BLK, D), lambda i: (i, 0))
  hop_specs = [
      pl.BlockSpec((NC, ROW_BLK, CW),
                   lambda i, h=h: (0, (h * N) // ROW_BLK + i, 0))
      for h in range(HOPS)]
  big_w = pl.BlockSpec((HOPS * D + D, D), lambda i: (0, 0))
  small_w = pl.BlockSpec((D, D), lambda i: (0, 0))
  bias = pl.BlockSpec((1, D), lambda i: (0, 0))
  return pl.pallas_call(
      _mlp_body,
      grid=(N // ROW_BLK,),
      in_specs=[row_spec] + hop_specs + [
                big_w, bias, big_w, bias,
                small_w, bias, small_w, bias,
                small_w, bias, small_w, bias],
      out_specs=row_spec,
      out_shape=jax.ShapeDtypeStruct((N, D), jnp.float32),
  )(x, aggT, aggT, aggT, W_in, b_in.reshape(1, D), W_g, b_g.reshape(1, D),
    W1_0, b1_0.reshape(1, D), W2_0, b2_0.reshape(1, D),
    W1_1, b1_1.reshape(1, D), W2_1, b2_1.reshape(1, D))


def kernel(x, target, src, W_in, b_in, W_g, b_g,
           W1_0, b1_0, W2_0, b2_0, W1_1, b1_1, W2_1, b2_1):
  pad = E_PAD - E
  tgt_p = jnp.concatenate(
      [target, jnp.full((pad,), jnp.int32(1 << 29))]).reshape(NS, NCHUNK, 1,
                                                              CHUNK)
  src_p = jnp.concatenate(
      [src, jnp.zeros((pad,), jnp.int32)]).reshape(NS, NCHUNK, 1, CHUNK)
  idx = jnp.concatenate([tgt_p, src_p], axis=2).reshape(-1)

  zer = jnp.zeros((ROWS_PER_TILE, CW), jnp.float32)
  aggT = _sc_scatter(x.reshape(2 * N, CW), idx, zer)
  return _tc_mlp(x, aggT, W_in, b_in, W_g, b_g,
                 W1_0, b1_0, W2_0, b2_0, W1_1, b1_1, W2_1, b2_1)

# --- scband reference (transcript-rebuilt; emitter-appended) ---
"""Pipeline reference for scband-shell-convolution-layer-51857435132411 (READ-ONLY COPY).

The authoritative reference and input builder live on the scoring server;
editing this copy changes nothing except your own understanding.
"""

import jax, jax.numpy as jnp
import numpy as np

N = 10000
D = 256
HOPS = 3
E = 160000
IN_DIM = D * (HOPS + 1)
OUT_DIM = 256


def _linear_params(key, fan_in, fan_out):
    k1, k2 = jax.random.split(key)
    bound = 1.0 / np.sqrt(fan_in)
    W = jax.random.uniform(k1, (fan_in, fan_out), dtype=jnp.float32, minval=-bound, maxval=bound)
    b = jax.random.uniform(k2, (fan_out,), dtype=jnp.float32, minval=-bound, maxval=bound)
    return W, b


def setup_inputs(seed: int = 0):
    key = jax.random.key(seed)
    ks = jax.random.split(key, 10)
    x = jax.random.normal(ks[0], (N, D), dtype=jnp.float32)
    target = jax.random.randint(ks[1], (E,), 0, HOPS * N, dtype=jnp.int32)
    src = jax.random.randint(ks[2], (E,), 0, HOPS * N, dtype=jnp.int32)
    W_in, b_in = _linear_params(ks[3], IN_DIM, OUT_DIM)
    W_g, b_g = _linear_params(ks[4], IN_DIM, OUT_DIM)
    W1_0, b1_0 = _linear_params(ks[5], OUT_DIM, OUT_DIM)
    W2_0, b2_0 = _linear_params(ks[6], OUT_DIM, OUT_DIM)
    W1_1, b1_1 = _linear_params(ks[7], OUT_DIM, OUT_DIM)
    W2_1, b2_1 = _linear_params(ks[8], OUT_DIM, OUT_DIM)
    return {"x": x, "target": target, "src": src,
            "W_in": W_in, "b_in": b_in, "W_g": W_g, "b_g": b_g,
            "W1_0": W1_0, "b1_0": b1_0, "W2_0": W2_0, "b2_0": b2_0,
            "W1_1": W1_1, "b1_1": b1_1, "W2_1": W2_1, "b2_1": b2_1}


def reference(x, target, src, W_in, b_in, W_g, b_g,
              W1_0, b1_0, W2_0, b2_0, W1_1, b1_1, W2_1, b2_1):
    # message passing over hop-expanded node space
    expanded = jnp.tile(x, (HOPS, 1))               # [HOPS*N, D]
    source_features = expanded[src]                 # gather
    aggregated = jnp.zeros_like(expanded).at[target].add(source_features)  # scatter-add
    chunks = [aggregated[i * N:(i + 1) * N] for i in range(HOPS)]
    input_features = jnp.concatenate([x] + chunks, axis=-1)  # [N, IN_DIM]
    h = jax.nn.silu(input_features @ W_in + b_in)
    global_skip = input_features @ W_g + b_g
    for (W1, b1, W2, b2) in ((W1_0, b1_0, W2_0, b2_0), (W1_1, b1_1, W2_1, b2_1)):
        layer_skip = h
        h = jax.nn.silu(h @ W1 + b1)
        h = h @ W2 + b2
        h = h + layer_skip
    h = h + global_skip
    return h

if __name__ == "__main__":
    import jax
    _d = setup_inputs()
    print(jax.jit(kernel)(*tuple(_d.values())))

</pallas_src>

<mosaic_0001>
#map = affine_map<(d0, d1) -> (0, 0)>
#map1 = affine_map<(d0, d1) -> (0)>
#map2 = affine_map<(d0, d1) -> (0, 0, 0)>
module attributes {stable_mosaic.version = 14 : i64} {
  func.func @_sc_body(%arg0: i32, %arg1: i32, %arg2: memref<20000x128xf32, #tpu.memory_space<hbm>>, %arg3: memref<323584xi32, #tpu.memory_space<hbm>>, %arg4: memref<944x128xf32, #tpu.memory_space<hbm>>, %arg5: memref<2x30208x128xf32, #tpu.memory_space<hbm>>, %arg6: memref<2x64xi32, #tpu.memory_space<vmem>>, %arg7: memref<2x32xi32, #tpu.memory_space<vmem>>, %arg8: memref<2x32xi32, #tpu.memory_space<vmem>>, %arg9: memref<2x32x128xf32, #tpu.memory_space<vmem>>, %arg10: memref<15112x128xf32, #tpu.memory_space<vmem_shared>>, %arg11: memref<!tpu.dma_semaphore, #tpu.memory_space<semaphore_mem>>, %arg12: memref<!tpu.dma_semaphore, #tpu.memory_space<semaphore_mem>>, %arg13: memref<!tpu.dma_semaphore, #tpu.memory_space<semaphore_mem>>, %arg14: memref<!tpu.dma_semaphore, #tpu.memory_space<semaphore_mem>>, %arg15: memref<!tpu.dma_semaphore, #tpu.memory_space<semaphore_mem>>) attributes {dimension_semantics = [#tpu.dimension_semantics<core_parallel>, #tpu.dimension_semantics<subcore_parallel>], iteration_bounds = array<i64: 2, 16>, scalar_prefetch = 0 : i64, scratch_operands = 10 : i64, tpu.core_type = #tpu.core_type<sc_vector_subcore>, window_params = [{transform_indices = #map}, {transform_indices = #map1}, {transform_indices = #map}, {transform_indices = #map2}]} {
    %mul3A = arith.constant 944 : i32
    %mul3A_0 = arith.muli %arg1, %mul3A : i32
    "tpu.region"() ({
      %run_scoped3A = tpu.sem_alloc : memref<!tpu.dma_semaphore, #tpu.memory_space<semaphore_mem>>
      %dma_start3A_345 = arith.constant 0 : i32
      %dma_start3A_346 = tpu.memref_slice %arg10[%mul3A_0, %dma_start3A_345] : memref<15112x128xf32, #tpu.memory_space<vmem_shared>> -> memref<944x128xf32, #tpu.memory_space<vmem_shared>>
      %dma_start3A_347 = arith.constant 0 : i32
      %dma_start3A_348 = arith.constant 0 : i32
      %dma_start3A_349 = tpu.memref_slice %arg4[%dma_start3A_347, %dma_start3A_348] : memref<944x128xf32, #tpu.memory_space<hbm>> -> memref<944x128xf32, #tpu.memory_space<hbm>>
      tpu.enqueue_dma source(%dma_start3A_349 : memref<944x128xf32, #tpu.memory_space<hbm>>) target(%dma_start3A_346 : memref<944x128xf32, #tpu.memory_space<vmem_shared>>) target_semaphore(%run_scoped3A : memref<!tpu.dma_semaphore, #tpu.memory_space<semaphore_mem>>)
      %dma_wait3A_350 = arith.constant 0 : i32
      %dma_wait3A_351 = tpu.memref_slice %arg10[%mul3A_0, %dma_wait3A_350] : memref<15112x128xf32, #tpu.memory_space<vmem_shared>> -> memref<944x128xf32, #tpu.memory_space<vmem_shared>>
      %dma_wait3A_352 = arith.constant 0 : i32
      %dma_wait3A_353 = arith.constant 0 : i32
      %dma_wait3A_354 = tpu.memref_slice %arg4[%dma_wait3A_352, %dma_wait3A_353] : memref<944x128xf32, #tpu.memory_space<hbm>> -> memref<944x128xf32, #tpu.memory_space<hbm>>
      tpu.wait_dma2 semaphore(%run_scoped3A : memref<!tpu.dma_semaphore, #tpu.memory_space<semaphore_mem>>) src(%dma_wait3A_354 : memref<944x128xf32, #tpu.memory_space<hbm>>) dst(%dma_wait3A_351 : memref<944x128xf32, #tpu.memory_space<vmem_shared>>)
      tpu.yield
    }) : () -> ()
    %barrier3A = arith.constant 0 : index
    tpu.barrier barrier_id(%barrier3A)
    %mul3A_1 = arith.constant 316 : i32
    %mul3A_2 = arith.muli %arg1, %mul3A_1 : i32
    %add3A = arith.constant 0 : i32
    %add3A_3 = arith.addi %mul3A_2, %add3A : i32
    %mul3A_4 = arith.constant 64 : i32
    %mul3A_5 = arith.muli %add3A_3, %mul3A_4 : i32
    %dma_start3A = arith.constant 0 : i32
    %dma_start3A_6 = arith.constant 0 : i32
    %dma_start3A_7 = tpu.memref_slice %arg6[%dma_start3A, %dma_start3A_6] : memref<2x64xi32, #tpu.memory_space<vmem>> -> memref<1x64xi32, #tpu.memory_space<vmem>>
    %dma_start3A_8 = tpu.memref_squeeze %dma_start3A_7 : memref<1x64xi32, #tpu.memory_space<vmem>> -> memref<64xi32, #tpu.memory_space<vmem>>
    %dma_start3A_9 = tpu.memref_slice %arg3[%mul3A_5] : memref<323584xi32, #tpu.memory_space<hbm>> -> memref<64xi32, #tpu.memory_space<hbm>>
    %dma_start3A_10 = arith.constant 0 : i32
    %dma_start3A_11 = tpu.memref_slice %arg6[%dma_start3A, %dma_start3A_10] : memref<2x64xi32, #tpu.memory_space<vmem>> -> memref<1x64xi32, #tpu.memory_space<vmem>>
    %dma_start3A_12 = tpu.memref_squeeze %dma_start3A_11 : memref<1x64xi32, #tpu.memory_space<vmem>> -> memref<64xi32, #tpu.memory_space<vmem>>
    %dma_start3A_13 = tpu.memref_slice %arg3[%mul3A_5] : memref<323584xi32, #tpu.memory_space<hbm>> -> memref<64xi32, #tpu.memory_space<hbm>>
    tpu.enqueue_dma source(%dma_start3A_13 : memref<64xi32, #tpu.memory_space<hbm>>) target(%dma_start3A_12 : memref<64xi32, #tpu.memory_space<vmem>>) target_semaphore(%arg11 : memref<!tpu.dma_semaphore, #tpu.memory_space<semaphore_mem>>)
    %dma_wait3A = arith.constant 0 : i32
    %dma_wait3A_14 = arith.constant 0 : i32
    %dma_wait3A_15 = tpu.memref_slice %arg6[%dma_wait3A, %dma_wait3A_14] : memref<2x64xi32, #tpu.memory_space<vmem>> -> memref<1x64xi32, #tpu.memory_space<vmem>>
    %dma_wait3A_16 = tpu.memref_squeeze %dma_wait3A_15 : memref<1x64xi32, #tpu.memory_space<vmem>> -> memref<64xi32, #tpu.memory_space<vmem>>
    %dma_wait3A_17 = arith.constant 0 : i32
    %dma_wait3A_18 = tpu.memref_slice %arg3[%dma_wait3A_17] : memref<323584xi32, #tpu.memory_space<hbm>> -> memref<64xi32, #tpu.memory_space<hbm>>
    %dma_wait3A_19 = arith.constant 0 : i32
    %dma_wait3A_20 = tpu.memref_slice %arg6[%dma_wait3A, %dma_wait3A_19] : memref<2x64xi32, #tpu.memory_space<vmem>> -> memref<1x64xi32, #tpu.memory_space<vmem>>
    %dma_wait3A_21 = tpu.memref_squeeze %dma_wait3A_20 : memref<1x64xi32, #tpu.memory_space<vmem>> -> memref<64xi32, #tpu.memory_space<vmem>>
    %dma_wait3A_22 = arith.constant 0 : i32
    %dma_wait3A_23 = tpu.memref_slice %arg3[%dma_wait3A_22] : memref<323584xi32, #tpu.memory_space<hbm>> -> memref<64xi32, #tpu.memory_space<hbm>>
    tpu.wait_dma2 semaphore(%arg11 : memref<!tpu.dma_semaphore, #tpu.memory_space<semaphore_mem>>) src(%dma_wait3A_23 : memref<64xi32, #tpu.memory_space<hbm>>) dst(%dma_wait3A_21 : memref<64xi32, #tpu.memory_space<vmem>>)
    %get3A = arith.constant 0 : i32
    %get3A_24 = arith.index_cast %get3A : i32 to index
    %get3A_25 = arith.constant 0 : index
    %get3A_26 = tpu.vector_load %arg6[%get3A_24, %get3A_25] {strides = array<i32>} : memref<2x64xi32, #tpu.memory_space<vmem>>, vector<1x16xi32>,
    %get3A_27 = vector.shape_cast %get3A_26 : vector<1x16xi32> to vector<16xi32>
    %get3A_28 = arith.constant 0 : i32
    %get3A_29 = arith.index_cast %get3A_28 : i32 to index
    %get3A_30 = arith.constant 32 : index
    %get3A_31 = tpu.vector_load %arg6[%get3A_29, %get3A_30] {strides = array<i32>} : memref<2x64xi32, #tpu.memory_space<vmem>>, vector<1x16xi32>,
    %get3A_32 = vector.shape_cast %get3A_31 : vector<1x16xi32> to vector<16xi32>
    %ge3A = arith.constant 0 : i32
    %ge3A_33 = vector.broadcast %ge3A : i32 to vector<16xi32>
    %ge3A_34 = arith.cmpi sge, %get3A_27, %ge3A_33 : vector<16xi32>
    %lt3A = arith.constant 15104 : i32
    %lt3A_35 = vector.broadcast %lt3A : i32 to vector<16xi32>
    %lt3A_36 = arith.cmpi slt, %get3A_27, %lt3A_35 : vector<16xi32>
    %and3A = arith.andi %ge3A_34, %lt3A_36 : vector<16xi1>
    %sub3A = arith.constant 0 : i32
    %sub3A_37 = vector.broadcast %sub3A : i32 to vector<16xi32>
    %sub3A_38 = arith.subi %get3A_27, %sub3A_37 : vector<16xi32>
    %broadcast_in_dim3A = arith.constant 15104 : i32
    %broadcast_in_dim3A_39 = vector.broadcast %broadcast_in_dim3A : i32 to vector<16xi32>
    %select_n3A = arith.select %and3A, %sub3A_38, %broadcast_in_dim3A_39 : vector<16xi1>, vector<16xi32>
    %swap3A = arith.constant 0 : i32
    %swap3A_40 = arith.index_cast %swap3A : i32 to index
    %swap3A_41 = arith.constant 0 : index
    %swap3A_42 = tpu.vector_load %arg8[%swap3A_40, %swap3A_41] {strides = array<i32>} : memref<2x32xi32, #tpu.memory_space<vmem>>, vector<1x16xi32>,
    %swap3A_43 = vector.shape_cast %swap3A_42 : vector<1x16xi32> to vector<16xi32>
    %swap3A_44 = vector.shape_cast %select_n3A : vector<16xi32> to vector<1x16xi32>
    tpu.vector_store %arg8[%swap3A_40, %swap3A_41], %swap3A_44 {strides = array<i32>} : memref<2x32xi32, #tpu.memory_space<vmem>>, vector<1x16xi32>,
    %rem3A = arith.constant 10000 : i32
    %rem3A_45 = vector.broadcast %rem3A : i32 to vector<16xi32>
    %rem3A_46 = arith.remsi %get3A_32, %rem3A_45 : vector<16xi32>
    %mul3A_47 = arith.constant 2 : i32
    %mul3A_48 = vector.broadcast %mul3A_47 : i32 to vector<16xi32>
    %mul3A_49 = arith.muli %mul3A_48, %rem3A_46 : vector<16xi32>
    %add3A_50 = vector.broadcast %arg0 : i32 to vector<16xi32>
    %add3A_51 = arith.addi %mul3A_49, %add3A_50 : vector<16xi32>
    %swap3A_52 = arith.constant 0 : i32
    %swap3A_53 = arith.index_cast %swap3A_52 : i32 to index
    %swap3A_54 = arith.constant 0 : index
    %swap3A_55 = tpu.vector_load %arg7[%swap3A_53, %swap3A_54] {strides = array<i32>} : memref<2x32xi32, #tpu.memory_space<vmem>>, vector<1x16xi32>,
    %swap3A_56 = vector.shape_cast %swap3A_55 : vector<1x16xi32> to vector<16xi32>
    %swap3A_57 = vector.shape_cast %add3A_51 : vector<16xi32> to vector<1x16xi32>
    tpu.vector_store %arg7[%swap3A_53, %swap3A_54], %swap3A_57 {strides = array<i32>} : memref<2x32xi32, #tpu.memory_space<vmem>>, vector<1x16xi32>,
    %get3A_58 = arith.constant 0 : i32
    %get3A_59 = arith.index_cast %get3A_58 : i32 to index
    %get3A_60 = arith.constant 16 : index
    %get3A_61 = tpu.vector_load %arg6[%get3A_59, %get3A_60] {strides = array<i32>} : memref<2x64xi32, #tpu.memory_space<vmem>>, vector<1x16xi32>,
    %get3A_62 = vector.shape_cast %get3A_61 : vector<1x16xi32> to vector<16xi32>
    %get3A_63 = arith.constant 0 : i32
    %get3A_64 = arith.index_cast %get3A_63 : i32 to index
    %get3A_65 = arith.constant 48 : index
    %get3A_66 = tpu.vector_load %arg6[%get3A_64, %get3A_65] {strides = array<i32>} : memref<2x64xi32, #tpu.memory_space<vmem>>, vector<1x16xi32>,
    %get3A_67 = vector.shape_cast %get3A_66 : vector<1x16xi32> to vector<16xi32>
    %ge3A_68 = arith.constant 0 : i32
    %ge3A_69 = vector.broadcast %ge3A_68 : i32 to vector<16xi32>
    %ge3A_70 = arith.cmpi sge, %get3A_62, %ge3A_69 : vector<16xi32>
    %lt3A_71 = arith.constant 15104 : i32
    %lt3A_72 = vector.broadcast %lt3A_71 : i32 to vector<16xi32>
    %lt3A_73 = arith.cmpi slt, %get3A_62, %lt3A_72 : vector<16xi32>
    %and3A_74 = arith.andi %ge3A_70, %lt3A_73 : vector<16xi1>
    %sub3A_75 = arith.constant 0 : i32
    %sub3A_76 = vector.broadcast %sub3A_75 : i32 to vector<16xi32>
    %sub3A_77 = arith.subi %get3A_62, %sub3A_76 : vector<16xi32>
    %broadcast_in_dim3A_78 = arith.constant 15104 : i32
    %broadcast_in_dim3A_79 = vector.broadcast %broadcast_in_dim3A_78 : i32 to vector<16xi32>
    %select_n3A_80 = arith.select %and3A_74, %sub3A_77, %broadcast_in_dim3A_79 : vector<16xi1>, vector<16xi32>
    %swap3A_81 = arith.constant 0 : i32
    %swap3A_82 = arith.index_cast %swap3A_81 : i32 to index
    %swap3A_83 = arith.constant 16 : index
    %swap3A_84 = tpu.vector_load %arg8[%swap3A_82, %swap3A_83] {strides = array<i32>} : memref<2x32xi32, #tpu.memory_space<vmem>>, vector<1x16xi32>,
    %swap3A_85 = vector.shape_cast %swap3A_84 : vector<1x16xi32> to vector<16xi32>
    %swap3A_86 = vector.shape_cast %select_n3A_80 : vector<16xi32> to vector<1x16xi32>
    tpu.vector_store %arg8[%swap3A_82, %swap3A_83], %swap3A_86 {strides = array<i32>} : memref<2x32xi32, #tpu.memory_space<vmem>>, vector<1x16xi32>,
    %rem3A_87 = arith.constant 10000 : i32
    %rem3A_88 = vector.broadcast %rem3A_87 : i32 to vector<16xi32>
    %rem3A_89 = arith.remsi %get3A_67, %rem3A_88 : vector<16xi32>
    %mul3A_90 = arith.constant 2 : i32
    %mul3A_91 = vector.broadcast %mul3A_90 : i32 to vector<16xi32>
    %mul3A_92 = arith.muli %mul3A_91, %rem3A_89 : vector<16xi32>
    %add3A_93 = vector.broadcast %arg0 : i32 to vector<16xi32>
    %add3A_94 = arith.addi %mul3A_92, %add3A_93 : vector<16xi32>
    %swap3A_95 = arith.constant 0 : i32
    %swap3A_96 = arith.index_cast %swap3A_95 : i32 to index
    %swap3A_97 = arith.constant 16 : index
    %swap3A_98 = tpu.vector_load %arg7[%swap3A_96, %swap3A_97] {strides = array<i32>} : memref<2x32xi32, #tpu.memory_space<vmem>>, vector<1x16xi32>,
    %swap3A_99 = vector.shape_cast %swap3A_98 : vector<1x16xi32> to vector<16xi32>
    %swap3A_100 = vector.shape_cast %add3A_94 : vector<16xi32> to vector<1x16xi32>
    tpu.vector_store %arg7[%swap3A_96, %swap3A_97], %swap3A_100 {strides = array<i32>} : memref<2x32xi32, #tpu.memory_space<vmem>>, vector<1x16xi32>,
    %dma_start3A_101 = arith.constant 0 : i32
    %dma_start3A_102 = arith.constant 0 : i32
    %dma_start3A_103 = arith.constant 0 : i32
    %dma_start3A_104 = arith.constant 0 : i32
    %dma_start3A_105 = tpu.memref_slice %arg9[%dma_start3A_102, %dma_start3A_103, %dma_start3A_104] : memref<2x32x128xf32, #tpu.memory_space<vmem>> -> memref<1x32x128xf32, #tpu.memory_space<vmem>>
    %dma_start3A_106 = tpu.memref_squeeze %dma_start3A_105 : memref<1x32x128xf32, #tpu.memory_space<vmem>> -> memref<32x128xf32, #tpu.memory_space<vmem>>
    %dma_start3A_107 = arith.constant 0 : i32
    %dma_start3A_108 = tpu.memref_slice %arg7[%dma_start3A_101, %dma_start3A_107] : memref<2x32xi32, #tpu.memory_space<vmem>> -> memref<1x32xi32, #tpu.memory_space<vmem>>
    %dma_start3A_109 = tpu.memref_squeeze %dma_start3A_108 : memref<1x32xi32, #tpu.memory_space<vmem>> -> memref<32xi32, #tpu.memory_space<vmem>>
    %dma_start3A_110 = arith.constant 0 : i32
    %dma_start3A_111 = arith.constant 0 : i32
    %dma_start3A_112 = tpu.memref_slice %arg2[%dma_start3A_110, %dma_start3A_111] : memref<20000x128xf32, #tpu.memory_space<hbm>> -> memref<20000x128xf32, #tpu.memory_space<hbm>>
    tpu.enqueue_indirect_dma source(%dma_start3A_112 : memref<20000x128xf32, #tpu.memory_space<hbm>>) target(%dma_start3A_106 : memref<32x128xf32, #tpu.memory_space<vmem>>) offsets(%dma_start3A_109 : memref<32xi32, #tpu.memory_space<vmem>>) semaphore(%arg12 : memref<!tpu.dma_semaphore, #tpu.memory_space<semaphore_mem>>)
    %mul3A_113 = arith.constant 316 : i32
    %mul3A_114 = arith.muli %arg1, %mul3A_113 : i32
    %add3A_115 = arith.constant 1 : i32
    %add3A_116 = arith.addi %mul3A_114, %add3A_115 : i32
    %mul3A_117 = arith.constant 64 : i32
    %mul3A_118 = arith.muli %add3A_116, %mul3A_117 : i32
    %dma_start3A_119 = arith.constant 1 : i32
    %dma_start3A_120 = arith.constant 0 : i32
    %dma_start3A_121 = tpu.memref_slice %arg6[%dma_start3A_119, %dma_start3A_120] : memref<2x64xi32, #tpu.memory_space<vmem>> -> memref<1x64xi32, #tpu.memory_space<vmem>>
    %dma_start3A_122 = tpu.memref_squeeze %dma_start3A_121 : memref<1x64xi32, #tpu.memory_space<vmem>> -> memref<64xi32, #tpu.memory_space<vmem>>
    %dma_start3A_123 = tpu.memref_slice %arg3[%mul3A_118] : memref<323584xi32, #tpu.memory_space<hbm>> -> memref<64xi32, #tpu.memory_space<hbm>>
    %dma_start3A_124 = arith.constant 0 : i32
    %dma_start3A_125 = tpu.memref_slice %arg6[%dma_start3A_119, %dma_start3A_124] : memref<2x64xi32, #tpu.memory_space<vmem>> -> memref<1x64xi32, #tpu.memory_space<vmem>>
    %dma_start3A_126 = tpu.memref_squeeze %dma_start3A_125 : memref<1x64xi32, #tpu.memory_space<vmem>> -> memref<64xi32, #tpu.memory_space<vmem>>
    %dma_start3A_127 = tpu.memref_slice %arg3[%mul3A_118] : memref<323584xi32, #tpu.memory_space<hbm>> -> memref<64xi32, #tpu.memory_space<hbm>>
    tpu.enqueue_dma source(%dma_start3A_127 : memref<64xi32, #tpu.memory_space<hbm>>) target(%dma_start3A_126 : memref<64xi32, #tpu.memory_space<vmem>>) target_semaphore(%arg11 : memref<!tpu.dma_semaphore, #tpu.memory_space<semaphore_mem>>)
    %scan3A = arith.constant 0 : i32
    %scan3A_128 = arith.constant 0 : i32
    %scan3A_129 = arith.constant 158 : i32
    %scan3A_130 = arith.addi %scan3A_128, %scan3A_129 : i32
    %scan3A_131 = arith.constant 1 : i32
    scf.for %scan3A_345 = %scan3A_128 to %scan3A_130 step %scan3A_131  : i32 {
      %mul3A_346 = arith.constant 2 : i32
      %mul3A_347 = arith.muli %scan3A_345, %mul3A_346 : i32
      %add3A_348 = arith.constant 0 : i32
      %add3A_349 = arith.addi %mul3A_347, %add3A_348 : i32
      %add3A_350 = arith.constant 1 : i32
      %add3A_351 = arith.addi %add3A_349, %add3A_350 : i32
      %lt3A_352 = arith.constant 316 : i32
      %lt3A_353 = arith.cmpi slt, %add3A_351, %lt3A_352 : i32
      %convert_element_type3A = arith.extui %lt3A_353 : i1 to i32
      %cond3A = arith.constant 0 : i32
      %cond3A_354 = arith.cmpi ne, %convert_element_type3A, %cond3A : i32
      scf.if %cond3A_354 {
        %dma_wait3A_414 = arith.constant 1 : i32
        %dma_wait3A_415 = arith.constant 0 : i32
        %dma_wait3A_416 = tpu.memref_slice %arg6[%dma_wait3A_414, %dma_wait3A_415] : memref<2x64xi32, #tpu.memory_space<vmem>> -> memref<1x64xi32, #tpu.memory_space<vmem>>
        %dma_wait3A_417 = tpu.memref_squeeze %dma_wait3A_416 : memref<1x64xi32, #tpu.memory_space<vmem>> -> memref<64xi32, #tpu.memory_space<vmem>>
        %dma_wait3A_418 = arith.constant 0 : i32
        %dma_wait3A_419 = tpu.memref_slice %arg3[%dma_wait3A_418] : memref<323584xi32, #tpu.memory_space<hbm>> -> memref<64xi32, #tpu.memory_space<hbm>>
        %dma_wait3A_420 = arith.constant 0 : i32
        %dma_wait3A_421 = tpu.memref_slice %arg6[%dma_wait3A_414, %dma_wait3A_420] : memref<2x64xi32, #tpu.memory_space<vmem>> -> memref<1x64xi32, #tpu.memory_space<vmem>>
        %dma_wait3A_422 = tpu.memref_squeeze %dma_wait3A_421 : memref<1x64xi32, #tpu.memory_space<vmem>> -> memref<64xi32, #tpu.memory_space<vmem>>
        %dma_wait3A_423 = arith.constant 0 : i32
        %dma_wait3A_424 = tpu.memref_slice %arg3[%dma_wait3A_423] : memref<323584xi32, #tpu.memory_space<hbm>> -> memref<64xi32, #tpu.memory_space<hbm>>
        tpu.wait_dma2 semaphore(%arg11 : memref<!tpu.dma_semaphore, #tpu.memory_space<semaphore_mem>>) src(%dma_wait3A_424 : memref<64xi32, #tpu.memory_space<hbm>>) dst(%dma_wait3A_422 : memref<64xi32, #tpu.memory_space<vmem>>)
        %ge3A_425 = arith.constant 1 : i32
        %ge3A_426 = arith.cmpi sge, %add3A_349, %ge3A_425 : i32
        %convert_element_type3A_427 = arith.extui %ge3A_426 : i1 to i32
        %cond3A_428 = arith.constant 0 : i32
        %cond3A_429 = arith.cmpi ne, %convert_element_type3A_427, %cond3A_428 : i32
        scf.if %cond3A_429 {
          %dma_wait3A_535 = arith.constant 1 : i32
          %dma_wait3A_536 = arith.constant 1 : i32
          %dma_wait3A_537 = arith.constant 0 : i32
          %dma_wait3A_538 = arith.constant 0 : i32
          %dma_wait3A_539 = tpu.memref_slice %arg9[%dma_wait3A_535, %dma_wait3A_537, %dma_wait3A_538] : memref<2x32x128xf32, #tpu.memory_space<vmem>> -> memref<1x32x128xf32, #tpu.memory_space<vmem>>
          %dma_wait3A_540 = tpu.memref_squeeze %dma_wait3A_539 : memref<1x32x128xf32, #tpu.memory_space<vmem>> -> memref<32x128xf32, #tpu.memory_space<vmem>>
          %dma_wait3A_541 = arith.constant 0 : i32
          %dma_wait3A_542 = tpu.memref_slice %arg8[%dma_wait3A_536, %dma_wait3A_541] : memref<2x32xi32, #tpu.memory_space<vmem>> -> memref<1x32xi32, #tpu.memory_space<vmem>>
          %dma_wait3A_543 = tpu.memref_squeeze %dma_wait3A_542 : memref<1x32xi32, #tpu.memory_space<vmem>> -> memref<32xi32, #tpu.memory_space<vmem>>
          %dma_wait3A_544 = arith.constant 0 : i32
          %dma_wait3A_545 = arith.constant 0 : i32
          %dma_wait3A_546 = tpu.memref_slice %arg10[%dma_wait3A_544, %dma_wait3A_545] : memref<15112x128xf32, #tpu.memory_space<vmem_shared>> -> memref<15112x128xf32, #tpu.memory_space<vmem_shared>>
          tpu.wait_indirect_dma semaphore(%arg15 : memref<!tpu.dma_semaphore, #tpu.memory_space<semaphore_mem>>) src(%dma_wait3A_540 : memref<32x128xf32, #tpu.memory_space<vmem>>) dst(%dma_wait3A_546 : memref<15112x128xf32, #tpu.memory_space<vmem_shared>>)
        } else {
        }
        %get3A_430 = arith.constant 1 : i32
        %get3A_431 = arith.index_cast %get3A_430 : i32 to index
        %get3A_432 = arith.constant 0 : index
        %get3A_433 = tpu.vector_load %arg6[%get3A_431, %get3A_432] {strides = array<i32>} : memref<2x64xi32, #tpu.memory_space<vmem>>, vector<1x16xi32>,
        %get3A_434 = vector.shape_cast %get3A_433 : vector<1x16xi32> to vector<16xi32>
        %get3A_435 = arith.constant 1 : i32
        %get3A_436 = arith.index_cast %get3A_435 : i32 to index
        %get3A_437 = arith.constant 32 : index
        %get3A_438 = tpu.vector_load %arg6[%get3A_436, %get3A_437] {strides = array<i32>} : memref<2x64xi32, #tpu.memory_space<vmem>>, vector<1x16xi32>,
        %get3A_439 = vector.shape_cast %get3A_438 : vector<1x16xi32> to vector<16xi32>
        %ge3A_440 = arith.constant 0 : i32
        %ge3A_441 = vector.broadcast %ge3A_440 : i32 to vector<16xi32>
        %ge3A_442 = arith.cmpi sge, %get3A_434, %ge3A_441 : vector<16xi32>
        %lt3A_443 = arith.constant 15104 : i32
        %lt3A_444 = vector.broadcast %lt3A_443 : i32 to vector<16xi32>
        %lt3A_445 = arith.cmpi slt, %get3A_434, %lt3A_444 : vector<16xi32>
        %and3A_446 = arith.andi %ge3A_442, %lt3A_445 : vector<16xi1>
        %sub3A_447 = arith.constant 0 : i32
        %sub3A_448 = vector.broadcast %sub3A_447 : i32 to vector<16xi32>
        %sub3A_449 = arith.subi %get3A_434, %sub3A_448 : vector<16xi32>
        %broadcast_in_dim3A_450 = arith.constant 15104 : i32
        %broadcast_in_dim3A_451 = vector.broadcast %broadcast_in_dim3A_450 : i32 to vector<16xi32>
        %select_n3A_452 = arith.select %and3A_446, %sub3A_449, %broadcast_in_dim3A_451 : vector<16xi1>, vector<16xi32>
        %swap3A_453 = arith.constant 1 : i32
        %swap3A_454 = arith.index_cast %swap3A_453 : i32 to index
        %swap3A_455 = arith.constant 0 : index
        %swap3A_456 = tpu.vector_load %arg8[%swap3A_454, %swap3A_455] {strides = array<i32>} : memref<2x32xi32, #tpu.memory_space<vmem>>, vector<1x16xi32>,
        %swap3A_457 = vector.shape_cast %swap3A_456 : vector<1x16xi32> to vector<16xi32>
        %swap3A_458 = vector.shape_cast %select_n3A_452 : vector<16xi32> to vector<1x16xi32>
        tpu.vector_store %arg8[%swap3A_454, %swap3A_455], %swap3A_458 {strides = array<i32>} : memref<2x32xi32, #tpu.memory_space<vmem>>, vector<1x16xi32>,
        %rem3A_459 = arith.constant 10000 : i32
        %rem3A_460 = vector.broadcast %rem3A_459 : i32 to vector<16xi32>
        %rem3A_461 = arith.remsi %get3A_439, %rem3A_460 : vector<16xi32>
        %mul3A_462 = arith.constant 2 : i32
        %mul3A_463 = vector.broadcast %mul3A_462 : i32 to vector<16xi32>
        %mul3A_464 = arith.muli %mul3A_463, %rem3A_461 : vector<16xi32>
        %add3A_465 = vector.broadcast %arg0 : i32 to vector<16xi32>
        %add3A_466 = arith.addi %mul3A_464, %add3A_465 : vector<16xi32>
        %swap3A_467 = arith.constant 1 : i32
        %swap3A_468 = arith.index_cast %swap3A_467 : i32 to index
        %swap3A_469 = arith.constant 0 : index
        %swap3A_470 = tpu.vector_load %arg7[%swap3A_468, %swap3A_469] {strides = array<i32>} : memref<2x32xi32, #tpu.memory_space<vmem>>, vector<1x16xi32>,
        %swap3A_471 = vector.shape_cast %swap3A_470 : vector<1x16xi32> to vector<16xi32>
        %swap3A_472 = vector.shape_cast %add3A_466 : vector<16xi32> to vector<1x16xi32>
        tpu.vector_store %arg7[%swap3A_468, %swap3A_469], %swap3A_472 {strides = array<i32>} : memref<2x32xi32, #tpu.memory_space<vmem>>, vector<1x16xi32>,
        %get3A_473 = arith.constant 1 : i32
        %get3A_474 = arith.index_cast %get3A_473 : i32 to index
        %get3A_475 = arith.constant 16 : index
        %get3A_476 = tpu.vector_load %arg6[%get3A_474, %get3A_475] {strides = array<i32>} : memref<2x64xi32, #tpu.memory_space<vmem>>, vector<1x16xi32>,
        %get3A_477 = vector.shape_cast %get3A_476 : vector<1x16xi32> to vector<16xi32>
        %get3A_478 = arith.constant 1 : i32
        %get3A_479 = arith.index_cast %get3A_478 : i32 to index
        %get3A_480 = arith.constant 48 : index
        %get3A_481 = tpu.vector_load %arg6[%get3A_479, %get3A_480] {strides = array<i32>} : memref<2x64xi32, #tpu.memory_space<vmem>>, vector<1x16xi32>,
        %get3A_482 = vector.shape_cast %get3A_481 : vector<1x16xi32> to vector<16xi32>
        %ge3A_483 = arith.constant 0 : i32
        %ge3A_484 = vector.broadcast %ge3A_483 : i32 to vector<16xi32>
        %ge3A_485 = arith.cmpi sge, %get3A_477, %ge3A_484 : vector<16xi32>
        %lt3A_486 = arith.constant 15104 : i32
        %lt3A_487 = vector.broadcast %lt3A_486 : i32 to vector<16xi32>
        %lt3A_488 = arith.cmpi slt, %get3A_477, %lt3A_487 : vector<16xi32>
        %and3A_489 = arith.andi %ge3A_485, %lt3A_488 : vector<16xi1>
        %sub3A_490 = arith.constant 0 : i32
        %sub3A_491 = vector.broadcast %sub3A_490 : i32 to vector<16xi32>
        %sub3A_492 = arith.subi %get3A_477, %sub3A_491 : vector<16xi32>
        %broadcast_in_dim3A_493 = arith.constant 15104 : i32
        %broadcast_in_dim3A_494 = vector.broadcast %broadcast_in_dim3A_493 : i32 to vector<16xi32>
        %select_n3A_495 = arith.select %and3A_489, %sub3A_492, %broadcast_in_dim3A_494 : vector<16xi1>, vector<16xi32>
        %swap3A_496 = arith.constant 1 : i32
        %swap3A_497 = arith.index_cast %swap3A_496 : i32 to index
        %swap3A_498 = arith.constant 16 : index
        %swap3A_499 = tpu.vector_load %arg8[%swap3A_497, %swap3A_498] {strides = array<i32>} : memref<2x32xi32, #tpu.memory_space<vmem>>, vector<1x16xi32>,
        %swap3A_500 = vector.shape_cast %swap3A_499 : vector<1x16xi32> to vector<16xi32>
        %swap3A_501 = vector.shape_cast %select_n3A_495 : vector<16xi32> to vector<1x16xi32>
        tpu.vector_store %arg8[%swap3A_497, %swap3A_498], %swap3A_501 {strides = array<i32>} : memref<2x32xi32, #tpu.memory_space<vmem>>, vector<1x16xi32>,
        %rem3A_502 = arith.constant 10000 : i32
        %rem3A_503 = vector.broadcast %rem3A_502 : i32 to vector<16xi32>
        %rem3A_504 = arith.remsi %get3A_482, %rem3A_503 : vector<16xi32>
        %mul3A_505 = arith.constant 2 : i32
        %mul3A_506 = vector.broadcast %mul3A_505 : i32 to vector<16xi32>
        %mul3A_507 = arith.muli %mul3A_506, %rem3A_504 : vector<16xi32>
        %add3A_508 = vector.broadcast %arg0 : i32 to vector<16xi32>
        %add3A_509 = arith.addi %mul3A_507, %add3A_508 : vector<16xi32>
        %swap3A_510 = arith.constant 1 : i32
        %swap3A_511 = arith.index_cast %swap3A_510 : i32 to index
        %swap3A_512 = arith.constant 16 : index
        %swap3A_513 = tpu.vector_load %arg7[%swap3A_511, %swap3A_512] {strides = array<i32>} : memref<2x32xi32, #tpu.memory_space<vmem>>, vector<1x16xi32>,
        %swap3A_514 = vector.shape_cast %swap3A_513 : vector<1x16xi32> to vector<16xi32>
        %swap3A_515 = vector.shape_cast %add3A_509 : vector<16xi32> to vector<1x16xi32>
        tpu.vector_store %arg7[%swap3A_511, %swap3A_512], %swap3A_515 {strides = array<i32>} : memref<2x32xi32, #tpu.memory_space<vmem>>, vector<1x16xi32>,
        %dma_start3A_516 = arith.constant 1 : i32
        %dma_start3A_517 = arith.constant 1 : i32
        %dma_start3A_518 = arith.constant 0 : i32
        %dma_start3A_519 = arith.constant 0 : i32
        %dma_start3A_520 = tpu.memref_slice %arg9[%dma_start3A_517, %dma_start3A_518, %dma_start3A_519] : memref<2x32x128xf32, #tpu.memory_space<vmem>> -> memref<1x32x128xf32, #tpu.memory_space<vmem>>
        %dma_start3A_521 = tpu.memref_squeeze %dma_start3A_520 : memref<1x32x128xf32, #tpu.memory_space<vmem>> -> memref<32x128xf32, #tpu.memory_space<vmem>>
        %dma_start3A_522 = arith.constant 0 : i32
        %dma_start3A_523 = tpu.memref_slice %arg7[%dma_start3A_516, %dma_start3A_522] : memref<2x32xi32, #tpu.memory_space<vmem>> -> memref<1x32xi32, #tpu.memory_space<vmem>>
        %dma_start3A_524 = tpu.memref_squeeze %dma_start3A_523 : memref<1x32xi32, #tpu.memory_space<vmem>> -> memref<32xi32, #tpu.memory_space<vmem>>
        %dma_start3A_525 = arith.constant 0 : i32
        %dma_start3A_526 = arith.constant 0 : i32
        %dma_start3A_527 = tpu.memref_slice %arg2[%dma_start3A_525, %dma_start3A_526] : memref<20000x128xf32, #tpu.memory_space<hbm>> -> memref<20000x128xf32, #tpu.memory_space<hbm>>
        tpu.enqueue_indirect_dma source(%dma_start3A_527 : memref<20000x128xf32, #tpu.memory_space<hbm>>) target(%dma_start3A_521 : memref<32x128xf32, #tpu.memory_space<vmem>>) offsets(%dma_start3A_524 : memref<32xi32, #tpu.memory_space<vmem>>) semaphore(%arg13 : memref<!tpu.dma_semaphore, #tpu.memory_space<semaphore_mem>>)
        %add3A_528 = arith.constant 2 : i32
        %add3A_529 = arith.addi %add3A_349, %add3A_528 : i32
        %lt3A_530 = arith.constant 316 : i32
        %lt3A_531 = arith.cmpi slt, %add3A_529, %lt3A_530 : i32
        %convert_element_type3A_532 = arith.extui %lt3A_531 : i1 to i32
        %cond3A_533 = arith.constant 0 : i32
        %cond3A_534 = arith.cmpi ne, %convert_element_type3A_532, %cond3A_533 : i32
        scf.if %cond3A_534 {
          %add3A_535 = arith.constant 2 : i32
          %add3A_536 = arith.addi %add3A_349, %add3A_535 : i32
          %mul3A_537 = arith.constant 316 : i32
          %mul3A_538 = arith.muli %arg1, %mul3A_537 : i32
          %add3A_539 = arith.addi %mul3A_538, %add3A_536 : i32
          %mul3A_540 = arith.constant 64 : i32
          %mul3A_541 = arith.muli %add3A_539, %mul3A_540 : i32
          %dma_start3A_542 = arith.constant 0 : i32
          %dma_start3A_543 = arith.constant 0 : i32
          %dma_start3A_544 = tpu.memref_slice %arg6[%dma_start3A_542, %dma_start3A_543] : memref<2x64xi32, #tpu.memory_space<vmem>> -> memref<1x64xi32, #tpu.memory_space<vmem>>
          %dma_start3A_545 = tpu.memref_squeeze %dma_start3A_544 : memref<1x64xi32, #tpu.memory_space<vmem>> -> memref<64xi32, #tpu.memory_space<vmem>>
          %dma_start3A_546 = tpu.memref_slice %arg3[%mul3A_541] : memref<323584xi32, #tpu.memory_space<hbm>> -> memref<64xi32, #tpu.memory_space<hbm>>
          %dma_start3A_547 = arith.constant 0 : i32
          %dma_start3A_548 = tpu.memref_slice %arg6[%dma_start3A_542, %dma_start3A_547] : memref<2x64xi32, #tpu.memory_space<vmem>> -> memref<1x64xi32, #tpu.memory_space<vmem>>
          %dma_start3A_549 = tpu.memref_squeeze %dma_start3A_548 : memref<1x64xi32, #tpu.memory_space<vmem>> -> memref<64xi32, #tpu.memory_space<vmem>>
          %dma_start3A_550 = tpu.memref_slice %arg3[%mul3A_541] : memref<323584xi32, #tpu.memory_space<hbm>> -> memref<64xi32, #tpu.memory_space<hbm>>
          tpu.enqueue_dma source(%dma_start3A_550 : memref<64xi32, #tpu.memory_space<hbm>>) target(%dma_start3A_549 : memref<64xi32, #tpu.memory_space<vmem>>) target_semaphore(%arg11 : memref<!tpu.dma_semaphore, #tpu.memory_space<semaphore_mem>>)
        } else {
        }
      } else {
      }
      %dma_wait3A_355 = arith.constant 0 : i32
      %dma_wait3A_356 = arith.constant 0 : i32
      %dma_wait3A_357 = arith.constant 0 : i32
      %dma_wait3A_358 = arith.constant 0 : i32
      %dma_wait3A_359 = tpu.memref_slice %arg9[%dma_wait3A_356, %dma_wait3A_357, %dma_wait3A_358] : memref<2x32x128xf32, #tpu.memory_space<vmem>> -> memref<1x32x128xf32, #tpu.memory_space<vmem>>
      %dma_wait3A_360 = tpu.memref_squeeze %dma_wait3A_359 : memref<1x32x128xf32, #tpu.memory_space<vmem>> -> memref<32x128xf32, #tpu.memory_space<vmem>>
      %dma_wait3A_361 = arith.constant 0 : i32
      %dma_wait3A_362 = tpu.memref_slice %arg7[%dma_wait3A_355, %dma_wait3A_361] : memref<2x32xi32, #tpu.memory_space<vmem>> -> memref<1x32xi32, #tpu.memory_space<vmem>>
      %dma_wait3A_363 = tpu.memref_squeeze %dma_wait3A_362 : memref<1x32xi32, #tpu.memory_space<vmem>> -> memref<32xi32, #tpu.memory_space<vmem>>
      %dma_wait3A_364 = arith.constant 0 : i32
      %dma_wait3A_365 = arith.constant 0 : i32
      %dma_wait3A_366 = tpu.memref_slice %arg2[%dma_wait3A_364, %dma_wait3A_365] : memref<20000x128xf32, #tpu.memory_space<hbm>> -> memref<20000x128xf32, #tpu.memory_space<hbm>>
      tpu.wait_indirect_dma semaphore(%arg12 : memref<!tpu.dma_semaphore, #tpu.memory_space<semaphore_mem>>) src(%dma_wait3A_366 : memref<20000x128xf32, #tpu.memory_space<hbm>>) dst(%dma_wait3A_360 : memref<32x128xf32, #tpu.memory_space<vmem>>)
      %dma_start3A_367 = arith.constant 0 : i32
      %dma_start3A_368 = arith.constant 0 : i32
      %dma_start3A_369 = arith.constant 0 : i32
      %dma_start3A_370 = arith.constant 0 : i32
      %dma_start3A_371 = tpu.memref_slice %arg9[%dma_start3A_367, %dma_start3A_369, %dma_start3A_370] : memref<2x32x128xf32, #tpu.memory_space<vmem>> -> memref<1x32x128xf32, #tpu.memory_space<vmem>>
      %dma_start3A_372 = tpu.memref_squeeze %dma_start3A_371 : memref<1x32x128xf32, #tpu.memory_space<vmem>> -> memref<32x128xf32, #tpu.memory_space<vmem>>
      %dma_start3A_373 = arith.constant 0 : i32
      %dma_start3A_374 = tpu.memref_slice %arg8[%dma_start3A_368, %dma_start3A_373] : memref<2x32xi32, #tpu.memory_space<vmem>> -> memref<1x32xi32, #tpu.memory_space<vmem>>
      %dma_start3A_375 = tpu.memref_squeeze %dma_start3A_374 : memref<1x32xi32, #tpu.memory_space<vmem>> -> memref<32xi32, #tpu.memory_space<vmem>>
      %dma_start3A_376 = arith.constant 0 : i32
      %dma_start3A_377 = arith.constant 0 : i32
      %dma_start3A_378 = tpu.memref_slice %arg10[%dma_start3A_376, %dma_start3A_377] : memref<15112x128xf32, #tpu.memory_space<vmem_shared>> -> memref<15112x128xf32, #tpu.memory_space<vmem_shared>>
      tpu.enqueue_indirect_dma source(%dma_start3A_372 : memref<32x128xf32, #tpu.memory_space<vmem>>) target(%dma_start3A_378 : memref<15112x128xf32, #tpu.memory_space<vmem_shared>>) offsets(%dma_start3A_375 : memref<32xi32, #tpu.memory_space<vmem>>) semaphore(%arg14 : memref<!tpu.dma_semaphore, #tpu.memory_space<semaphore_mem>>) {add = true}
      %mul3A_379 = arith.constant 2 : i32
      %mul3A_380 = arith.muli %scan3A_345, %mul3A_379 : i32
      %add3A_381 = arith.constant 1 : i32
      %add3A_382 = arith.addi %mul3A_380, %add3A_381 : i32
      %add3A_383 = arith.constant 1 : i32
      %add3A_384 = arith.addi %add3A_382, %add3A_383 : i32
      %lt3A_385 = arith.constant 316 : i32
      %lt3A_386 = arith.cmpi slt, %add3A_384, %lt3A_385 : i32
      %convert_element_type3A_387 = arith.extui %lt3A_386 : i1 to i32
      %cond3A_388 = arith.constant 0 : i32
      %cond3A_389 = arith.cmpi ne, %convert_element_type3A_387, %cond3A_388 : i32
      scf.if %cond3A_389 {
        %dma_wait3A_414 = arith.constant 0 : i32
        %dma_wait3A_415 = arith.constant 0 : i32
        %dma_wait3A_416 = tpu.memref_slice %arg6[%dma_wait3A_414, %dma_wait3A_415] : memref<2x64xi32, #tpu.memory_space<vmem>> -> memref<1x64xi32, #tpu.memory_space<vmem>>
        %dma_wait3A_417 = tpu.memref_squeeze %dma_wait3A_416 : memref<1x64xi32, #tpu.memory_space<vmem>> -> memref<64xi32, #tpu.memory_space<vmem>>
        %dma_wait3A_418 = arith.constant 0 : i32
        %dma_wait3A_419 = tpu.memref_slice %arg3[%dma_wait3A_418] : memref<323584xi32, #tpu.memory_space<hbm>> -> memref<64xi32, #tpu.memory_space<hbm>>
        %dma_wait3A_420 = arith.constant 0 : i32
        %dma_wait3A_421 = tpu.memref_slice %arg6[%dma_wait3A_414, %dma_wait3A_420] : memref<2x64xi32, #tpu.memory_space<vmem>> -> memref<1x64xi32, #tpu.memory_space<vmem>>
        %dma_wait3A_422 = tpu.memref_squeeze %dma_wait3A_421 : memref<1x64xi32, #tpu.memory_space<vmem>> -> memref<64xi32, #tpu.memory_space<vmem>>
        %dma_wait3A_423 = arith.constant 0 : i32
        %dma_wait3A_424 = tpu.memref_slice %arg3[%dma_wait3A_423] : memref<323584xi32, #tpu.memory_space<hbm>> -> memref<64xi32, #tpu.memory_space<hbm>>
        tpu.wait_dma2 semaphore(%arg11 : memref<!tpu.dma_semaphore, #tpu.memory_space<semaphore_mem>>) src(%dma_wait3A_424 : memref<64xi32, #tpu.memory_space<hbm>>) dst(%dma_wait3A_422 : memref<64xi32, #tpu.memory_space<vmem>>)
        %ge3A_425 = arith.constant 1 : i32
        %ge3A_426 = arith.cmpi sge, %add3A_382, %ge3A_425 : i32
        %convert_element_type3A_427 = arith.extui %ge3A_426 : i1 to i32
        %cond3A_428 = arith.constant 0 : i32
        %cond3A_429 = arith.cmpi ne, %convert_element_type3A_427, %cond3A_428 : i32
        scf.if %cond3A_429 {
          %dma_wait3A_535 = arith.constant 0 : i32
          %dma_wait3A_536 = arith.constant 0 : i32
          %dma_wait3A_537 = arith.constant 0 : i32
          %dma_wait3A_538 = arith.constant 0 : i32
          %dma_wait3A_539 = tpu.memref_slice %arg9[%dma_wait3A_535, %dma_wait3A_537, %dma_wait3A_538] : memref<2x32x128xf32, #tpu.memory_space<vmem>> -> memref<1x32x128xf32, #tpu.memory_space<vmem>>
          %dma_wait3A_540 = tpu.memref_squeeze %dma_wait3A_539 : memref<1x32x128xf32, #tpu.memory_space<vmem>> -> memref<32x128xf32, #tpu.memory_space<vmem>>
          %dma_wait3A_541 = arith.constant 0 : i32
          %dma_wait3A_542 = tpu.memref_slice %arg8[%dma_wait3A_536, %dma_wait3A_541] : memref<2x32xi32, #tpu.memory_space<vmem>> -> memref<1x32xi32, #tpu.memory_space<vmem>>
          %dma_wait3A_543 = tpu.memref_squeeze %dma_wait3A_542 : memref<1x32xi32, #tpu.memory_space<vmem>> -> memref<32xi32, #tpu.memory_space<vmem>>
          %dma_wait3A_544 = arith.constant 0 : i32
          %dma_wait3A_545 = arith.constant 0 : i32
          %dma_wait3A_546 = tpu.memref_slice %arg10[%dma_wait3A_544, %dma_wait3A_545] : memref<15112x128xf32, #tpu.memory_space<vmem_shared>> -> memref<15112x128xf32, #tpu.memory_space<vmem_shared>>
          tpu.wait_indirect_dma semaphore(%arg14 : memref<!tpu.dma_semaphore, #tpu.memory_space<semaphore_mem>>) src(%dma_wait3A_540 : memref<32x128xf32, #tpu.memory_space<vmem>>) dst(%dma_wait3A_546 : memref<15112x128xf32, #tpu.memory_space<vmem_shared>>)
        } else {
        }
        %get3A_430 = arith.constant 0 : i32
        %get3A_431 = arith.index_cast %get3A_430 : i32 to index
        %get3A_432 = arith.constant 0 : index
        %get3A_433 = tpu.vector_load %arg6[%get3A_431, %get3A_432] {strides = array<i32>} : memref<2x64xi32, #tpu.memory_space<vmem>>, vector<1x16xi32>,
        %get3A_434 = vector.shape_cast %get3A_433 : vector<1x16xi32> to vector<16xi32>
        %get3A_435 = arith.constant 0 : i32
        %get3A_436 = arith.index_cast %get3A_435 : i32 to index
        %get3A_437 = arith.constant 32 : index
        %get3A_438 = tpu.vector_load %arg6[%get3A_436, %get3A_437] {strides = array<i32>} : memref<2x64xi32, #tpu.memory_space<vmem>>, vector<1x16xi32>,
        %get3A_439 = vector.shape_cast %get3A_438 : vector<1x16xi32> to vector<16xi32>
        %ge3A_440 = arith.constant 0 : i32
        %ge3A_441 = vector.broadcast %ge3A_440 : i32 to vector<16xi32>
        %ge3A_442 = arith.cmpi sge, %get3A_434, %ge3A_441 : vector<16xi32>
        %lt3A_443 = arith.constant 15104 : i32
        %lt3A_444 = vector.broadcast %lt3A_443 : i32 to vector<16xi32>
        %lt3A_445 = arith.cmpi slt, %get3A_434, %lt3A_444 : vector<16xi32>
        %and3A_446 = arith.andi %ge3A_442, %lt3A_445 : vector<16xi1>
        %sub3A_447 = arith.constant 0 : i32
        %sub3A_448 = vector.broadcast %sub3A_447 : i32 to vector<16xi32>
        %sub3A_449 = arith.subi %get3A_434, %sub3A_448 : vector<16xi32>
        %broadcast_in_dim3A_450 = arith.constant 15104 : i32
        %broadcast_in_dim3A_451 = vector.broadcast %broadcast_in_dim3A_450 : i32 to vector<16xi32>
        %select_n3A_452 = arith.select %and3A_446, %sub3A_449, %broadcast_in_dim3A_451 : vector<16xi1>, vector<16xi32>
        %swap3A_453 = arith.constant 0 : i32
        %swap3A_454 = arith.index_cast %swap3A_453 : i32 to index
        %swap3A_455 = arith.constant 0 : index
        %swap3A_456 = tpu.vector_load %arg8[%swap3A_454, %swap3A_455] {strides = array<i32>} : memref<2x32xi32, #tpu.memory_space<vmem>>, vector<1x16xi32>,
        %swap3A_457 = vector.shape_cast %swap3A_456 : vector<1x16xi32> to vector<16xi32>
        %swap3A_458 = vector.shape_cast %select_n3A_452 : vector<16xi32> to vector<1x16xi32>
        tpu.vector_store %arg8[%swap3A_454, %swap3A_455], %swap3A_458 {strides = array<i32>} : memref<2x32xi32, #tpu.memory_space<vmem>>, vector<1x16xi32>,
        %rem3A_459 = arith.constant 10000 : i32
        %rem3A_460 = vector.broadcast %rem3A_459 : i32 to vector<16xi32>
        %rem3A_461 = arith.remsi %get3A_439, %rem3A_460 : vector<16xi32>
        %mul3A_462 = arith.constant 2 : i32
        %mul3A_463 = vector.broadcast %mul3A_462 : i32 to vector<16xi32>
        %mul3A_464 = arith.muli %mul3A_463, %rem3A_461 : vector<16xi32>
        %add3A_465 = vector.broadcast %arg0 : i32 to vector<16xi32>
        %add3A_466 = arith.addi %mul3A_464, %add3A_465 : vector<16xi32>
        %swap3A_467 = arith.constant 0 : i32
        %swap3A_468 = arith.index_cast %swap3A_467 : i32 to index
        %swap3A_469 = arith.constant 0 : index
        %swap3A_470 = tpu.vector_load %arg7[%swap3A_468, %swap3A_469] {strides = array<i32>} : memref<2x32xi32, #tpu.memory_space<vmem>>, vector<1x16xi32>,
        %swap3A_471 = vector.shape_cast %swap3A_470 : vector<1x16xi32> to vector<16xi32>
        %swap3A_472 = vector.shape_cast %add3A_466 : vector<16xi32> to vector<1x16xi32>
        tpu.vector_store %arg7[%swap3A_468, %swap3A_469], %swap3A_472 {strides = array<i32>} : memref<2x32xi32, #tpu.memory_space<vmem>>, vector<1x16xi32>,
        %get3A_473 = arith.constant 0 : i32
        %get3A_474 = arith.index_cast %get3A_473 : i32 to index
        %get3A_475 = arith.constant 16 : index
        %get3A_476 = tpu.vector_load %arg6[%get3A_474, %get3A_475] {strides = array<i32>} : memref<2x64xi32, #tpu.memory_space<vmem>>, vector<1x16xi32>,
        %get3A_477 = vector.shape_cast %get3A_476 : vector<1x16xi32> to vector<16xi32>
        %get3A_478 = arith.constant 0 : i32
        %get3A_479 = arith.index_cast %get3A_478 : i32 to index
        %get3A_480 = arith.constant 48 : index
        %get3A_481 = tpu.vector_load %arg6[%get3A_479, %get3A_480] {strides = array<i32>} : memref<2x64xi32, #tpu.memory_space<vmem>>, vector<1x16xi32>,
        %get3A_482 = vector.shape_cast %get3A_481 : vector<1x16xi32> to vector<16xi32>
        %ge3A_483 = arith.constant 0 : i32
        %ge3A_484 = vector.broadcast %ge3A_483 : i32 to vector<16xi32>
        %ge3A_485 = arith.cmpi sge, %get3A_477, %ge3A_484 : vector<16xi32>
        %lt3A_486 = arith.constant 15104 : i32
        %lt3A_487 = vector.broadcast %lt3A_486 : i32 to vector<16xi32>
        %lt3A_488 = arith.cmpi slt, %get3A_477, %lt3A_487 : vector<16xi32>
        %and3A_489 = arith.andi %ge3A_485, %lt3A_488 : vector<16xi1>
        %sub3A_490 = arith.constant 0 : i32
        %sub3A_491 = vector.broadcast %sub3A_490 : i32 to vector<16xi32>
        %sub3A_492 = arith.subi %get3A_477, %sub3A_491 : vector<16xi32>
        %broadcast_in_dim3A_493 = arith.constant 15104 : i32
        %broadcast_in_dim3A_494 = vector.broadcast %broadcast_in_dim3A_493 : i32 to vector<16xi32>
        %select_n3A_495 = arith.select %and3A_489, %sub3A_492, %broadcast_in_dim3A_494 : vector<16xi1>, vector<16xi32>
        %swap3A_496 = arith.constant 0 : i32
        %swap3A_497 = arith.index_cast %swap3A_496 : i32 to index
        %swap3A_498 = arith.constant 16 : index
        %swap3A_499 = tpu.vector_load %arg8[%swap3A_497, %swap3A_498] {strides = array<i32>} : memref<2x32xi32, #tpu.memory_space<vmem>>, vector<1x16xi32>,
        %swap3A_500 = vector.shape_cast %swap3A_499 : vector<1x16xi32> to vector<16xi32>
        %swap3A_501 = vector.shape_cast %select_n3A_495 : vector<16xi32> to vector<1x16xi32>
        tpu.vector_store %arg8[%swap3A_497, %swap3A_498], %swap3A_501 {strides = array<i32>} : memref<2x32xi32, #tpu.memory_space<vmem>>, vector<1x16xi32>,
        %rem3A_502 = arith.constant 10000 : i32
        %rem3A_503 = vector.broadcast %rem3A_502 : i32 to vector<16xi32>
        %rem3A_504 = arith.remsi %get3A_482, %rem3A_503 : vector<16xi32>
        %mul3A_505 = arith.constant 2 : i32
        %mul3A_506 = vector.broadcast %mul3A_505 : i32 to vector<16xi32>
        %mul3A_507 = arith.muli %mul3A_506, %rem3A_504 : vector<16xi32>
        %add3A_508 = vector.broadcast %arg0 : i32 to vector<16xi32>
        %add3A_509 = arith.addi %mul3A_507, %add3A_508 : vector<16xi32>
        %swap3A_510 = arith.constant 0 : i32
        %swap3A_511 = arith.index_cast %swap3A_510 : i32 to index
        %swap3A_512 = arith.constant 16 : index
        %swap3A_513 = tpu.vector_load %arg7[%swap3A_511, %swap3A_512] {strides = array<i32>} : memref<2x32xi32, #tpu.memory_space<vmem>>, vector<1x16xi32>,
        %swap3A_514 = vector.shape_cast %swap3A_513 : vector<1x16xi32> to vector<16xi32>
        %swap3A_515 = vector.shape_cast %add3A_509 : vector<16xi32> to vector<1x16xi32>
        tpu.vector_store %arg7[%swap3A_511, %swap3A_512], %swap3A_515 {strides = array<i32>} : memref<2x32xi32, #tpu.memory_space<vmem>>, vector<1x16xi32>,
        %dma_start3A_516 = arith.constant 0 : i32
        %dma_start3A_517 = arith.constant 0 : i32
        %dma_start3A_518 = arith.constant 0 : i32
        %dma_start3A_519 = arith.constant 0 : i32
        %dma_start3A_520 = tpu.memref_slice %arg9[%dma_start3A_517, %dma_start3A_518, %dma_start3A_519] : memref<2x32x128xf32, #tpu.memory_space<vmem>> -> memref<1x32x128xf32, #tpu.memory_space<vmem>>
        %dma_start3A_521 = tpu.memref_squeeze %dma_start3A_520 : memref<1x32x128xf32, #tpu.memory_space<vmem>> -> memref<32x128xf32, #tpu.memory_space<vmem>>
        %dma_start3A_522 = arith.constant 0 : i32
        %dma_start3A_523 = tpu.memref_slice %arg7[%dma_start3A_516, %dma_start3A_522] : memref<2x32xi32, #tpu.memory_space<vmem>> -> memref<1x32xi32, #tpu.memory_space<vmem>>
        %dma_start3A_524 = tpu.memref_squeeze %dma_start3A_523 : memref<1x32xi32, #tpu.memory_space<vmem>> -> memref<32xi32, #tpu.memory_space<vmem>>
        %dma_start3A_525 = arith.constant 0 : i32
        %dma_start3A_526 = arith.constant 0 : i32
        %dma_start3A_527 = tpu.memref_slice %arg2[%dma_start3A_525, %dma_start3A_526] : memref<20000x128xf32, #tpu.memory_space<hbm>> -> memref<20000x128xf32, #tpu.memory_space<hbm>>
        tpu.enqueue_indirect_dma source(%dma_start3A_527 : memref<20000x128xf32, #tpu.memory_space<hbm>>) target(%dma_start3A_521 : memref<32x128xf32, #tpu.memory_space<vmem>>) offsets(%dma_start3A_524 : memref<32xi32, #tpu.memory_space<vmem>>) semaphore(%arg12 : memref<!tpu.dma_semaphore, #tpu.memory_space<semaphore_mem>>)
        %add3A_528 = arith.constant 2 : i32
        %add3A_529 = arith.addi %add3A_382, %add3A_528 : i32
        %lt3A_530 = arith.constant 316 : i32
        %lt3A_531 = arith.cmpi slt, %add3A_529, %lt3A_530 : i32
        %convert_element_type3A_532 = arith.extui %lt3A_531 : i1 to i32
        %cond3A_533 = arith.constant 0 : i32
        %cond3A_534 = arith.cmpi ne, %convert_element_type3A_532, %cond3A_533 : i32
        scf.if %cond3A_534 {
          %add3A_535 = arith.constant 2 : i32
          %add3A_536 = arith.addi %add3A_382, %add3A_535 : i32
          %mul3A_537 = arith.constant 316 : i32
          %mul3A_538 = arith.muli %arg1, %mul3A_537 : i32
          %add3A_539 = arith.addi %mul3A_538, %add3A_536 : i32
          %mul3A_540 = arith.constant 64 : i32
          %mul3A_541 = arith.muli %add3A_539, %mul3A_540 : i32
          %dma_start3A_542 = arith.constant 1 : i32
          %dma_start3A_543 = arith.constant 0 : i32
          %dma_start3A_544 = tpu.memref_slice %arg6[%dma_start3A_542, %dma_start3A_543] : memref<2x64xi32, #tpu.memory_space<vmem>> -> memref<1x64xi32, #tpu.memory_space<vmem>>
          %dma_start3A_545 = tpu.memref_squeeze %dma_start3A_544 : memref<1x64xi32, #tpu.memory_space<vmem>> -> memref<64xi32, #tpu.memory_space<vmem>>
          %dma_start3A_546 = tpu.memref_slice %arg3[%mul3A_541] : memref<323584xi32, #tpu.memory_space<hbm>> -> memref<64xi32, #tpu.memory_space<hbm>>
          %dma_start3A_547 = arith.constant 0 : i32
          %dma_start3A_548 = tpu.memref_slice %arg6[%dma_start3A_542, %dma_start3A_547] : memref<2x64xi32, #tpu.memory_space<vmem>> -> memref<1x64xi32, #tpu.memory_space<vmem>>
          %dma_start3A_549 = tpu.memref_squeeze %dma_start3A_548 : memref<1x64xi32, #tpu.memory_space<vmem>> -> memref<64xi32, #tpu.memory_space<vmem>>
          %dma_start3A_550 = tpu.memref_slice %arg3[%mul3A_541] : memref<323584xi32, #tpu.memory_space<hbm>> -> memref<64xi32, #tpu.memory_space<hbm>>
          tpu.enqueue_dma source(%dma_start3A_550 : memref<64xi32, #tpu.memory_space<hbm>>) target(%dma_start3A_549 : memref<64xi32, #tpu.memory_space<vmem>>) target_semaphore(%arg11 : memref<!tpu.dma_semaphore, #tpu.memory_space<semaphore_mem>>)
        } else {
        }
      } else {
      }
      %dma_wait3A_390 = arith.constant 1 : i32
      %dma_wait3A_391 = arith.constant 1 : i32
      %dma_wait3A_392 = arith.constant 0 : i32
      %dma_wait3A_393 = arith.constant 0 : i32
      %dma_wait3A_394 = tpu.memref_slice %arg9[%dma_wait3A_391, %dma_wait3A_392, %dma_wait3A_393] : memref<2x32x128xf32, #tpu.memory_space<vmem>> -> memref<1x32x128xf32, #tpu.memory_space<vmem>>
      %dma_wait3A_395 = tpu.memref_squeeze %dma_wait3A_394 : memref<1x32x128xf32, #tpu.memory_space<vmem>> -> memref<32x128xf32, #tpu.memory_space<vmem>>
      %dma_wait3A_396 = arith.constant 0 : i32
      %dma_wait3A_397 = tpu.memref_slice %arg7[%dma_wait3A_390, %dma_wait3A_396] : memref<2x32xi32, #tpu.memory_space<vmem>> -> memref<1x32xi32, #tpu.memory_space<vmem>>
      %dma_wait3A_398 = tpu.memref_squeeze %dma_wait3A_397 : memref<1x32xi32, #tpu.memory_space<vmem>> -> memref<32xi32, #tpu.memory_space<vmem>>
      %dma_wait3A_399 = arith.constant 0 : i32
      %dma_wait3A_400 = arith.constant 0 : i32
      %dma_wait3A_401 = tpu.memref_slice %arg2[%dma_wait3A_399, %dma_wait3A_400] : memref<20000x128xf32, #tpu.memory_space<hbm>> -> memref<20000x128xf32, #tpu.memory_space<hbm>>
      tpu.wait_indirect_dma semaphore(%arg13 : memref<!tpu.dma_semaphore, #tpu.memory_space<semaphore_mem>>) src(%dma_wait3A_401 : memref<20000x128xf32, #tpu.memory_space<hbm>>) dst(%dma_wait3A_395 : memref<32x128xf32, #tpu.memory_space<vmem>>)
      %dma_start3A_402 = arith.constant 1 : i32
      %dma_start3A_403 = arith.constant 1 : i32
      %dma_start3A_404 = arith.constant 0 : i32
      %dma_start3A_405 = arith.constant 0 : i32
      %dma_start3A_406 = tpu.memref_slice %arg9[%dma_start3A_402, %dma_start3A_404, %dma_start3A_405] : memref<2x32x128xf32, #tpu.memory_space<vmem>> -> memref<1x32x128xf32, #tpu.memory_space<vmem>>
      %dma_start3A_407 = tpu.memref_squeeze %dma_start3A_406 : memref<1x32x128xf32, #tpu.memory_space<vmem>> -> memref<32x128xf32, #tpu.memory_space<vmem>>
      %dma_start3A_408 = arith.constant 0 : i32
      %dma_start3A_409 = tpu.memref_slice %arg8[%dma_start3A_403, %dma_start3A_408] : memref<2x32xi32, #tpu.memory_space<vmem>> -> memref<1x32xi32, #tpu.memory_space<vmem>>
      %dma_start3A_410 = tpu.memref_squeeze %dma_start3A_409 : memref<1x32xi32, #tpu.memory_space<vmem>> -> memref<32xi32, #tpu.memory_space<vmem>>
      %dma_start3A_411 = arith.constant 0 : i32
      %dma_start3A_412 = arith.constant 0 : i32
      %dma_start3A_413 = tpu.memref_slice %arg10[%dma_start3A_411, %dma_start3A_412] : memref<15112x128xf32, #tpu.memory_space<vmem_shared>> -> memref<15112x128xf32, #tpu.memory_space<vmem_shared>>
      tpu.enqueue_indirect_dma source(%dma_start3A_407 : memref<32x128xf32, #tpu.memory_space<vmem>>) target(%dma_start3A_413 : memref<15112x128xf32, #tpu.memory_space<vmem_shared>>) offsets(%dma_start3A_410 : memref<32xi32, #tpu.memory_space<vmem>>) semaphore(%arg15 : memref<!tpu.dma_semaphore, #tpu.memory_space<semaphore_mem>>) {add = true}
    }
    %scan3A_132 = arith.constant 158 : i32
    %dma_wait3A_133 = arith.constant 0 : i32
    %dma_wait3A_134 = arith.constant 0 : i32
    %dma_wait3A_135 = arith.constant 0 : i32
    %dma_wait3A_136 = arith.constant 0 : i32
    %dma_wait3A_137 = tpu.memref_slice %arg9[%dma_wait3A_133, %dma_wait3A_135, %dma_wait3A_136] : memref<2x32x128xf32, #tpu.memory_space<vmem>> -> memref<1x32x128xf32, #tpu.memory_space<vmem>>
    %dma_wait3A_138 = tpu.memref_squeeze %dma_wait3A_137 : memref<1x32x128xf32, #tpu.memory_space<vmem>> -> memref<32x128xf32, #tpu.memory_space<vmem>>
    %dma_wait3A_139 = arith.constant 0 : i32
    %dma_wait3A_140 = tpu.memref_slice %arg8[%dma_wait3A_134, %dma_wait3A_139] : memref<2x32xi32, #tpu.memory_space<vmem>> -> memref<1x32xi32, #tpu.memory_space<vmem>>
    %dma_wait3A_141 = tpu.memref_squeeze %dma_wait3A_140 : memref<1x32xi32, #tpu.memory_space<vmem>> -> memref<32xi32, #tpu.memory_space<vmem>>
    %dma_wait3A_142 = arith.constant 0 : i32
    %dma_wait3A_143 = arith.constant 0 : i32
    %dma_wait3A_144 = tpu.memref_slice %arg10[%dma_wait3A_142, %dma_wait3A_143] : memref<15112x128xf32, #tpu.memory_space<vmem_shared>> -> memref<15112x128xf32, #tpu.memory_space<vmem_shared>>
    tpu.wait_indirect_dma semaphore(%arg14 : memref<!tpu.dma_semaphore, #tpu.memory_space<semaphore_mem>>) src(%dma_wait3A_138 : memref<32x128xf32, #tpu.memory_space<vmem>>) dst(%dma_wait3A_144 : memref<15112x128xf32, #tpu.memory_space<vmem_shared>>)
    %dma_wait3A_145 = arith.constant 1 : i32
    %dma_wait3A_146 = arith.constant 1 : i32
    %dma_wait3A_147 = arith.constant 0 : i32
    %dma_wait3A_148 = arith.constant 0 : i32
    %dma_wait3A_149 = tpu.memref_slice %arg9[%dma_wait3A_145, %dma_wait3A_147, %dma_wait3A_148] : memref<2x32x128xf32, #tpu.memory_space<vmem>> -> memref<1x32x128xf32, #tpu.memory_space<vmem>>
    %dma_wait3A_150 = tpu.memref_squeeze %dma_wait3A_149 : memref<1x32x128xf32, #tpu.memory_space<vmem>> -> memref<32x128xf32, #tpu.memory_space<vmem>>
    %dma_wait3A_151 = arith.constant 0 : i32
    %dma_wait3A_152 = tpu.memref_slice %arg8[%dma_wait3A_146, %dma_wait3A_151] : memref<2x32xi32, #tpu.memory_space<vmem>> -> memref<1x32xi32, #tpu.memory_space<vmem>>
    %dma_wait3A_153 = tpu.memref_squeeze %dma_wait3A_152 : memref<1x32xi32, #tpu.memory_space<vmem>> -> memref<32xi32, #tpu.memory_space<vmem>>
    %dma_wait3A_154 = arith.constant 0 : i32
    %dma_wait3A_155 = arith.constant 0 : i32
    %dma_wait3A_156 = tpu.memref_slice %arg10[%dma_wait3A_154, %dma_wait3A_155] : memref<15112x128xf32, #tpu.memory_space<vmem_shared>> -> memref<15112x128xf32, #tpu.memory_space<vmem_shared>>
    tpu.wait_indirect_dma semaphore(%arg15 : memref<!tpu.dma_semaphore, #tpu.memory_space<semaphore_mem>>) src(%dma_wait3A_150 : memref<32x128xf32, #tpu.memory_space<vmem>>) dst(%dma_wait3A_156 : memref<15112x128xf32, #tpu.memory_space<vmem_shared>>)
    %barrier3A_157 = arith.constant 0 : index
    tpu.barrier barrier_id(%barrier3A_157)
    %mul3A_158 = arith.constant 944 : i32
    %mul3A_159 = arith.muli %arg1, %mul3A_158 : i32
    %mul3A_160 = arith.constant 944 : i32
    %mul3A_161 = arith.muli %arg1, %mul3A_160 : i32
    %add3A_162 = arith.constant 0 : i32
    %add3A_163 = arith.addi %add3A_162, %mul3A_161 : i32
    "tpu.region"() ({
      %run_scoped3A = tpu.sem_alloc : memref<!tpu.dma_semaphore, #tpu.memory_space<semaphore_mem>>
      %dma_start3A_345 = arith.constant 0 : i32
      %dma_start3A_346 = arith.constant 0 : i32
      %dma_start3A_347 = tpu.memref_slice %arg5[%arg0, %dma_start3A_345, %dma_start3A_346] : memref<2x30208x128xf32, #tpu.memory_space<hbm>> -> memref<1x30208x128xf32, #tpu.memory_space<hbm>>
      %dma_start3A_348 = tpu.memref_squeeze %dma_start3A_347 : memref<1x30208x128xf32, #tpu.memory_space<hbm>> -> memref<30208x128xf32, #tpu.memory_space<hbm>>
      %dma_start3A_349 = arith.constant 0 : i32
      %dma_start3A_350 = tpu.memref_slice %dma_start3A_348[%add3A_163, %dma_start3A_349] : memref<30208x128xf32, #tpu.memory_space<hbm>> -> memref<944x128xf32, #tpu.memory_space<hbm>>
      %dma_start3A_351 = arith.constant 0 : i32
      %dma_start3A_352 = tpu.memref_slice %arg10[%mul3A_159, %dma_start3A_351] : memref<15112x128xf32, #tpu.memory_space<vmem_shared>> -> memref<944x128xf32, #tpu.memory_space<vmem_shared>>
      tpu.enqueue_dma source(%dma_start3A_352 : memref<944x128xf32, #tpu.memory_space<vmem_shared>>) target(%dma_start3A_350 : memref<944x128xf32, #tpu.memory_space<hbm>>) target_semaphore(%run_scoped3A : memref<!tpu.dma_semaphore, #tpu.memory_space<semaphore_mem>>)
      %dma_wait3A_353 = arith.constant 0 : i32
      %dma_wait3A_354 = arith.constant 0 : i32
      %dma_wait3A_355 = tpu.memref_slice %arg5[%arg0, %dma_wait3A_353, %dma_wait3A_354] : memref<2x30208x128xf32, #tpu.memory_space<hbm>> -> memref<1x30208x128xf32, #tpu.memory_space<hbm>>
      %dma_wait3A_356 = tpu.memref_squeeze %dma_wait3A_355 : memref<1x30208x128xf32, #tpu.memory_space<hbm>> -> memref<30208x128xf32, #tpu.memory_space<hbm>>
      %dma_wait3A_357 = arith.constant 0 : i32
      %dma_wait3A_358 = tpu.memref_slice %dma_wait3A_356[%add3A_163, %dma_wait3A_357] : memref<30208x128xf32, #tpu.memory_space<hbm>> -> memref<944x128xf32, #tpu.memory_space<hbm>>
      %dma_wait3A_359 = arith.constant 0 : i32
      %dma_wait3A_360 = tpu.memref_slice %arg10[%mul3A_159, %dma_wait3A_359] : memref<15112x128xf32, #tpu.memory_space<vmem_shared>> -> memref<944x128xf32, #tpu.memory_space<vmem_shared>>
      tpu.wait_dma2 semaphore(%run_scoped3A : memref<!tpu.dma_semaphore, #tpu.memory_space<semaphore_mem>>) src(%dma_wait3A_360 : memref<944x128xf32, #tpu.memory_space<vmem_shared>>) dst(%dma_wait3A_358 : memref<944x128xf32, #tpu.memory_space<hbm>>)
      tpu.yield
    }) : () -> ()
    %barrier3A_164 = arith.constant 0 : index
    tpu.barrier barrier_id(%barrier3A_164)
    %mul3A_165 = arith.constant 944 : i32
    %mul3A_166 = arith.muli %arg1, %mul3A_165 : i32
    "tpu.region"() ({
      %run_scoped3A = tpu.sem_alloc : memref<!tpu.dma_semaphore, #tpu.memory_space<semaphore_mem>>
      %dma_start3A_345 = arith.constant 0 : i32
      %dma_start3A_346 = tpu.memref_slice %arg10[%mul3A_166, %dma_start3A_345] : memref<15112x128xf32, #tpu.memory_space<vmem_shared>> -> memref<944x128xf32, #tpu.memory_space<vmem_shared>>
      %dma_start3A_347 = arith.constant 0 : i32
      %dma_start3A_348 = arith.constant 0 : i32
      %dma_start3A_349 = tpu.memref_slice %arg4[%dma_start3A_347, %dma_start3A_348] : memref<944x128xf32, #tpu.memory_space<hbm>> -> memref<944x128xf32, #tpu.memory_space<hbm>>
      tpu.enqueue_dma source(%dma_start3A_349 : memref<944x128xf32, #tpu.memory_space<hbm>>) target(%dma_start3A_346 : memref<944x128xf32, #tpu.memory_space<vmem_shared>>) target_semaphore(%run_scoped3A : memref<!tpu.dma_semaphore, #tpu.memory_space<semaphore_mem>>)
      %dma_wait3A_350 = arith.constant 0 : i32
      %dma_wait3A_351 = tpu.memref_slice %arg10[%mul3A_166, %dma_wait3A_350] : memref<15112x128xf32, #tpu.memory_space<vmem_shared>> -> memref<944x128xf32, #tpu.memory_space<vmem_shared>>
      %dma_wait3A_352 = arith.constant 0 : i32
      %dma_wait3A_353 = arith.constant 0 : i32
      %dma_wait3A_354 = tpu.memref_slice %arg4[%dma_wait3A_352, %dma_wait3A_353] : memref<944x128xf32, #tpu.memory_space<hbm>> -> memref<944x128xf32, #tpu.memory_space<hbm>>
      tpu.wait_dma2 semaphore(%run_scoped3A : memref<!tpu.dma_semaphore, #tpu.memory_space<semaphore_mem>>) src(%dma_wait3A_354 : memref<944x128xf32, #tpu.memory_space<hbm>>) dst(%dma_wait3A_351 : memref<944x128xf32, #tpu.memory_space<vmem_shared>>)
      tpu.yield
    }) : () -> ()
    %barrier3A_167 = arith.constant 0 : index
    tpu.barrier barrier_id(%barrier3A_167)
    %mul3A_168 = arith.constant 316 : i32
    %mul3A_169 = arith.muli %arg1, %mul3A_168 : i32
    %add3A_170 = arith.constant 0 : i32
    %add3A_171 = arith.addi %mul3A_169, %add3A_170 : i32
    %mul3A_172 = arith.constant 64 : i32
    %mul3A_173 = arith.muli %add3A_171, %mul3A_172 : i32
    %dma_start3A_174 = arith.constant 0 : i32
    %dma_start3A_175 = arith.constant 0 : i32
    %dma_start3A_176 = tpu.memref_slice %arg6[%dma_start3A_174, %dma_start3A_175] : memref<2x64xi32, #tpu.memory_space<vmem>> -> memref<1x64xi32, #tpu.memory_space<vmem>>
    %dma_start3A_177 = tpu.memref_squeeze %dma_start3A_176 : memref<1x64xi32, #tpu.memory_space<vmem>> -> memref<64xi32, #tpu.memory_space<vmem>>
    %dma_start3A_178 = tpu.memref_slice %arg3[%mul3A_173] : memref<323584xi32, #tpu.memory_space<hbm>> -> memref<64xi32, #tpu.memory_space<hbm>>
    %dma_start3A_179 = arith.constant 0 : i32
    %dma_start3A_180 = tpu.memref_slice %arg6[%dma_start3A_174, %dma_start3A_179] : memref<2x64xi32, #tpu.memory_space<vmem>> -> memref<1x64xi32, #tpu.memory_space<vmem>>
    %dma_start3A_181 = tpu.memref_squeeze %dma_start3A_180 : memref<1x64xi32, #tpu.memory_space<vmem>> -> memref<64xi32, #tpu.memory_space<vmem>>
    %dma_start3A_182 = tpu.memref_slice %arg3[%mul3A_173] : memref<323584xi32, #tpu.memory_space<hbm>> -> memref<64xi32, #tpu.memory_space<hbm>>
    tpu.enqueue_dma source(%dma_start3A_182 : memref<64xi32, #tpu.memory_space<hbm>>) target(%dma_start3A_181 : memref<64xi32, #tpu.memory_space<vmem>>) target_semaphore(%arg11 : memref<!tpu.dma_semaphore, #tpu.memory_space<semaphore_mem>>)
    %dma_wait3A_183 = arith.constant 0 : i32
    %dma_wait3A_184 = arith.constant 0 : i32
    %dma_wait3A_185 = tpu.memref_slice %arg6[%dma_wait3A_183, %dma_wait3A_184] : memref<2x64xi32, #tpu.memory_space<vmem>> -> memref<1x64xi32, #tpu.memory_space<vmem>>
    %dma_wait3A_186 = tpu.memref_squeeze %dma_wait3A_185 : memref<1x64xi32, #tpu.memory_space<vmem>> -> memref<64xi32, #tpu.memory_space<vmem>>
    %dma_wait3A_187 = arith.constant 0 : i32
    %dma_wait3A_188 = tpu.memref_slice %arg3[%dma_wait3A_187] : memref<323584xi32, #tpu.memory_space<hbm>> -> memref<64xi32, #tpu.memory_space<hbm>>
    %dma_wait3A_189 = arith.constant 0 : i32
    %dma_wait3A_190 = tpu.memref_slice %arg6[%dma_wait3A_183, %dma_wait3A_189] : memref<2x64xi32, #tpu.memory_space<vmem>> -> memref<1x64xi32, #tpu.memory_space<vmem>>
    %dma_wait3A_191 = tpu.memref_squeeze %dma_wait3A_190 : memref<1x64xi32, #tpu.memory_space<vmem>> -> memref<64xi32, #tpu.memory_space<vmem>>
    %dma_wait3A_192 = arith.constant 0 : i32
    %dma_wait3A_193 = tpu.memref_slice %arg3[%dma_wait3A_192] : memref<323584xi32, #tpu.memory_space<hbm>> -> memref<64xi32, #tpu.memory_space<hbm>>
    tpu.wait_dma2 semaphore(%arg11 : memref<!tpu.dma_semaphore, #tpu.memory_space<semaphore_mem>>) src(%dma_wait3A_193 : memref<64xi32, #tpu.memory_space<hbm>>) dst(%dma_wait3A_191 : memref<64xi32, #tpu.memory_space<vmem>>)
    %get3A_194 = arith.constant 0 : i32
    %get3A_195 = arith.index_cast %get3A_194 : i32 to index
    %get3A_196 = arith.constant 0 : index
    %get3A_197 = tpu.vector_load %arg6[%get3A_195, %get3A_196] {strides = array<i32>} : memref<2x64xi32, #tpu.memory_space<vmem>>, vector<1x16xi32>,
    %get3A_198 = vector.shape_cast %get3A_197 : vector<1x16xi32> to vector<16xi32>
    %get3A_199 = arith.constant 0 : i32
    %get3A_200 = arith.index_cast %get3A_199 : i32 to index
    %get3A_201 = arith.constant 32 : index
    %get3A_202 = tpu.vector_load %arg6[%get3A_200, %get3A_201] {strides = array<i32>} : memref<2x64xi32, #tpu.memory_space<vmem>>, vector<1x16xi32>,
    %get3A_203 = vector.shape_cast %get3A_202 : vector<1x16xi32> to vector<16xi32>
    %ge3A_204 = arith.constant 15104 : i32
    %ge3A_205 = vector.broadcast %ge3A_204 : i32 to vector<16xi32>
    %ge3A_206 = arith.cmpi sge, %get3A_198, %ge3A_205 : vector<16xi32>
    %lt3A_207 = arith.constant 30208 : i32
    %lt3A_208 = vector.broadcast %lt3A_207 : i32 to vector<16xi32>
    %lt3A_209 = arith.cmpi slt, %get3A_198, %lt3A_208 : vector<16xi32>
    %and3A_210 = arith.andi %ge3A_206, %lt3A_209 : vector<16xi1>
    %sub3A_211 = arith.constant 15104 : i32
    %sub3A_212 = vector.broadcast %sub3A_211 : i32 to vector<16xi32>
    %sub3A_213 = arith.subi %get3A_198, %sub3A_212 : vector<16xi32>
    %broadcast_in_dim3A_214 = arith.constant 15104 : i32
    %broadcast_in_dim3A_215 = vector.broadcast %broadcast_in_dim3A_214 : i32 to vector<16xi32>
    %select_n3A_216 = arith.select %and3A_210, %sub3A_213, %broadcast_in_dim3A_215 : vector<16xi1>, vector<16xi32>
    %swap3A_217 = arith.constant 0 : i32
    %swap3A_218 = arith.index_cast %swap3A_217 : i32 to index
    %swap3A_219 = arith.constant 0 : index
    %swap3A_220 = tpu.vector_load %arg8[%swap3A_218, %swap3A_219] {strides = array<i32>} : memref<2x32xi32, #tpu.memory_space<vmem>>, vector<1x16xi32>,
    %swap3A_221 = vector.shape_cast %swap3A_220 : vector<1x16xi32> to vector<16xi32>
    %swap3A_222 = vector.shape_cast %select_n3A_216 : vector<16xi32> to vector<1x16xi32>
    tpu.vector_store %arg8[%swap3A_218, %swap3A_219], %swap3A_222 {strides = array<i32>} : memref<2x32xi32, #tpu.memory_space<vmem>>, vector<1x16xi32>,
    %rem3A_223 = arith.constant 10000 : i32
    %rem3A_224 = vector.broadcast %rem3A_223 : i32 to vector<16xi32>
    %rem3A_225 = arith.remsi %get3A_203, %rem3A_224 : vector<16xi32>
    %mul3A_226 = arith.constant 2 : i32
    %mul3A_227 = vector.broadcast %mul3A_226 : i32 to vector<16xi32>
    %mul3A_228 = arith.muli %mul3A_227, %rem3A_225 : vector<16xi32>
    %add3A_229 = vector.broadcast %arg0 : i32 to vector<16xi32>
    %add3A_230 = arith.addi %mul3A_228, %add3A_229 : vector<16xi32>
    %swap3A_231 = arith.constant 0 : i32
    %swap3A_232 = arith.index_cast %swap3A_231 : i32 to index
    %swap3A_233 = arith.constant 0 : index
    %swap3A_234 = tpu.vector_load %arg7[%swap3A_232, %swap3A_233] {strides = array<i32>} : memref<2x32xi32, #tpu.memory_space<vmem>>, vector<1x16xi32>,
    %swap3A_235 = vector.shape_cast %swap3A_234 : vector<1x16xi32> to vector<16xi32>
    %swap3A_236 = vector.shape_cast %add3A_230 : vector<16xi32> to vector<1x16xi32>
    tpu.vector_store %arg7[%swap3A_232, %swap3A_233], %swap3A_236 {strides = array<i32>} : memref<2x32xi32, #tpu.memory_space<vmem>>, vector<1x16xi32>,
    %get3A_237 = arith.constant 0 : i32
    %get3A_238 = arith.index_cast %get3A_237 : i32 to index
    %get3A_239 = arith.constant 16 : index
    %get3A_240 = tpu.vector_load %arg6[%get3A_238, %get3A_239] {strides = array<i32>} : memref<2x64xi32, #tpu.memory_space<vmem>>, vector<1x16xi32>,
    %get3A_241 = vector.shape_cast %get3A_240 : vector<1x16xi32> to vector<16xi32>
    %get3A_242 = arith.constant 0 : i32
    %get3A_243 = arith.index_cast %get3A_242 : i32 to index
    %get3A_244 = arith.constant 48 : index
    %get3A_245 = tpu.vector_load %arg6[%get3A_243, %get3A_244] {strides = array<i32>} : memref<2x64xi32, #tpu.memory_space<vmem>>, vector<1x16xi32>,
    %get3A_246 = vector.shape_cast %get3A_245 : vector<1x16xi32> to vector<16xi32>
    %ge3A_247 = arith.constant 15104 : i32
    %ge3A_248 = vector.broadcast %ge3A_247 : i32 to vector<16xi32>
    %ge3A_249 = arith.cmpi sge, %get3A_241, %ge3A_248 : vector<16xi32>
    %lt3A_250 = arith.constant 30208 : i32
    %lt3A_251 = vector.broadcast %lt3A_250 : i32 to vector<16xi32>
    %lt3A_252 = arith.cmpi slt, %get3A_241, %lt3A_251 : vector<16xi32>
    %and3A_253 = arith.andi %ge3A_249, %lt3A_252 : vector<16xi1>
    %sub3A_254 = arith.constant 15104 : i32
    %sub3A_255 = vector.broadcast %sub3A_254 : i32 to vector<16xi32>
    %sub3A_256 = arith.subi %get3A_241, %sub3A_255 : vector<16xi32>
    %broadcast_in_dim3A_257 = arith.constant 15104 : i32
    %broadcast_in_dim3A_258 = vector.broadcast %broadcast_in_dim3A_257 : i32 to vector<16xi32>
    %select_n3A_259 = arith.select %and3A_253, %sub3A_256, %broadcast_in_dim3A_258 : vector<16xi1>, vector<16xi32>
    %swap3A_260 = arith.constant 0 : i32
    %swap3A_261 = arith.index_cast %swap3A_260 : i32 to index
    %swap3A_262 = arith.constant 16 : index
    %swap3A_263 = tpu.vector_load %arg8[%swap3A_261, %swap3A_262] {strides = array<i32>} : memref<2x32xi32, #tpu.memory_space<vmem>>, vector<1x16xi32>,
    %swap3A_264 = vector.shape_cast %swap3A_263 : vector<1x16xi32> to vector<16xi32>
    %swap3A_265 = vector.shape_cast %select_n3A_259 : vector<16xi32> to vector<1x16xi32>
    tpu.vector_store %arg8[%swap3A_261, %swap3A_262], %swap3A_265 {strides = array<i32>} : memref<2x32xi32, #tpu.memory_space<vmem>>, vector<1x16xi32>,
    %rem3A_266 = arith.constant 10000 : i32
    %rem3A_267 = vector.broadcast %rem3A_266 : i32 to vector<16xi32>
    %rem3A_268 = arith.remsi %get3A_246, %rem3A_267 : vector<16xi32>
    %mul3A_269 = arith.constant 2 : i32
    %mul3A_270 = vector.broadcast %mul3A_269 : i32 to vector<16xi32>
    %mul3A_271 = arith.muli %mul3A_270, %rem3A_268 : vector<16xi32>
    %add3A_272 = vector.broadcast %arg0 : i32 to vector<16xi32>
    %add3A_273 = arith.addi %mul3A_271, %add3A_272 : vector<16xi32>
    %swap3A_274 = arith.constant 0 : i32
    %swap3A_275 = arith.index_cast %swap3A_274 : i32 to index
    %swap3A_276 = arith.constant 16 : index
    %swap3A_277 = tpu.vector_load %arg7[%swap3A_275, %swap3A_276] {strides = array<i32>} : memref<2x32xi32, #tpu.memory_space<vmem>>, vector<1x16xi32>,
    %swap3A_278 = vector.shape_cast %swap3A_277 : vector<1x16xi32> to vector<16xi32>
    %swap3A_279 = vector.shape_cast %add3A_273 : vector<16xi32> to vector<1x16xi32>
    tpu.vector_store %arg7[%swap3A_275, %swap3A_276], %swap3A_279 {strides = array<i32>} : memref<2x32xi32, #tpu.memory_space<vmem>>, vector<1x16xi32>,
    %dma_start3A_280 = arith.constant 0 : i32
    %dma_start3A_281 = arith.constant 0 : i32
    %dma_start3A_282 = arith.constant 0 : i32
    %dma_start3A_283 = arith.constant 0 : i32
    %dma_start3A_284 = tpu.memref_slice %arg9[%dma_start3A_281, %dma_start3A_282, %dma_start3A_283] : memref<2x32x128xf32, #tpu.memory_space<vmem>> -> memref<1x32x128xf32, #tpu.memory_space<vmem>>
    %dma_start3A_285 = tpu.memref_squeeze %dma_start3A_284 : memref<1x32x128xf32, #tpu.memory_space<vmem>> -> memref<32x128xf32, #tpu.memory_space<vmem>>
    %dma_start3A_286 = arith.constant 0 : i32
    %dma_start3A_287 = tpu.memref_slice %arg7[%dma_start3A_280, %dma_start3A_286] : memref<2x32xi32, #tpu.memory_space<vmem>> -> memref<1x32xi32, #tpu.memory_space<vmem>>
    %dma_start3A_288 = tpu.memref_squeeze %dma_start3A_287 : memref<1x32xi32, #tpu.memory_space<vmem>> -> memref<32xi32, #tpu.memory_space<vmem>>
    %dma_start3A_289 = arith.constant 0 : i32
    %dma_start3A_290 = arith.constant 0 : i32
    %dma_start3A_291 = tpu.memref_slice %arg2[%dma_start3A_289, %dma_start3A_290] : memref<20000x128xf32, #tpu.memory_space<hbm>> -> memref<20000x128xf32, #tpu.memory_space<hbm>>
    tpu.enqueue_indirect_dma source(%dma_start3A_291 : memref<20000x128xf32, #tpu.memory_space<hbm>>) target(%dma_start3A_285 : memref<32x128xf32, #tpu.memory_space<vmem>>) offsets(%dma_start3A_288 : memref<32xi32, #tpu.memory_space<vmem>>) semaphore(%arg12 : memref<!tpu.dma_semaphore, #tpu.memory_space<semaphore_mem>>)
    %mul3A_292 = arith.constant 316 : i32
    %mul3A_293 = arith.muli %arg1, %mul3A_292 : i32
    %add3A_294 = arith.constant 1 : i32
    %add3A_295 = arith.addi %mul3A_293, %add3A_294 : i32
    %mul3A_296 = arith.constant 64 : i32
    %mul3A_297 = arith.muli %add3A_295, %mul3A_296 : i32
    %dma_start3A_298 = arith.constant 1 : i32
    %dma_start3A_299 = arith.constant 0 : i32
    %dma_start3A_300 = tpu.memref_slice %arg6[%dma_start3A_298, %dma_start3A_299] : memref<2x64xi32, #tpu.memory_space<vmem>> -> memref<1x64xi32, #tpu.memory_space<vmem>>
    %dma_start3A_301 = tpu.memref_squeeze %dma_start3A_300 : memref<1x64xi32, #tpu.memory_space<vmem>> -> memref<64xi32, #tpu.memory_space<vmem>>
    %dma_start3A_302 = tpu.memref_slice %arg3[%mul3A_297] : memref<323584xi32, #tpu.memory_space<hbm>> -> memref<64xi32, #tpu.memory_space<hbm>>
    %dma_start3A_303 = arith.constant 0 : i32
    %dma_start3A_304 = tpu.memref_slice %arg6[%dma_start3A_298, %dma_start3A_303] : memref<2x64xi32, #tpu.memory_space<vmem>> -> memref<1x64xi32, #tpu.memory_space<vmem>>
    %dma_start3A_305 = tpu.memref_squeeze %dma_start3A_304 : memref<1x64xi32, #tpu.memory_space<vmem>> -> memref<64xi32, #tpu.memory_space<vmem>>
    %dma_start3A_306 = tpu.memref_slice %arg3[%mul3A_297] : memref<323584xi32, #tpu.memory_space<hbm>> -> memref<64xi32, #tpu.memory_space<hbm>>
    tpu.enqueue_dma source(%dma_start3A_306 : memref<64xi32, #tpu.memory_space<hbm>>) target(%dma_start3A_305 : memref<64xi32, #tpu.memory_space<vmem>>) target_semaphore(%arg11 : memref<!tpu.dma_semaphore, #tpu.memory_space<semaphore_mem>>)
    %scan3A_307 = arith.constant 0 : i32
    %scan3A_308 = arith.constant 0 : i32
    %scan3A_309 = arith.constant 158 : i32
    %scan3A_310 = arith.addi %scan3A_308, %scan3A_309 : i32
    %scan3A_311 = arith.constant 1 : i32
    scf.for %scan3A_345 = %scan3A_308 to %scan3A_310 step %scan3A_311  : i32 {
      %mul3A_346 = arith.constant 2 : i32
      %mul3A_347 = arith.muli %scan3A_345, %mul3A_346 : i32
      %add3A_348 = arith.constant 0 : i32
      %add3A_349 = arith.addi %mul3A_347, %add3A_348 : i32
      %add3A_350 = arith.constant 1 : i32
      %add3A_351 = arith.addi %add3A_349, %add3A_350 : i32
      %lt3A_352 = arith.constant 316 : i32
      %lt3A_353 = arith.cmpi slt, %add3A_351, %lt3A_352 : i32
      %convert_element_type3A = arith.extui %lt3A_353 : i1 to i32
      %cond3A = arith.constant 0 : i32
      %cond3A_354 = arith.cmpi ne, %convert_element_type3A, %cond3A : i32
      scf.if %cond3A_354 {
        %dma_wait3A_414 = arith.constant 1 : i32
        %dma_wait3A_415 = arith.constant 0 : i32
        %dma_wait3A_416 = tpu.memref_slice %arg6[%dma_wait3A_414, %dma_wait3A_415] : memref<2x64xi32, #tpu.memory_space<vmem>> -> memref<1x64xi32, #tpu.memory_space<vmem>>
        %dma_wait3A_417 = tpu.memref_squeeze %dma_wait3A_416 : memref<1x64xi32, #tpu.memory_space<vmem>> -> memref<64xi32, #tpu.memory_space<vmem>>
        %dma_wait3A_418 = arith.constant 0 : i32
        %dma_wait3A_419 = tpu.memref_slice %arg3[%dma_wait3A_418] : memref<323584xi32, #tpu.memory_space<hbm>> -> memref<64xi32, #tpu.memory_space<hbm>>
        %dma_wait3A_420 = arith.constant 0 : i32
        %dma_wait3A_421 = tpu.memref_slice %arg6[%dma_wait3A_414, %dma_wait3A_420] : memref<2x64xi32, #tpu.memory_space<vmem>> -> memref<1x64xi32, #tpu.memory_space<vmem>>
        %dma_wait3A_422 = tpu.memref_squeeze %dma_wait3A_421 : memref<1x64xi32, #tpu.memory_space<vmem>> -> memref<64xi32, #tpu.memory_space<vmem>>
        %dma_wait3A_423 = arith.constant 0 : i32
        %dma_wait3A_424 = tpu.memref_slice %arg3[%dma_wait3A_423] : memref<323584xi32, #tpu.memory_space<hbm>> -> memref<64xi32, #tpu.memory_space<hbm>>
        tpu.wait_dma2 semaphore(%arg11 : memref<!tpu.dma_semaphore, #tpu.memory_space<semaphore_mem>>) src(%dma_wait3A_424 : memref<64xi32, #tpu.memory_space<hbm>>) dst(%dma_wait3A_422 : memref<64xi32, #tpu.memory_space<vmem>>)
        %ge3A_425 = arith.constant 1 : i32
        %ge3A_426 = arith.cmpi sge, %add3A_349, %ge3A_425 : i32
        %convert_element_type3A_427 = arith.extui %ge3A_426 : i1 to i32
        %cond3A_428 = arith.constant 0 : i32
        %cond3A_429 = arith.cmpi ne, %convert_element_type3A_427, %cond3A_428 : i32
        scf.if %cond3A_429 {
          %dma_wait3A_535 = arith.constant 1 : i32
          %dma_wait3A_536 = arith.constant 1 : i32
          %dma_wait3A_537 = arith.constant 0 : i32
          %dma_wait3A_538 = arith.constant 0 : i32
          %dma_wait3A_539 = tpu.memref_slice %arg9[%dma_wait3A_535, %dma_wait3A_537, %dma_wait3A_538] : memref<2x32x128xf32, #tpu.memory_space<vmem>> -> memref<1x32x128xf32, #tpu.memory_space<vmem>>
          %dma_wait3A_540 = tpu.memref_squeeze %dma_wait3A_539 : memref<1x32x128xf32, #tpu.memory_space<vmem>> -> memref<32x128xf32, #tpu.memory_space<vmem>>
          %dma_wait3A_541 = arith.constant 0 : i32
          %dma_wait3A_542 = tpu.memref_slice %arg8[%dma_wait3A_536, %dma_wait3A_541] : memref<2x32xi32, #tpu.memory_space<vmem>> -> memref<1x32xi32, #tpu.memory_space<vmem>>
          %dma_wait3A_543 = tpu.memref_squeeze %dma_wait3A_542 : memref<1x32xi32, #tpu.memory_space<vmem>> -> memref<32xi32, #tpu.memory_space<vmem>>
          %dma_wait3A_544 = arith.constant 0 : i32
          %dma_wait3A_545 = arith.constant 0 : i32
          %dma_wait3A_546 = tpu.memref_slice %arg10[%dma_wait3A_544, %dma_wait3A_545] : memref<15112x128xf32, #tpu.memory_space<vmem_shared>> -> memref<15112x128xf32, #tpu.memory_space<vmem_shared>>
          tpu.wait_indirect_dma semaphore(%arg15 : memref<!tpu.dma_semaphore, #tpu.memory_space<semaphore_mem>>) src(%dma_wait3A_540 : memref<32x128xf32, #tpu.memory_space<vmem>>) dst(%dma_wait3A_546 : memref<15112x128xf32, #tpu.memory_space<vmem_shared>>)
        } else {
        }
        %get3A_430 = arith.constant 1 : i32
        %get3A_431 = arith.index_cast %get3A_430 : i32 to index
        %get3A_432 = arith.constant 0 : index
        %get3A_433 = tpu.vector_load %arg6[%get3A_431, %get3A_432] {strides = array<i32>} : memref<2x64xi32, #tpu.memory_space<vmem>>, vector<1x16xi32>,
        %get3A_434 = vector.shape_cast %get3A_433 : vector<1x16xi32> to vector<16xi32>
        %get3A_435 = arith.constant 1 : i32
        %get3A_436 = arith.index_cast %get3A_435 : i32 to index
        %get3A_437 = arith.constant 32 : index
        %get3A_438 = tpu.vector_load %arg6[%get3A_436, %get3A_437] {strides = array<i32>} : memref<2x64xi32, #tpu.memory_space<vmem>>, vector<1x16xi32>,
        %get3A_439 = vector.shape_cast %get3A_438 : vector<1x16xi32> to vector<16xi32>
        %ge3A_440 = arith.constant 15104 : i32
        %ge3A_441 = vector.broadcast %ge3A_440 : i32 to vector<16xi32>
        %ge3A_442 = arith.cmpi sge, %get3A_434, %ge3A_441 : vector<16xi32>
        %lt3A_443 = arith.constant 30208 : i32
        %lt3A_444 = vector.broadcast %lt3A_443 : i32 to vector<16xi32>
        %lt3A_445 = arith.cmpi slt, %get3A_434, %lt3A_444 : vector<16xi32>
        %and3A_446 = arith.andi %ge3A_442, %lt3A_445 : vector<16xi1>
        %sub3A_447 = arith.constant 15104 : i32
        %sub3A_448 = vector.broadcast %sub3A_447 : i32 to vector<16xi32>
        %sub3A_449 = arith.subi %get3A_434, %sub3A_448 : vector<16xi32>
        %broadcast_in_dim3A_450 = arith.constant 15104 : i32
        %broadcast_in_dim3A_451 = vector.broadcast %broadcast_in_dim3A_450 : i32 to vector<16xi32>
        %select_n3A_452 = arith.select %and3A_446, %sub3A_449, %broadcast_in_dim3A_451 : vector<16xi1>, vector<16xi32>
        %swap3A_453 = arith.constant 1 : i32
        %swap3A_454 = arith.index_cast %swap3A_453 : i32 to index
        %swap3A_455 = arith.constant 0 : index
        %swap3A_456 = tpu.vector_load %arg8[%swap3A_454, %swap3A_455] {strides = array<i32>} : memref<2x32xi32, #tpu.memory_space<vmem>>, vector<1x16xi32>,
        %swap3A_457 = vector.shape_cast %swap3A_456 : vector<1x16xi32> to vector<16xi32>
        %swap3A_458 = vector.shape_cast %select_n3A_452 : vector<16xi32> to vector<1x16xi32>
        tpu.vector_store %arg8[%swap3A_454, %swap3A_455], %swap3A_458 {strides = array<i32>} : memref<2x32xi32, #tpu.memory_space<vmem>>, vector<1x16xi32>,
        %rem3A_459 = arith.constant 10000 : i32
        %rem3A_460 = vector.broadcast %rem3A_459 : i32 to vector<16xi32>
        %rem3A_461 = arith.remsi %get3A_439, %rem3A_460 : vector<16xi32>
        %mul3A_462 = arith.constant 2 : i32
        %mul3A_463 = vector.broadcast %mul3A_462 : i32 to vector<16xi32>
        %mul3A_464 = arith.muli %mul3A_463, %rem3A_461 : vector<16xi32>
        %add3A_465 = vector.broadcast %arg0 : i32 to vector<16xi32>
        %add3A_466 = arith.addi %mul3A_464, %add3A_465 : vector<16xi32>
        %swap3A_467 = arith.constant 1 : i32
        %swap3A_468 = arith.index_cast %swap3A_467 : i32 to index
        %swap3A_469 = arith.constant 0 : index
        %swap3A_470 = tpu.vector_load %arg7[%swap3A_468, %swap3A_469] {strides = array<i32>} : memref<2x32xi32, #tpu.memory_space<vmem>>, vector<1x16xi32>,
        %swap3A_471 = vector.shape_cast %swap3A_470 : vector<1x16xi32> to vector<16xi32>
        %swap3A_472 = vector.shape_cast %add3A_466 : vector<16xi32> to vector<1x16xi32>
        tpu.vector_store %arg7[%swap3A_468, %swap3A_469], %swap3A_472 {strides = array<i32>} : memref<2x32xi32, #tpu.memory_space<vmem>>, vector<1x16xi32>,
        %get3A_473 = arith.constant 1 : i32
        %get3A_474 = arith.index_cast %get3A_473 : i32 to index
        %get3A_475 = arith.constant 16 : index
        %get3A_476 = tpu.vector_load %arg6[%get3A_474, %get3A_475] {strides = array<i32>} : memref<2x64xi32, #tpu.memory_space<vmem>>, vector<1x16xi32>,
        %get3A_477 = vector.shape_cast %get3A_476 : vector<1x16xi32> to vector<16xi32>
        %get3A_478 = arith.constant 1 : i32
        %get3A_479 = arith.index_cast %get3A_478 : i32 to index
        %get3A_480 = arith.constant 48 : index
        %get3A_481 = tpu.vector_load %arg6[%get3A_479, %get3A_480] {strides = array<i32>} : memref<2x64xi32, #tpu.memory_space<vmem>>, vector<1x16xi32>,
        %get3A_482 = vector.shape_cast %get3A_481 : vector<1x16xi32> to vector<16xi32>
        %ge3A_483 = arith.constant 15104 : i32
        %ge3A_484 = vector.broadcast %ge3A_483 : i32 to vector<16xi32>
        %ge3A_485 = arith.cmpi sge, %get3A_477, %ge3A_484 : vector<16xi32>
        %lt3A_486 = arith.constant 30208 : i32
        %lt3A_487 = vector.broadcast %lt3A_486 : i32 to vector<16xi32>
        %lt3A_488 = arith.cmpi slt, %get3A_477, %lt3A_487 : vector<16xi32>
        %and3A_489 = arith.andi %ge3A_485, %lt3A_488 : vector<16xi1>
        %sub3A_490 = arith.constant 15104 : i32
        %sub3A_491 = vector.broadcast %sub3A_490 : i32 to vector<16xi32>
        %sub3A_492 = arith.subi %get3A_477, %sub3A_491 : vector<16xi32>
        %broadcast_in_dim3A_493 = arith.constant 15104 : i32
        %broadcast_in_dim3A_494 = vector.broadcast %broadcast_in_dim3A_493 : i32 to vector<16xi32>
        %select_n3A_495 = arith.select %and3A_489, %sub3A_492, %broadcast_in_dim3A_494 : vector<16xi1>, vector<16xi32>
        %swap3A_496 = arith.constant 1 : i32
        %swap3A_497 = arith.index_cast %swap3A_496 : i32 to index
        %swap3A_498 = arith.constant 16 : index
        %swap3A_499 = tpu.vector_load %arg8[%swap3A_497, %swap3A_498] {strides = array<i32>} : memref<2x32xi32, #tpu.memory_space<vmem>>, vector<1x16xi32>,
        %swap3A_500 = vector.shape_cast %swap3A_499 : vector<1x16xi32> to vector<16xi32>
        %swap3A_501 = vector.shape_cast %select_n3A_495 : vector<16xi32> to vector<1x16xi32>
        tpu.vector_store %arg8[%swap3A_497, %swap3A_498], %swap3A_501 {strides = array<i32>} : memref<2x32xi32, #tpu.memory_space<vmem>>, vector<1x16xi32>,
        %rem3A_502 = arith.constant 10000 : i32
        %rem3A_503 = vector.broadcast %rem3A_502 : i32 to vector<16xi32>
        %rem3A_504 = arith.remsi %get3A_482, %rem3A_503 : vector<16xi32>
        %mul3A_505 = arith.constant 2 : i32
        %mul3A_506 = vector.broadcast %mul3A_505 : i32 to vector<16xi32>
        %mul3A_507 = arith.muli %mul3A_506, %rem3A_504 : vector<16xi32>
        %add3A_508 = vector.broadcast %arg0 : i32 to vector<16xi32>
        %add3A_509 = arith.addi %mul3A_507, %add3A_508 : vector<16xi32>
        %swap3A_510 = arith.constant 1 : i32
        %swap3A_511 = arith.index_cast %swap3A_510 : i32 to index
        %swap3A_512 = arith.constant 16 : index
        %swap3A_513 = tpu.vector_load %arg7[%swap3A_511, %swap3A_512] {strides = array<i32>} : memref<2x32xi32, #tpu.memory_space<vmem>>, vector<1x16xi32>,
        %swap3A_514 = vector.shape_cast %swap3A_513 : vector<1x16xi32> to vector<16xi32>
        %swap3A_515 = vector.shape_cast %add3A_509 : vector<16xi32> to vector<1x16xi32>
        tpu.vector_store %arg7[%swap3A_511, %swap3A_512], %swap3A_515 {strides = array<i32>} : memref<2x32xi32, #tpu.memory_space<vmem>>, vector<1x16xi32>,
        %dma_start3A_516 = arith.constant 1 : i32
        %dma_start3A_517 = arith.constant 1 : i32
        %dma_start3A_518 = arith.constant 0 : i32
        %dma_start3A_519 = arith.constant 0 : i32
        %dma_start3A_520 = tpu.memref_slice %arg9[%dma_start3A_517, %dma_start3A_518, %dma_start3A_519] : memref<2x32x128xf32, #tpu.memory_space<vmem>> -> memref<1x32x128xf32, #tpu.memory_space<vmem>>
        %dma_start3A_521 = tpu.memref_squeeze %dma_start3A_520 : memref<1x32x128xf32, #tpu.memory_space<vmem>> -> memref<32x128xf32, #tpu.memory_space<vmem>>
        %dma_start3A_522 = arith.constant 0 : i32
        %dma_start3A_523 = tpu.memref_slice %arg7[%dma_start3A_516, %dma_start3A_522] : memref<2x32xi32, #tpu.memory_space<vmem>> -> memref<1x32xi32, #tpu.memory_space<vmem>>
        %dma_start3A_524 = tpu.memref_squeeze %dma_start3A_523 : memref<1x32xi32, #tpu.memory_space<vmem>> -> memref<32xi32, #tpu.memory_space<vmem>>
        %dma_start3A_525 = arith.constant 0 : i32
        %dma_start3A_526 = arith.constant 0 : i32
        %dma_start3A_527 = tpu.memref_slice %arg2[%dma_start3A_525, %dma_start3A_526] : memref<20000x128xf32, #tpu.memory_space<hbm>> -> memref<20000x128xf32, #tpu.memory_space<hbm>>
        tpu.enqueue_indirect_dma source(%dma_start3A_527 : memref<20000x128xf32, #tpu.memory_space<hbm>>) target(%dma_start3A_521 : memref<32x128xf32, #tpu.memory_space<vmem>>) offsets(%dma_start3A_524 : memref<32xi32, #tpu.memory_space<vmem>>) semaphore(%arg13 : memref<!tpu.dma_semaphore, #tpu.memory_space<semaphore_mem>>)
        %add3A_528 = arith.constant 2 : i32
        %add3A_529 = arith.addi %add3A_349, %add3A_528 : i32
        %lt3A_530 = arith.constant 316 : i32
        %lt3A_531 = arith.cmpi slt, %add3A_529, %lt3A_530 : i32
        %convert_element_type3A_532 = arith.extui %lt3A_531 : i1 to i32
        %cond3A_533 = arith.constant 0 : i32
        %cond3A_534 = arith.cmpi ne, %convert_element_type3A_532, %cond3A_533 : i32
        scf.if %cond3A_534 {
          %add3A_535 = arith.constant 2 : i32
          %add3A_536 = arith.addi %add3A_349, %add3A_535 : i32
          %mul3A_537 = arith.constant 316 : i32
          %mul3A_538 = arith.muli %arg1, %mul3A_537 : i32
          %add3A_539 = arith.addi %mul3A_538, %add3A_536 : i32
          %mul3A_540 = arith.constant 64 : i32
          %mul3A_541 = arith.muli %add3A_539, %mul3A_540 : i32
          %dma_start3A_542 = arith.constant 0 : i32
          %dma_start3A_543 = arith.constant 0 : i32
          %dma_start3A_544 = tpu.memref_slice %arg6[%dma_start3A_542, %dma_start3A_543] : memref<2x64xi32, #tpu.memory_space<vmem>> -> memref<1x64xi32, #tpu.memory_space<vmem>>
          %dma_start3A_545 = tpu.memref_squeeze %dma_start3A_544 : memref<1x64xi32, #tpu.memory_space<vmem>> -> memref<64xi32, #tpu.memory_space<vmem>>
          %dma_start3A_546 = tpu.memref_slice %arg3[%mul3A_541] : memref<323584xi32, #tpu.memory_space<hbm>> -> memref<64xi32, #tpu.memory_space<hbm>>
          %dma_start3A_547 = arith.constant 0 : i32
          %dma_start3A_548 = tpu.memref_slice %arg6[%dma_start3A_542, %dma_start3A_547] : memref<2x64xi32, #tpu.memory_space<vmem>> -> memref<1x64xi32, #tpu.memory_space<vmem>>
          %dma_start3A_549 = tpu.memref_squeeze %dma_start3A_548 : memref<1x64xi32, #tpu.memory_space<vmem>> -> memref<64xi32, #tpu.memory_space<vmem>>
          %dma_start3A_550 = tpu.memref_slice %arg3[%mul3A_541] : memref<323584xi32, #tpu.memory_space<hbm>> -> memref<64xi32, #tpu.memory_space<hbm>>
          tpu.enqueue_dma source(%dma_start3A_550 : memref<64xi32, #tpu.memory_space<hbm>>) target(%dma_start3A_549 : memref<64xi32, #tpu.memory_space<vmem>>) target_semaphore(%arg11 : memref<!tpu.dma_semaphore, #tpu.memory_space<semaphore_mem>>)
        } else {
        }
      } else {
      }
      %dma_wait3A_355 = arith.constant 0 : i32
      %dma_wait3A_356 = arith.constant 0 : i32
      %dma_wait3A_357 = arith.constant 0 : i32
      %dma_wait3A_358 = arith.constant 0 : i32
      %dma_wait3A_359 = tpu.memref_slice %arg9[%dma_wait3A_356, %dma_wait3A_357, %dma_wait3A_358] : memref<2x32x128xf32, #tpu.memory_space<vmem>> -> memref<1x32x128xf32, #tpu.memory_space<vmem>>
      %dma_wait3A_360 = tpu.memref_squeeze %dma_wait3A_359 : memref<1x32x128xf32, #tpu.memory_space<vmem>> -> memref<32x128xf32, #tpu.memory_space<vmem>>
      %dma_wait3A_361 = arith.constant 0 : i32
      %dma_wait3A_362 = tpu.memref_slice %arg7[%dma_wait3A_355, %dma_wait3A_361] : memref<2x32xi32, #tpu.memory_space<vmem>> -> memref<1x32xi32, #tpu.memory_space<vmem>>
      %dma_wait3A_363 = tpu.memref_squeeze %dma_wait3A_362 : memref<1x32xi32, #tpu.memory_space<vmem>> -> memref<32xi32, #tpu.memory_space<vmem>>
      %dma_wait3A_364 = arith.constant 0 : i32
      %dma_wait3A_365 = arith.constant 0 : i32
      %dma_wait3A_366 = tpu.memref_slice %arg2[%dma_wait3A_364, %dma_wait3A_365] : memref<20000x128xf32, #tpu.memory_space<hbm>> -> memref<20000x128xf32, #tpu.memory_space<hbm>>
      tpu.wait_indirect_dma semaphore(%arg12 : memref<!tpu.dma_semaphore, #tpu.memory_space<semaphore_mem>>) src(%dma_wait3A_366 : memref<20000x128xf32, #tpu.memory_space<hbm>>) dst(%dma_wait3A_360 : memref<32x128xf32, #tpu.memory_space<vmem>>)
      %dma_start3A_367 = arith.constant 0 : i32
      %dma_start3A_368 = arith.constant 0 : i32
      %dma_start3A_369 = arith.constant 0 : i32
      %dma_start3A_370 = arith.constant 0 : i32
      %dma_start3A_371 = tpu.memref_slice %arg9[%dma_start3A_367, %dma_start3A_369, %dma_start3A_370] : memref<2x32x128xf32, #tpu.memory_space<vmem>> -> memref<1x32x128xf32, #tpu.memory_space<vmem>>
      %dma_start3A_372 = tpu.memref_squeeze %dma_start3A_371 : memref<1x32x128xf32, #tpu.memory_space<vmem>> -> memref<32x128xf32, #tpu.memory_space<vmem>>
      %dma_start3A_373 = arith.constant 0 : i32
      %dma_start3A_374 = tpu.memref_slice %arg8[%dma_start3A_368, %dma_start3A_373] : memref<2x32xi32, #tpu.memory_space<vmem>> -> memref<1x32xi32, #tpu.memory_space<vmem>>
      %dma_start3A_375 = tpu.memref_squeeze %dma_start3A_374 : memref<1x32xi32, #tpu.memory_space<vmem>> -> memref<32xi32, #tpu.memory_space<vmem>>
      %dma_start3A_376 = arith.constant 0 : i32
      %dma_start3A_377 = arith.constant 0 : i32
      %dma_start3A_378 = tpu.memref_slice %arg10[%dma_start3A_376, %dma_start3A_377] : memref<15112x128xf32, #tpu.memory_space<vmem_shared>> -> memref<15112x128xf32, #tpu.memory_space<vmem_shared>>
      tpu.enqueue_indirect_dma source(%dma_start3A_372 : memref<32x128xf32, #tpu.memory_space<vmem>>) target(%dma_start3A_378 : memref<15112x128xf32, #tpu.memory_space<vmem_shared>>) offsets(%dma_start3A_375 : memref<32xi32, #tpu.memory_space<vmem>>) semaphore(%arg14 : memref<!tpu.dma_semaphore, #tpu.memory_space<semaphore_mem>>) {add = true}
      %mul3A_379 = arith.constant 2 : i32
      %mul3A_380 = arith.muli %scan3A_345, %mul3A_379 : i32
      %add3A_381 = arith.constant 1 : i32
      %add3A_382 = arith.addi %mul3A_380, %add3A_381 : i32
      %add3A_383 = arith.constant 1 : i32
      %add3A_384 = arith.addi %add3A_382, %add3A_383 : i32
      %lt3A_385 = arith.constant 316 : i32
      %lt3A_386 = arith.cmpi slt, %add3A_384, %lt3A_385 : i32
      %convert_element_type3A_387 = arith.extui %lt3A_386 : i1 to i32
      %cond3A_388 = arith.constant 0 : i32
      %cond3A_389 = arith.cmpi ne, %convert_element_type3A_387, %cond3A_388 : i32
      scf.if %cond3A_389 {
        %dma_wait3A_414 = arith.constant 0 : i32
        %dma_wait3A_415 = arith.constant 0 : i32
        %dma_wait3A_416 = tpu.memref_slice %arg6[%dma_wait3A_414, %dma_wait3A_415] : memref<2x64xi32, #tpu.memory_space<vmem>> -> memref<1x64xi32, #tpu.memory_space<vmem>>
        %dma_wait3A_417 = tpu.memref_squeeze %dma_wait3A_416 : memref<1x64xi32, #tpu.memory_space<vmem>> -> memref<64xi32, #tpu.memory_space<vmem>>
        %dma_wait3A_418 = arith.constant 0 : i32
        %dma_wait3A_419 = tpu.memref_slice %arg3[%dma_wait3A_418] : memref<323584xi32, #tpu.memory_space<hbm>> -> memref<64xi32, #tpu.memory_space<hbm>>
        %dma_wait3A_420 = arith.constant 0 : i32
        %dma_wait3A_421 = tpu.memref_slice %arg6[%dma_wait3A_414, %dma_wait3A_420] : memref<2x64xi32, #tpu.memory_space<vmem>> -> memref<1x64xi32, #tpu.memory_space<vmem>>
        %dma_wait3A_422 = tpu.memref_squeeze %dma_wait3A_421 : memref<1x64xi32, #tpu.memory_space<vmem>> -> memref<64xi32, #tpu.memory_space<vmem>>
        %dma_wait3A_423 = arith.constant 0 : i32
        %dma_wait3A_424 = tpu.memref_slice %arg3[%dma_wait3A_423] : memref<323584xi32, #tpu.memory_space<hbm>> -> memref<64xi32, #tpu.memory_space<hbm>>
        tpu.wait_dma2 semaphore(%arg11 : memref<!tpu.dma_semaphore, #tpu.memory_space<semaphore_mem>>) src(%dma_wait3A_424 : memref<64xi32, #tpu.memory_space<hbm>>) dst(%dma_wait3A_422 : memref<64xi32, #tpu.memory_space<vmem>>)
        %ge3A_425 = arith.constant 1 : i32
        %ge3A_426 = arith.cmpi sge, %add3A_382, %ge3A_425 : i32
        %convert_element_type3A_427 = arith.extui %ge3A_426 : i1 to i32
        %cond3A_428 = arith.constant 0 : i32
        %cond3A_429 = arith.cmpi ne, %convert_element_type3A_427, %cond3A_428 : i32
        scf.if %cond3A_429 {
          %dma_wait3A_535 = arith.constant 0 : i32
          %dma_wait3A_536 = arith.constant 0 : i32
          %dma_wait3A_537 = arith.constant 0 : i32
          %dma_wait3A_538 = arith.constant 0 : i32
          %dma_wait3A_539 = tpu.memref_slice %arg9[%dma_wait3A_535, %dma_wait3A_537, %dma_wait3A_538] : memref<2x32x128xf32, #tpu.memory_space<vmem>> -> memref<1x32x128xf32, #tpu.memory_space<vmem>>
          %dma_wait3A_540 = tpu.memref_squeeze %dma_wait3A_539 : memref<1x32x128xf32, #tpu.memory_space<vmem>> -> memref<32x128xf32, #tpu.memory_space<vmem>>
          %dma_wait3A_541 = arith.constant 0 : i32
          %dma_wait3A_542 = tpu.memref_slice %arg8[%dma_wait3A_536, %dma_wait3A_541] : memref<2x32xi32, #tpu.memory_space<vmem>> -> memref<1x32xi32, #tpu.memory_space<vmem>>
          %dma_wait3A_543 = tpu.memref_squeeze %dma_wait3A_542 : memref<1x32xi32, #tpu.memory_space<vmem>> -> memref<32xi32, #tpu.memory_space<vmem>>
          %dma_wait3A_544 = arith.constant 0 : i32
          %dma_wait3A_545 = arith.constant 0 : i32
          %dma_wait3A_546 = tpu.memref_slice %arg10[%dma_wait3A_544, %dma_wait3A_545] : memref<15112x128xf32, #tpu.memory_space<vmem_shared>> -> memref<15112x128xf32, #tpu.memory_space<vmem_shared>>
          tpu.wait_indirect_dma semaphore(%arg14 : memref<!tpu.dma_semaphore, #tpu.memory_space<semaphore_mem>>) src(%dma_wait3A_540 : memref<32x128xf32, #tpu.memory_space<vmem>>) dst(%dma_wait3A_546 : memref<15112x128xf32, #tpu.memory_space<vmem_shared>>)
        } else {
        }
        %get3A_430 = arith.constant 0 : i32
        %get3A_431 = arith.index_cast %get3A_430 : i32 to index
        %get3A_432 = arith.constant 0 : index
        %get3A_433 = tpu.vector_load %arg6[%get3A_431, %get3A_432] {strides = array<i32>} : memref<2x64xi32, #tpu.memory_space<vmem>>, vector<1x16xi32>,
        %get3A_434 = vector.shape_cast %get3A_433 : vector<1x16xi32> to vector<16xi32>
        %get3A_435 = arith.constant 0 : i32
        %get3A_436 = arith.index_cast %get3A_435 : i32 to index
        %get3A_437 = arith.constant 32 : index
        %get3A_438 = tpu.vector_load %arg6[%get3A_436, %get3A_437] {strides = array<i32>} : memref<2x64xi32, #tpu.memory_space<vmem>>, vector<1x16xi32>,
        %get3A_439 = vector.shape_cast %get3A_438 : vector<1x16xi32> to vector<16xi32>
        %ge3A_440 = arith.constant 15104 : i32
        %ge3A_441 = vector.broadcast %ge3A_440 : i32 to vector<16xi32>
        %ge3A_442 = arith.cmpi sge, %get3A_434, %ge3A_441 : vector<16xi32>
        %lt3A_443 = arith.constant 30208 : i32
        %lt3A_444 = vector.broadcast %lt3A_443 : i32 to vector<16xi32>
        %lt3A_445 = arith.cmpi slt, %get3A_434, %lt3A_444 : vector<16xi32>
        %and3A_446 = arith.andi %ge3A_442, %lt3A_445 : vector<16xi1>
        %sub3A_447 = arith.constant 15104 : i32
        %sub3A_448 = vector.broadcast %sub3A_447 : i32 to vector<16xi32>
        %sub3A_449 = arith.subi %get3A_434, %sub3A_448 : vector<16xi32>
        %broadcast_in_dim3A_450 = arith.constant 15104 : i32
        %broadcast_in_dim3A_451 = vector.broadcast %broadcast_in_dim3A_450 : i32 to vector<16xi32>
        %select_n3A_452 = arith.select %and3A_446, %sub3A_449, %broadcast_in_dim3A_451 : vector<16xi1>, vector<16xi32>
        %swap3A_453 = arith.constant 0 : i32
        %swap3A_454 = arith.index_cast %swap3A_453 : i32 to index
        %swap3A_455 = arith.constant 0 : index
        %swap3A_456 = tpu.vector_load %arg8[%swap3A_454, %swap3A_455] {strides = array<i32>} : memref<2x32xi32, #tpu.memory_space<vmem>>, vector<1x16xi32>,
        %swap3A_457 = vector.shape_cast %swap3A_456 : vector<1x16xi32> to vector<16xi32>
        %swap3A_458 = vector.shape_cast %select_n3A_452 : vector<16xi32> to vector<1x16xi32>
        tpu.vector_store %arg8[%swap3A_454, %swap3A_455], %swap3A_458 {strides = array<i32>} : memref<2x32xi32, #tpu.memory_space<vmem>>, vector<1x16xi32>,
        %rem3A_459 = arith.constant 10000 : i32
        %rem3A_460 = vector.broadcast %rem3A_459 : i32 to vector<16xi32>
        %rem3A_461 = arith.remsi %get3A_439, %rem3A_460 : vector<16xi32>
        %mul3A_462 = arith.constant 2 : i32
        %mul3A_463 = vector.broadcast %mul3A_462 : i32 to vector<16xi32>
        %mul3A_464 = arith.muli %mul3A_463, %rem3A_461 : vector<16xi32>
        %add3A_465 = vector.broadcast %arg0 : i32 to vector<16xi32>
        %add3A_466 = arith.addi %mul3A_464, %add3A_465 : vector<16xi32>
        %swap3A_467 = arith.constant 0 : i32
        %swap3A_468 = arith.index_cast %swap3A_467 : i32 to index
        %swap3A_469 = arith.constant 0 : index
        %swap3A_470 = tpu.vector_load %arg7[%swap3A_468, %swap3A_469] {strides = array<i32>} : memref<2x32xi32, #tpu.memory_space<vmem>>, vector<1x16xi32>,
        %swap3A_471 = vector.shape_cast %swap3A_470 : vector<1x16xi32> to vector<16xi32>
        %swap3A_472 = vector.shape_cast %add3A_466 : vector<16xi32> to vector<1x16xi32>
        tpu.vector_store %arg7[%swap3A_468, %swap3A_469], %swap3A_472 {strides = array<i32>} : memref<2x32xi32, #tpu.memory_space<vmem>>, vector<1x16xi32>,
        %get3A_473 = arith.constant 0 : i32
        %get3A_474 = arith.index_cast %get3A_473 : i32 to index
        %get3A_475 = arith.constant 16 : index
        %get3A_476 = tpu.vector_load %arg6[%get3A_474, %get3A_475] {strides = array<i32>} : memref<2x64xi32, #tpu.memory_space<vmem>>, vector<1x16xi32>,
        %get3A_477 = vector.shape_cast %get3A_476 : vector<1x16xi32> to vector<16xi32>
        %get3A_478 = arith.constant 0 : i32
        %get3A_479 = arith.index_cast %get3A_478 : i32 to index
        %get3A_480 = arith.constant 48 : index
        %get3A_481 = tpu.vector_load %arg6[%get3A_479, %get3A_480] {strides = array<i32>} : memref<2x64xi32, #tpu.memory_space<vmem>>, vector<1x16xi32>,
        %get3A_482 = vector.shape_cast %get3A_481 : vector<1x16xi32> to vector<16xi32>
        %ge3A_483 = arith.constant 15104 : i32
        %ge3A_484 = vector.broadcast %ge3A_483 : i32 to vector<16xi32>
        %ge3A_485 = arith.cmpi sge, %get3A_477, %ge3A_484 : vector<16xi32>
        %lt3A_486 = arith.constant 30208 : i32
        %lt3A_487 = vector.broadcast %lt3A_486 : i32 to vector<16xi32>
        %lt3A_488 = arith.cmpi slt, %get3A_477, %lt3A_487 : vector<16xi32>
        %and3A_489 = arith.andi %ge3A_485, %lt3A_488 : vector<16xi1>
        %sub3A_490 = arith.constant 15104 : i32
        %sub3A_491 = vector.broadcast %sub3A_490 : i32 to vector<16xi32>
        %sub3A_492 = arith.subi %get3A_477, %sub3A_491 : vector<16xi32>
        %broadcast_in_dim3A_493 = arith.constant 15104 : i32
        %broadcast_in_dim3A_494 = vector.broadcast %broadcast_in_dim3A_493 : i32 to vector<16xi32>
        %select_n3A_495 = arith.select %and3A_489, %sub3A_492, %broadcast_in_dim3A_494 : vector<16xi1>, vector<16xi32>
        %swap3A_496 = arith.constant 0 : i32
        %swap3A_497 = arith.index_cast %swap3A_496 : i32 to index
        %swap3A_498 = arith.constant 16 : index
        %swap3A_499 = tpu.vector_load %arg8[%swap3A_497, %swap3A_498] {strides = array<i32>} : memref<2x32xi32, #tpu.memory_space<vmem>>, vector<1x16xi32>,
        %swap3A_500 = vector.shape_cast %swap3A_499 : vector<1x16xi32> to vector<16xi32>
        %swap3A_501 = vector.shape_cast %select_n3A_495 : vector<16xi32> to vector<1x16xi32>
        tpu.vector_store %arg8[%swap3A_497, %swap3A_498], %swap3A_501 {strides = array<i32>} : memref<2x32xi32, #tpu.memory_space<vmem>>, vector<1x16xi32>,
        %rem3A_502 = arith.constant 10000 : i32
        %rem3A_503 = vector.broadcast %rem3A_502 : i32 to vector<16xi32>
        %rem3A_504 = arith.remsi %get3A_482, %rem3A_503 : vector<16xi32>
        %mul3A_505 = arith.constant 2 : i32
        %mul3A_506 = vector.broadcast %mul3A_505 : i32 to vector<16xi32>
        %mul3A_507 = arith.muli %mul3A_506, %rem3A_504 : vector<16xi32>
        %add3A_508 = vector.broadcast %arg0 : i32 to vector<16xi32>
        %add3A_509 = arith.addi %mul3A_507, %add3A_508 : vector<16xi32>
        %swap3A_510 = arith.constant 0 : i32
        %swap3A_511 = arith.index_cast %swap3A_510 : i32 to index
        %swap3A_512 = arith.constant 16 : index
        %swap3A_513 = tpu.vector_load %arg7[%swap3A_511, %swap3A_512] {strides = array<i32>} : memref<2x32xi32, #tpu.memory_space<vmem>>, vector<1x16xi32>,
        %swap3A_514 = vector.shape_cast %swap3A_513 : vector<1x16xi32> to vector<16xi32>
        %swap3A_515 = vector.shape_cast %add3A_509 : vector<16xi32> to vector<1x16xi32>
        tpu.vector_store %arg7[%swap3A_511, %swap3A_512], %swap3A_515 {strides = array<i32>} : memref<2x32xi32, #tpu.memory_space<vmem>>, vector<1x16xi32>,
        %dma_start3A_516 = arith.constant 0 : i32
        %dma_start3A_517 = arith.constant 0 : i32
        %dma_start3A_518 = arith.constant 0 : i32
        %dma_start3A_519 = arith.constant 0 : i32
        %dma_start3A_520 = tpu.memref_slice %arg9[%dma_start3A_517, %dma_start3A_518, %dma_start3A_519] : memref<2x32x128xf32, #tpu.memory_space<vmem>> -> memref<1x32x128xf32, #tpu.memory_space<vmem>>
        %dma_start3A_521 = tpu.memref_squeeze %dma_start3A_520 : memref<1x32x128xf32, #tpu.memory_space<vmem>> -> memref<32x128xf32, #tpu.memory_space<vmem>>
        %dma_start3A_522 = arith.constant 0 : i32
        %dma_start3A_523 = tpu.memref_slice %arg7[%dma_start3A_516, %dma_start3A_522] : memref<2x32xi32, #tpu.memory_space<vmem>> -> memref<1x32xi32, #tpu.memory_space<vmem>>
        %dma_start3A_524 = tpu.memref_squeeze %dma_start3A_523 : memref<1x32xi32, #tpu.memory_space<vmem>> -> memref<32xi32, #tpu.memory_space<vmem>>
        %dma_start3A_525 = arith.constant 0 : i32
        %dma_start3A_526 = arith.constant 0 : i32
        %dma_start3A_527 = tpu.memref_slice %arg2[%dma_start3A_525, %dma_start3A_526] : memref<20000x128xf32, #tpu.memory_space<hbm>> -> memref<20000x128xf32, #tpu.memory_space<hbm>>
        tpu.enqueue_indirect_dma source(%dma_start3A_527 : memref<20000x128xf32, #tpu.memory_space<hbm>>) target(%dma_start3A_521 : memref<32x128xf32, #tpu.memory_space<vmem>>) offsets(%dma_start3A_524 : memref<32xi32, #tpu.memory_space<vmem>>) semaphore(%arg12 : memref<!tpu.dma_semaphore, #tpu.memory_space<semaphore_mem>>)
        %add3A_528 = arith.constant 2 : i32
        %add3A_529 = arith.addi %add3A_382, %add3A_528 : i32
        %lt3A_530 = arith.constant 316 : i32
        %lt3A_531 = arith.cmpi slt, %add3A_529, %lt3A_530 : i32
        %convert_element_type3A_532 = arith.extui %lt3A_531 : i1 to i32
        %cond3A_533 = arith.constant 0 : i32
        %cond3A_534 = arith.cmpi ne, %convert_element_type3A_532, %cond3A_533 : i32
        scf.if %cond3A_534 {
          %add3A_535 = arith.constant 2 : i32
          %add3A_536 = arith.addi %add3A_382, %add3A_535 : i32
          %mul3A_537 = arith.constant 316 : i32
          %mul3A_538 = arith.muli %arg1, %mul3A_537 : i32
          %add3A_539 = arith.addi %mul3A_538, %add3A_536 : i32
          %mul3A_540 = arith.constant 64 : i32
          %mul3A_541 = arith.muli %add3A_539, %mul3A_540 : i32
          %dma_start3A_542 = arith.constant 1 : i32
          %dma_start3A_543 = arith.constant 0 : i32
          %dma_start3A_544 = tpu.memref_slice %arg6[%dma_start3A_542, %dma_start3A_543] : memref<2x64xi32, #tpu.memory_space<vmem>> -> memref<1x64xi32, #tpu.memory_space<vmem>>
          %dma_start3A_545 = tpu.memref_squeeze %dma_start3A_544 : memref<1x64xi32, #tpu.memory_space<vmem>> -> memref<64xi32, #tpu.memory_space<vmem>>
          %dma_start3A_546 = tpu.memref_slice %arg3[%mul3A_541] : memref<323584xi32, #tpu.memory_space<hbm>> -> memref<64xi32, #tpu.memory_space<hbm>>
          %dma_start3A_547 = arith.constant 0 : i32
          %dma_start3A_548 = tpu.memref_slice %arg6[%dma_start3A_542, %dma_start3A_547] : memref<2x64xi32, #tpu.memory_space<vmem>> -> memref<1x64xi32, #tpu.memory_space<vmem>>
          %dma_start3A_549 = tpu.memref_squeeze %dma_start3A_548 : memref<1x64xi32, #tpu.memory_space<vmem>> -> memref<64xi32, #tpu.memory_space<vmem>>
          %dma_start3A_550 = tpu.memref_slice %arg3[%mul3A_541] : memref<323584xi32, #tpu.memory_space<hbm>> -> memref<64xi32, #tpu.memory_space<hbm>>
          tpu.enqueue_dma source(%dma_start3A_550 : memref<64xi32, #tpu.memory_space<hbm>>) target(%dma_start3A_549 : memref<64xi32, #tpu.memory_space<vmem>>) target_semaphore(%arg11 : memref<!tpu.dma_semaphore, #tpu.memory_space<semaphore_mem>>)
        } else {
        }
      } else {
      }
      %dma_wait3A_390 = arith.constant 1 : i32
      %dma_wait3A_391 = arith.constant 1 : i32
      %dma_wait3A_392 = arith.constant 0 : i32
      %dma_wait3A_393 = arith.constant 0 : i32
      %dma_wait3A_394 = tpu.memref_slice %arg9[%dma_wait3A_391, %dma_wait3A_392, %dma_wait3A_393] : memref<2x32x128xf32, #tpu.memory_space<vmem>> -> memref<1x32x128xf32, #tpu.memory_space<vmem>>
      %dma_wait3A_395 = tpu.memref_squeeze %dma_wait3A_394 : memref<1x32x128xf32, #tpu.memory_space<vmem>> -> memref<32x128xf32, #tpu.memory_space<vmem>>
      %dma_wait3A_396 = arith.constant 0 : i32
      %dma_wait3A_397 = tpu.memref_slice %arg7[%dma_wait3A_390, %dma_wait3A_396] : memref<2x32xi32, #tpu.memory_space<vmem>> -> memref<1x32xi32, #tpu.memory_space<vmem>>
      %dma_wait3A_398 = tpu.memref_squeeze %dma_wait3A_397 : memref<1x32xi32, #tpu.memory_space<vmem>> -> memref<32xi32, #tpu.memory_space<vmem>>
      %dma_wait3A_399 = arith.constant 0 : i32
      %dma_wait3A_400 = arith.constant 0 : i32
      %dma_wait3A_401 = tpu.memref_slice %arg2[%dma_wait3A_399, %dma_wait3A_400] : memref<20000x128xf32, #tpu.memory_space<hbm>> -> memref<20000x128xf32, #tpu.memory_space<hbm>>
      tpu.wait_indirect_dma semaphore(%arg13 : memref<!tpu.dma_semaphore, #tpu.memory_space<semaphore_mem>>) src(%dma_wait3A_401 : memref<20000x128xf32, #tpu.memory_space<hbm>>) dst(%dma_wait3A_395 : memref<32x128xf32, #tpu.memory_space<vmem>>)
      %dma_start3A_402 = arith.constant 1 : i32
      %dma_start3A_403 = arith.constant 1 : i32
      %dma_start3A_404 = arith.constant 0 : i32
      %dma_start3A_405 = arith.constant 0 : i32
      %dma_start3A_406 = tpu.memref_slice %arg9[%dma_start3A_402, %dma_start3A_404, %dma_start3A_405] : memref<2x32x128xf32, #tpu.memory_space<vmem>> -> memref<1x32x128xf32, #tpu.memory_space<vmem>>
      %dma_start3A_407 = tpu.memref_squeeze %dma_start3A_406 : memref<1x32x128xf32, #tpu.memory_space<vmem>> -> memref<32x128xf32, #tpu.memory_space<vmem>>
      %dma_start3A_408 = arith.constant 0 : i32
      %dma_start3A_409 = tpu.memref_slice %arg8[%dma_start3A_403, %dma_start3A_408] : memref<2x32xi32, #tpu.memory_space<vmem>> -> memref<1x32xi32, #tpu.memory_space<vmem>>
      %dma_start3A_410 = tpu.memref_squeeze %dma_start3A_409 : memref<1x32xi32, #tpu.memory_space<vmem>> -> memref<32xi32, #tpu.memory_space<vmem>>
      %dma_start3A_411 = arith.constant 0 : i32
      %dma_start3A_412 = arith.constant 0 : i32
      %dma_start3A_413 = tpu.memref_slice %arg10[%dma_start3A_411, %dma_start3A_412] : memref<15112x128xf32, #tpu.memory_space<vmem_shared>> -> memref<15112x128xf32, #tpu.memory_space<vmem_shared>>
      tpu.enqueue_indirect_dma source(%dma_start3A_407 : memref<32x128xf32, #tpu.memory_space<vmem>>) target(%dma_start3A_413 : memref<15112x128xf32, #tpu.memory_space<vmem_shared>>) offsets(%dma_start3A_410 : memref<32xi32, #tpu.memory_space<vmem>>) semaphore(%arg15 : memref<!tpu.dma_semaphore, #tpu.memory_space<semaphore_mem>>) {add = true}
    }
    %scan3A_312 = arith.constant 158 : i32
    %dma_wait3A_313 = arith.constant 0 : i32
    %dma_wait3A_314 = arith.constant 0 : i32
    %dma_wait3A_315 = arith.constant 0 : i32
    %dma_wait3A_316 = arith.constant 0 : i32
    %dma_wait3A_317 = tpu.memref_slice %arg9[%dma_wait3A_313, %dma_wait3A_315, %dma_wait3A_316] : memref<2x32x128xf32, #tpu.memory_space<vmem>> -> memref<1x32x128xf32, #tpu.memory_space<vmem>>
    %dma_wait3A_318 = tpu.memref_squeeze %dma_wait3A_317 : memref<1x32x128xf32, #tpu.memory_space<vmem>> -> memref<32x128xf32, #tpu.memory_space<vmem>>
    %dma_wait3A_319 = arith.constant 0 : i32
    %dma_wait3A_320 = tpu.memref_slice %arg8[%dma_wait3A_314, %dma_wait3A_319] : memref<2x32xi32, #tpu.memory_space<vmem>> -> memref<1x32xi32, #tpu.memory_space<vmem>>
    %dma_wait3A_321 = tpu.memref_squeeze %dma_wait3A_320 : memref<1x32xi32, #tpu.memory_space<vmem>> -> memref<32xi32, #tpu.memory_space<vmem>>
    %dma_wait3A_322 = arith.constant 0 : i32
    %dma_wait3A_323 = arith.constant 0 : i32
    %dma_wait3A_324 = tpu.memref_slice %arg10[%dma_wait3A_322, %dma_wait3A_323] : memref<15112x128xf32, #tpu.memory_space<vmem_shared>> -> memref<15112x128xf32, #tpu.memory_space<vmem_shared>>
    tpu.wait_indirect_dma semaphore(%arg14 : memref<!tpu.dma_semaphore, #tpu.memory_space<semaphore_mem>>) src(%dma_wait3A_318 : memref<32x128xf32, #tpu.memory_space<vmem>>) dst(%dma_wait3A_324 : memref<15112x128xf32, #tpu.memory_space<vmem_shared>>)
    %dma_wait3A_325 = arith.constant 1 : i32
    %dma_wait3A_326 = arith.constant 1 : i32
    %dma_wait3A_327 = arith.constant 0 : i32
    %dma_wait3A_328 = arith.constant 0 : i32
    %dma_wait3A_329 = tpu.memref_slice %arg9[%dma_wait3A_325, %dma_wait3A_327, %dma_wait3A_328] : memref<2x32x128xf32, #tpu.memory_space<vmem>> -> memref<1x32x128xf32, #tpu.memory_space<vmem>>
    %dma_wait3A_330 = tpu.memref_squeeze %dma_wait3A_329 : memref<1x32x128xf32, #tpu.memory_space<vmem>> -> memref<32x128xf32, #tpu.memory_space<vmem>>
    %dma_wait3A_331 = arith.constant 0 : i32
    %dma_wait3A_332 = tpu.memref_slice %arg8[%dma_wait3A_326, %dma_wait3A_331] : memref<2x32xi32, #tpu.memory_space<vmem>> -> memref<1x32xi32, #tpu.memory_space<vmem>>
    %dma_wait3A_333 = tpu.memref_squeeze %dma_wait3A_332 : memref<1x32xi32, #tpu.memory_space<vmem>> -> memref<32xi32, #tpu.memory_space<vmem>>
    %dma_wait3A_334 = arith.constant 0 : i32
    %dma_wait3A_335 = arith.constant 0 : i32
    %dma_wait3A_336 = tpu.memref_slice %arg10[%dma_wait3A_334, %dma_wait3A_335] : memref<15112x128xf32, #tpu.memory_space<vmem_shared>> -> memref<15112x128xf32, #tpu.memory_space<vmem_shared>>
    tpu.wait_indirect_dma semaphore(%arg15 : memref<!tpu.dma_semaphore, #tpu.memory_space<semaphore_mem>>) src(%dma_wait3A_330 : memref<32x128xf32, #tpu.memory_space<vmem>>) dst(%dma_wait3A_336 : memref<15112x128xf32, #tpu.memory_space<vmem_shared>>)
    %barrier3A_337 = arith.constant 0 : index
    tpu.barrier barrier_id(%barrier3A_337)
    %mul3A_338 = arith.constant 944 : i32
    %mul3A_339 = arith.muli %arg1, %mul3A_338 : i32
    %mul3A_340 = arith.constant 944 : i32
    %mul3A_341 = arith.muli %arg1, %mul3A_340 : i32
    %add3A_342 = arith.constant 15104 : i32
    %add3A_343 = arith.addi %add3A_342, %mul3A_341 : i32
    "tpu.region"() ({
      %run_scoped3A = tpu.sem_alloc : memref<!tpu.dma_semaphore, #tpu.memory_space<semaphore_mem>>
      %dma_start3A_345 = arith.constant 0 : i32
      %dma_start3A_346 = arith.constant 0 : i32
      %dma_start3A_347 = tpu.memref_slice %arg5[%arg0, %dma_start3A_345, %dma_start3A_346] : memref<2x30208x128xf32, #tpu.memory_space<hbm>> -> memref<1x30208x128xf32, #tpu.memory_space<hbm>>
      %dma_start3A_348 = tpu.memref_squeeze %dma_start3A_347 : memref<1x30208x128xf32, #tpu.memory_space<hbm>> -> memref<30208x128xf32, #tpu.memory_space<hbm>>
      %dma_start3A_349 = arith.constant 0 : i32
      %dma_start3A_350 = tpu.memref_slice %dma_start3A_348[%add3A_343, %dma_start3A_349] : memref<30208x128xf32, #tpu.memory_space<hbm>> -> memref<944x128xf32, #tpu.memory_space<hbm>>
      %dma_start3A_351 = arith.constant 0 : i32
      %dma_start3A_352 = tpu.memref_slice %arg10[%mul3A_339, %dma_start3A_351] : memref<15112x128xf32, #tpu.memory_space<vmem_shared>> -> memref<944x128xf32, #tpu.memory_space<vmem_shared>>
      tpu.enqueue_dma source(%dma_start3A_352 : memref<944x128xf32, #tpu.memory_space<vmem_shared>>) target(%dma_start3A_350 : memref<944x128xf32, #tpu.memory_space<hbm>>) target_semaphore(%run_scoped3A : memref<!tpu.dma_semaphore, #tpu.memory_space<semaphore_mem>>)
      %dma_wait3A_353 = arith.constant 0 : i32
      %dma_wait3A_354 = arith.constant 0 : i32
      %dma_wait3A_355 = tpu.memref_slice %arg5[%arg0, %dma_wait3A_353, %dma_wait3A_354] : memref<2x30208x128xf32, #tpu.memory_space<hbm>> -> memref<1x30208x128xf32, #tpu.memory_space<hbm>>
      %dma_wait3A_356 = tpu.memref_squeeze %dma_wait3A_355 : memref<1x30208x128xf32, #tpu.memory_space<hbm>> -> memref<30208x128xf32, #tpu.memory_space<hbm>>
      %dma_wait3A_357 = arith.constant 0 : i32
      %dma_wait3A_358 = tpu.memref_slice %dma_wait3A_356[%add3A_343, %dma_wait3A_357] : memref<30208x128xf32, #tpu.memory_space<hbm>> -> memref<944x128xf32, #tpu.memory_space<hbm>>
      %dma_wait3A_359 = arith.constant 0 : i32
      %dma_wait3A_360 = tpu.memref_slice %arg10[%mul3A_339, %dma_wait3A_359] : memref<15112x128xf32, #tpu.memory_space<vmem_shared>> -> memref<944x128xf32, #tpu.memory_space<vmem_shared>>
      tpu.wait_dma2 semaphore(%run_scoped3A : memref<!tpu.dma_semaphore, #tpu.memory_space<semaphore_mem>>) src(%dma_wait3A_360 : memref<944x128xf32, #tpu.memory_space<vmem_shared>>) dst(%dma_wait3A_358 : memref<944x128xf32, #tpu.memory_space<hbm>>)
      tpu.yield
    }) : () -> ()
    %barrier3A_344 = arith.constant 0 : index
    tpu.barrier barrier_id(%barrier3A_344)
    return
  }
}

</mosaic_0001>

<sc_bundles>
// kernel: _sc_scatter.3.cloned.1.call-start
scs
__scs_entry_jumppad:
0x0: {  	(pc) =	sbr.rel $0x88, $3  }
0x1: {  	(tag) =	ssettag $0x0;
	lr =	simm.s32 $0x1  }
0x2: {  	[smem:$0x3F9E] =	sst lr;
	_ =	strace $0xD0000000  }
0x3: {  	_ = 	snop  }
0x4: {  	_ = 	snop  }
0x5: {  	_ = 	snop  }
0x6: {  	_ = 	snop  }
0x7: {  	_ = 	snop  }
__scs_overlays_trampoline_lowered:
0x8: {  	[smem:$0x3FAD] =	sst s0  }
0x9: {  	[smem:$0x3FAE] =	sst s1  }
0xa: {  	[smem:$0x3FAF] =	sst s2  }
0xb: {  	[smem:$0x3FB0] =	sst s3  }
0xc: {  	[smem:$0x3FB1] =	sst s4  }
0xd: {  	[smem:$0x3FB2] =	sst s5  }
0xe: {  	[smem:$0x3FB3] =	sst s6  }
0xf: {  	[smem:$0x3FB4] =	sst s7  }
0x10: {  	[smem:$0x3FB5] =	sst s8  }
0x11: {  	[smem:$0x3FB6] =	sst s9;
	s0 =	simm.s32 @!p0 $0x0  }
0x12: {  	s1 =	sld [smem:$0x3F9C];
	s0 =	simm.s32 @p0 $0x1  }
0x13: {  	[smem:$0x3FB7] =	sst s0;
	s0 =	simm.s32 @!p1 $0x0  }
0x14: {  	s2 =	sld [smem:$0x3F9B];
	s0 =	simm.s32 @p1 $0x1  }
0x15: {  	[smem:$0x3FB8] =	sst s0;
	s0 =	simm.s32 @!p2 $0x0  }
0x16: {  	s3 =	sld [smem:$0x3FDB];
	s0 =	simm.s32 @p2 $0x1  }
0x17: {  	s4 =	simm.s32 $0x1BF5;
	[smem:$0x3FBA] =	sst s0  }
0x18: {  	s0 =	sld [smem:$0x3F9D];
	_ =	swait.ge [sflag:s4], $0x0  }
0x19: {  	s7 =	sld [smem:$0x3F9E]  }
0x1a: {  	s8 =	sadd.s32 $0xFFFFE003, lr  }
0x1b: {  	s9 =	sadd.s32 $0xFFFFFEF7, lr;
	s5 =	simm.s32 $0xFFFFFFFF;
	p2 =	slt.u32 s8, $0xFFFFF086  }
0x1c: {  	p1 =	slt.u32 s9, $0xF7A;
	s5 =	simm.s32 @!p2 $0x0  }
0x1d: {  	s5 =	simm.s32 @p1 $0x1;
	p0 =	seq.s32 s7, s2  }
0x1e: {  	s7 =	smul.u32 @!p0 $0xF7A, s2;
	p2 =	seq.s32 @!p0 s5, $0x0  }
0x1f: {  	s9 =	smul.u32 $0xF7A, s1;
	s8 =	simm.s32 @!p0 $0x1BF5;
	p2 =	por !p2, p0  }
0x20: {  	[sflag:s8] =	ssyncset.s32 @!p0 $0xFFFFF086;
	s6 =	sadd.s32 @!p0 s3, s7;
	s7 =	simm.s32 @!p0 $0x108  }
0x21: {  	s3 =	sadd.s32 s3, s9;
	s6 =	sadd.s32 @!p0 $0x88, s6;
	s7 =	simm.s32 @p2 $0x1082  }
0x22: {  	[simem:s7], [sflag:s8] =	dma.local @!p0 [hbm:s6], $0xF7A  }
0x23: {  	s9 =	sor.u32 $0xD0000000, s2;
	s6 =	simm.s32 $0x108;
	_ =	swait.ge @!p0 [sflag:s8], $0x0  }
0x24: {  	s3 =	sadd.s32 $0x88, s3;
	s6 =	simm.s32 @!p1 $0x1082;
	[sflag:s4] =	ssyncset.s32 $0xFFFFF086  }
0x25: {  	[simem:s6], [sflag:s4] =	dma.local [hbm:s3], $0xF7A  }
0x26: {  	[smem:$0x3F9E] =	sst s1;
	(tag) =	ssettag s2;
	_ =	strace s9  }
0x27: {  	s1 =	sld [smem:$0x3FAE]  }
0x28: {  	s2 =	sld [smem:$0x3FAF]  }
0x29: {  	s4 =	sld [smem:$0x3FB1]  }
0x2a: {  	p0 =	seq.s32 s5, $0x0;
	s5 =	sld [smem:$0x3FB2]  }
0x2b: {  	s6 =	sld [smem:$0x3FB3]  }
0x2c: {  	s7 =	sld [smem:$0x3FB4]  }
0x2d: {  	s3 =	simm.s32 $0x108;
	s8 =	sld [smem:$0x3FB5]  }
0x2e: {  	s3 =	simm.s32 @!p0 $0x1082;
	s9 =	sld [smem:$0x3FB6]  }
0x2f: {  	lr =	sadd.s32 s0, s3;
	s0 =	sld [smem:$0x3FAD]  }
0x30: {  	s3 =	sld [smem:$0x3FB0]  }
0x31: {  	[smem:$0x3FB9] =	sst s10  }
0x32: {  	s10 =	sld [smem:$0x3FB7];
	_ =	sdelay $0x3  }
0x33: {  	p0 =	seq.s32 s10, $0x1;
	s10 =	sld [smem:$0x3FB9];
	_ =	sdelay $0x3  }
0x34: {  	[smem:$0x3FB9] =	sst s10  }
0x35: {  	s10 =	sld [smem:$0x3FB8];
	_ =	sdelay $0x3  }
0x36: {  	p1 =	seq.s32 s10, $0x1;
	s10 =	sld [smem:$0x3FB9];
	_ =	sdelay $0x3  }
0x37: {  	[smem:$0x3FB9] =	sst s10  }
0x38: {  	s10 =	sld [smem:$0x3FBA]  }
0x39: {  	_ = 	snop;
	(pc) =	sbr.ind lr, $3  }
0x3a: {  	_ = 	snop  }
0x3b: {  	_ = 	snop  }
0x3c: {  	p2 =	seq.s32 s10, $0x1;
	s10 =	sld [smem:$0x3FB9]  }
0x3d: {  	_ =	shalt  }
0x3e: {  	_ =	shalt  }
0x3f: {  	_ =	shalt  }
0x40: {  	_ =	shalt  }
0x41: {  	_ =	shalt  }
0x42: {  	_ =	shalt  }
0x43: {  	_ =	shalt  }
0x44: {  	_ =	shalt  }
0x45: {  	_ =	shalt  }
0x46: {  	_ =	shalt  }
0x47: {  	_ =	shalt  }
0x48: {  	_ =	shalt  }
0x49: {  	_ =	shalt  }
0x4a: {  	_ =	shalt  }
0x4b: {  	_ =	shalt  }
0x4c: {  	_ =	shalt  }
0x4d: {  	_ =	shalt  }
0x4e: {  	_ =	shalt  }
0x4f: {  	_ =	shalt  }
0x50: {  	_ =	shalt  }
0x51: {  	_ =	shalt  }
0x52: {  	_ =	shalt  }
0x53: {  	_ =	shalt  }
0x54: {  	_ =	shalt  }
0x55: {  	_ =	shalt  }
0x56: {  	_ =	shalt  }
0x57: {  	_ =	shalt  }
0x58: {  	_ =	shalt  }
0x59: {  	_ =	shalt  }
0x5a: {  	_ =	shalt  }
0x5b: {  	_ =	shalt  }
0x5c: {  	_ =	shalt  }
0x5d: {  	_ =	shalt  }
0x5e: {  	_ =	shalt  }
0x5f: {  	_ =	shalt  }
0x60: {  	_ =	shalt  }
0x61: {  	_ =	shalt  }
0x62: {  	_ =	shalt  }
0x63: {  	_ =	shalt  }
0x64: {  	_ =	shalt  }
0x65: {  	_ =	shalt  }
0x66: {  	_ =	shalt  }
0x67: {  	_ =	shalt  }
0x68: {  	_ =	shalt  }
0x69: {  	_ =	shalt  }
0x6a: {  	_ =	shalt  }
0x6b: {  	_ =	shalt  }
0x6c: {  	_ =	shalt  }
0x6d: {  	_ =	shalt  }
0x6e: {  	_ =	shalt  }
0x6f: {  	_ =	shalt  }
0x70: {  	_ =	shalt  }
0x71: {  	_ =	shalt  }
0x72: {  	_ =	shalt  }
0x73: {  	_ =	shalt  }
0x74: {  	_ =	shalt  }
0x75: {  	_ =	shalt  }
0x76: {  	_ =	shalt  }
0x77: {  	_ =	shalt  }
0x78: {  	_ =	shalt  }
0x79: {  	_ =	shalt  }
0x7a: {  	_ =	shalt  }
0x7b: {  	_ =	shalt  }
0x7c: {  	_ =	shalt  }
0x7d: {  	_ =	shalt  }
0x7e: {  	_ =	shalt  }
0x7f: {  	_ =	shalt  }
0x80: {  	_ =	shalt  }
0x81: {  	_ =	shalt  }
0x82: {  	_ =	shalt  }
0x83: {  	_ =	shalt  }
0x84: {  	_ =	shalt  }
0x85: {  	_ =	shalt  }
0x86: {  	_ =	shalt  }
0x87: {  	_ =	shalt  }
.Lfunc_end0:
.L_simem_size_0:
called_computation_lowered:
.L_overlay_start_0:
0x88: {  	s2 =	sld [smem:$0x3FD9]  }
0x89: {  	s3 =	sld [smem:$0x3FFE];
	_ =	sdelay $0x1  }
0x8a: {  	s1 =	srdreg.scid  }
0x8b: {  	s0 =	sand.u32 $0x1, s1  }
0x8c: {  	s18 =	sshll.u32 s0, $0xA;
	s2 =	sadd.s32 s3, s2  }
0x8d: {  	s2 =	sadd.s32 s2, s18  }
0x8e: {  	[smem:$0x3FC5] =	sst s2  }
0x8f: {  	_ = 	snop  }
0x90: {  	s2 =	sld [smem:$0x3FC9]  }
0x91: {  	s19 =	sld [smem:$0x3FC8]  }
0x92: {  	s4 =	sld [smem:$0x3FC7]  }
0x93: {  	s5 =	sld [smem:$0x3FD0];
	(tm) =	ssettm $0x1  }
0x94: {  	s6 =	sld [smem:$0x3FFB];
	_ =	sdelay $0x3  }
0x95: {  	_ =	strace s6  }
0x96: {  	s6 =	sld [smem:$0x3FFC];
	_ =	sdelay $0x3  }
0x97: {  	_ =	strace s6  }
0x98: {  	s6 =	sld [smem:$0x3FFD];
	_ =	sdelay $0x3  }
0x99: {  	_ =	strace s6  }
0x9a: {  	_ =	strace $0x8FFFFFFF  }
0x9b: {  	s20 =	sld [smem:$0x3FDB];
	_ =	sdelay $0x1  }
0x9c: {  	s7 =	simm.s32 $_scs_section_size  }
0x9d: {  	s8 =	simm.s32 $_size__tile_overlayer_lowered;
	s9 =	simm.s32 $_tile_overlayer_lowered  }
0x9e: {  	s23 =	simm.s32 $0x1BFF;
	s22 =	sshll.u32 s9, $0x1;
	s6 =	sadd.s32 s7, s20  }
0x9f: {  	s10 =	simm.s32 $0x0;
	s21 =	sshll.u32 s8, $0x1;
	s8 =	sadd.s32 s22, s6  }
0xa0: {  	[timem:s10], [sflag:s23] =	dma.local [hbm:s8], s21  }
0xa1: {  	_ =	swait.ge [sflag:s23], s21  }
0xa2: {  	s7 =	ssub.s32 $0x0, s21;
	[sflag:s23] =	ssyncset.done $0x0  }
0xa3: {  	[sflag:s23] =	ssyncadd.s32 s7;
	_ =	sdelay $0x1  }
0xa4: {  	s24 =	simm.s32 $0x1B8B  }
0xa5: {  	_ =	swait.ge [sflag:s24], $0x1  }
0xa6: {  	[sflag:s24] =	ssyncset.done $0x0  }
0xa7: {  	s25 =	simm.s32 $0x1B8E;
	[sflag:s24] =	ssyncadd.s32 $0xFFFFFFFF  }
0xa8: {  	s26 =	simm.s32 $execute0_lowered;
	[smem:$0x3FD2] =	sst s25  }
0xa9: {  	s7 =	sshll.u32 s26, $0x1;
	_ =	strace $0x80000046;
	[dreg:$0x1] =	wrdreg $0xFFFFFFFF  }
0xaa: {  	s28 =	simm.s32 $_size_execute0_lowered;
	s6 =	sadd.s32 s6, s7;
	[dreg:$0x0] =	wrdreg $0x0  }
0xab: {  	s7 =	sshll.u32 s28, $0x1;
	[dreg:$0x2] =	wrdreg s6  }
0xac: {  	[dreg:$0x3] =	wrdreg s7  }
0xad: {  	[dreg:$0x4] =	wrdreg $0xC0  }
0xae: {  	_ =	task [dreg:s10], $0x5FFFF  }
0xaf: {  	[dreg:$0x1] =	wrdreg $0xFFFFFFFF  }
0xb0: {  	[dreg:$0x0] =	wrdreg $0x60  }
0xb1: {  	[dreg:$0x2] =	wrdreg s2  }
0xb2: {  	[dreg:$0x3] =	wrdreg s19  }
0xb3: {  	[dreg:$0x4] =	wrdreg s4  }
0xb4: {  	[dreg:$0x5] =	wrdreg s5  }
0xb5: {  	[dreg:$0x6] =	wrdreg $0x23000  }
0xb6: {  	[dreg:$0x7] =	wrdreg $0x9  }
0xb7: {  	_ =	task.clear_ibuf [dreg:s10], $0x8FFFF;
	_ =	strace $0x90000046  }
0xb8: {  	s29 =	simm.s32 $0x9;
	_ =	strace $0x80000048  }
0xb9: {  	_ =	swait.ge [sflag:s29], $0x1  }
0xba: {  	[sflag:s29] =	ssyncadd.s32 $0xFFFFFFFF  }
0xbb: {  	_ =	strace $0x90000048  }
0xbc: {  	_ =	sfence  }
0xbd: {  	s30 =	sld [smem:$0x0];
	_ =	sdelay $0x2  }
0xbe: {  	s31 =	sshll.u32 s1, $0xD;
	s1 =	sshrl.u32 s1, $0x2  }
0xbf: {  	s3 =	sand.u32 $0x4000, s31;
	s1 =	sadd.s32 s1, s30  }
0xc0: {  	s0 =	sor.u32 s3, s0;
	s1 =	sshll.u32 s1, $0x11  }
0xc1: {  	s0 =	sor.u32 s1, s0  }
0xc2: {  	s0 =	sadd.s32 $0x8F2B, s0  }
0xc3: {  	[sflag:s0] =	ssyncadd.remote.s32 $0x1  }
0xc4: {  	_ =	sfence.sel $0xFFFF  }
0xc5: {  	[dreg:$0x0] =	wrdreg $0xFFFFFFFF;
	(pc) =	sbr.abs _section_cstart, $3  }
0xc6: {  	[dreg:$0x1] =	wrdreg $0xFFFFFFFF  }
0xc7: {  	_ =	task.clear_ibuf [dreg:s10], $0x2FFFF;
	_ =	strace $0x9FFFFFFF  }
0xc8: {  	(tm) =	ssettm $0x7FFFFFFF  }
0xc9: {  	_ =	shalt  }
tec
execute0_lowered:
.L_overlay_start_1:
0x0: {  	(tag) =	ssettag $0x1  }
0x1: {  	s0 =	rddreg [dreg:$0x1]  }
0x2: {  	s1 =	rddreg [dreg:$0x3];
	s9 =	stileid.u32  }
0x3: {  	s10 =	rddreg [dreg:$0x4];
	s4 =	smul.u32 $0x76000, s9  }
0x4: {  	s2 =	srdreg.scid;
	s5 =	simm.s32 $0x0;
	s6 =	smul.u32 $0x9E0, s9  }
0x5: {  	s2 =	sand.u32 $0x1, s2;
	[smem:$0x7FF] =	sst s5;
	s8 =	smul.u32 $0x1D800, s9  }
0x6: {  	s7 =	sshll.u32 s9, $0x6;
	s31 =	smul.u32 $0x3B00, s9;
	s3 =	ssub.s32 $0x2, s2  }
0x7: {  	_ =	strace $0x80000047;
	s28 =	smul.u32 $0x76000, s2;
	s7 =	sor.u32 $0x1C06, s7  }
0x8: {  	v0 =	vimm.s32 $0xECA86420;
	s26 =	sshrl.u32 s3, $0x1;
	s4 =	sshrl.u32 s4, $0x2;
	s0 =	sadd.s32 s0, s6  }
0x9: {  	vm0 =	vcmask $0xB08;
	vm1 =	vcmask $0x1310;
	vm2 =	vcmask $0x1B18;
	s30 =	sshrl.u32 s8, $0x3;
	[dreg:$0x6] =	wrdreg s7;
	s3 =	ssub.s32 s3, s26  }
0xa: {  	vm3 =	vcmask $0x300;
	vm4 =	vcmask $0x2320;
	vm5 =	vcmask $0x2B28;
	[dreg:$0x7] =	wrdreg s0;
	s0 =	sadd.s32 $0x8, s0;
	s29 =	sadd.s32 s1, s28  }
.Ltmp0:
0xb: {  	vm6 =	vcmask $0x3330;
	vm7 =	vcmask $0x3B38;
	v2 =	vlaneseq.u32;
	[dreg:$0x8] =	wrdreg s0;
	s3 =	smax.u32 s3, $0x1;
	(pc) =	sbr.rel .LBB2_1-.Ltmp0, $4  }
0xc: {  	vm8 =	vmmov $0xff;
	v1 =	vunpack.c.l.s4.s8 v0;
	v0 =	vmov s2;
	s1 =	sadd.s32 $0x3B000, s30;
	s2 =	sadd.s32 s31, s29;
	[dreg:$0x9] =	wrdreg s3  }
0xd: {  	vm9 =	vcmask $0x704;
	vm10 =	vcmask $0xF0C;
	vm11 =	vcmask $0x1714;
	s4 =	sadd.s32 s4, s10;
	s0 =	sadd.s32 s1, s29;
	[dreg:$0xb] =	wrdreg s2  }
0xe: {  	vm12 =	vcmask $0x1F1C;
	vm13 =	vcmask $0x2724;
	vm14 =	vcmask $0x2F2C;
	s5 =	simm.s32 $0x1;
	s3 =	sshrl.u32 s4, $0x3;
	[dreg:$0xc] =	wrdreg s0  }
0xf: {  	vm15 =	vcmask $0x3734;
	v2 =	vmul.u32 $0x2, v2;
	v1 =	vunpack.c.0.s8.s32 v1;
	s1 =	simm.s32 $0x0;
	s4 =	simm.s32 $0x6;
	[dreg:$0xa] =	wrdreg s3  }
.LBB2_11:
0x10: {  	s0 =	simm.s32 $0x4  }
0x11: {  	_ =	swait.ge [sflag:s0], $0x1000  }
0x12: {  	[sflag:s0] =	ssyncset.done $0x0  }
0x13: {  	s29 =	simm.s32 $0x5;
	[sflag:s0] =	ssyncadd.s32 $0xFFFFF000  }
0x14: {  	_ =	swait.ge [sflag:s29], $0x1000  }
0x15: {  	[sflag:s29] =	ssyncset.done $0x0  }
0x16: {  	[sflag:s29] =	ssyncadd.s32 $0xFFFFF000  }
0x17: {  	[bflag:$0x0] =	sbarrier.arrive $0xFFFF  }
0x18: {  	s7 =	rddreg [dreg:$0x6]  }
0x19: {  	s3 =	rddreg [dreg:$0xa]  }
0x1a: {  	s4 =	simm.s32 $0x6;
	s30 =	rddreg [dreg:$0xc]  }
0x1b: {  	[hbm:s30], [sflag:s7] =	dma.local [spmem:s3], $0x3B00  }
0x1c: {  	_ =	swait.ge [sflag:s4], $0x3B00  }
0x1d: {  	s1 =	rddreg [dreg:$0xd]  }
0x1e: {  	s31 =	rddreg [dreg:$0x9];
	s1 =	sadd.s32 $0x1, s1  }
0x1f: {  	p0 =	sne.s32 s1, s31  }
.Ltmp1:
0x20: {  	_ = 	snop;
	(pc) =	sbr.rel @!p0 .LBB2_12-.Ltmp1, $3  }
0x21: {  	[sflag:s4] =	ssyncset.done $0x0  }
0x22: {  	[sflag:s4] =	ssyncadd.s32 $0xFFFFC500  }
0x23: {  	[bflag:$0x0] =	sbarrier.arrive $0xFFFF;
	_ =	sdelay $0x1  }
.LBB2_1:
0x24: {  	[dreg:$0xd] =	wrdreg s1  }
0x25: {  	s0 =	rddreg [dreg:$0x2]  }
0x26: {  	[spmem:s3], [sflag:s7] =	dma.local [hbm:s0], $0x3B00  }
0x27: {  	_ =	swait.ge [sflag:s4], $0x3B00  }
0x28: {  	[sflag:s4] =	ssyncset.done $0x0  }
0x29: {  	[sflag:s4] =	ssyncadd.s32 $0xFFFFC500  }
0x2a: {  	[bflag:$0x0] =	sbarrier.arrive $0xFFFF  }
0x2b: {  	s9 =	simm.s32 $0x0;
	s10 =	rddreg [dreg:$0x7]  }
0x2c: {  	[tilespmem:s9], [sflag:$0x1] =	stream.linear.gather [hbm4b:s10+s9], $0x40, $0x38;
	[tilespmem:$0x1FB40] =	vst v63  }
0x2d: {  	_ =	swait.ge [sflag:s5], $0x40  }
0x2e: {  	[sflag:s5] =	ssyncset.done $0x0  }
0x2f: {  	[sflag:s5] =	ssyncadd.s32 $0xFFFFFFC0  }
0x30: {  	v3 =	vld [tilespmem:$0x20];
	_ =	sdelay $0x4  }
0x31: {  	(v2sf) =	vpush v3, $0xD;
	_ =	sdelay $0x1  }
0x32: {  	(v2sf) =	vpush v3, $0xC;
	_ =	sdelay $0x1  }
0x33: {  	(v2sf) =	vpush v3, $0xE;
	_ =	sdelay $0x1  }
0x34: {  	(v2sf) =	vpush v3, $0xF;
	_ =	sdelay $0x1  }
0x35: {  	(v2sf) =	vpush v3, $0x9;
	_ =	sdelay $0x1  }
0x36: {  	(v2sf) =	vpush v3, $0x8;
	_ =	sdelay $0x1  }
0x37: {  	(v2sf) =	vpush v3, $0xA;
	_ =	sdelay $0x1  }
0x38: {  	(v2sf) =	vpush v3, $0xB  }
0x39: {  	s11 =	spop (v2sf)  }
0x3a: {  	(v2sf) =	vpush v3, $0x0;
	s3 =	smulhi.u32 $0x68DB8BAD, s11;
	s0 =	sshra.s32 s11, $0x1F  }
0x3b: {  	s12 =	spop (v2sf);
	s15 =	smul.u32 $0x68DB8BAD, s0  }
0x3c: {  	(v2sf) =	vpush v3, $0x1;
	s5 =	smulhi.u32 $0x68DB8BAD, s12;
	s0 =	sshra.s32 s12, $0x1F  }
0x3d: {  	s13 =	spop (v2sf);
	s4 =	smul.u32 $0x68DB8BAD, s0  }
0x3e: {  	(v2sf) =	vpush v3, $0x2;
	s6 =	smulhi.u32 $0x68DB8BAD, s13;
	s0 =	sshra.s32 s13, $0x1F  }
0x3f: {  	s14 =	spop (v2sf);
	(v2sf) =	vpush v3, $0x3;
	s17 =	smul.u32 $0x68DB8BAD, s0  }
0x40: {  	s7 =	smulhi.u32 $0x68DB8BAD, s14;
	s0 =	sshra.s32 s14, $0x1F  }
0x41: {  	s16 =	spop (v2sf);
	(v2sf) =	vpush v3, $0x4;
	s21 =	smul.u32 $0x68DB8BAD, s0  }
0x42: {  	s8 =	smulhi.u32 $0x68DB8BAD, s16;
	s0 =	sshra.s32 s16, $0x1F  }
0x43: {  	s18 =	spop (v2sf);
	(v2sf) =	vpush v3, $0x5;
	s10 =	smul.u32 $0x68DB8BAD, s0  }
0x44: {  	s9 =	smulhi.u32 $0x68DB8BAD, s18;
	s0 =	sshra.s32 s18, $0x1F  }
0x45: {  	s19 =	spop (v2sf);
	s28 =	smul.u32 $0x68DB8BAD, s0  }
0x46: {  	v4 =	vld [tilespmem:$0x30];
	(v2sf) =	vpush v3, $0x6;
	s11 =	smulhi.u32 $0x68DB8BAD, s19;
	s0 =	sshra.s32 s19, $0x1F  }
0x47: {  	s20 =	spop (v2sf);
	s31 =	smul.u32 $0x68DB8BAD, s0  }
0x48: {  	(v2sf) =	vpush v3, $0x7;
	s13 =	smulhi.u32 $0x68DB8BAD, s20;
	s0 =	sshra.s32 s20, $0x1F  }
0x49: {  	s12 =	smul.u32 $0x68DB8BAD, s0;
	s22 =	spop (v2sf)  }
0x4a: {  	s14 =	smulhi.u32 $0x68DB8BAD, s22;
	s0 =	sshra.s32 s22, $0x1F  }
0x4b: {  	(v2sf) =	vpush v4, $0xD;
	s23 =	spop (v2sf);
	s26 =	smul.u32 $0x68DB8BAD, s0  }
0x4c: {  	s24 =	smulhi.u32 $0x68DB8BAD, s23;
	s0 =	sshra.s32 s23, $0x1F  }
0x4d: {  	(v2sf) =	vpush v4, $0xC;
	s25 =	spop (v2sf);
	s22 =	smul.u32 $0x68DB8BAD, s0  }
0x4e: {  	s29 =	smulhi.u32 $0x68DB8BAD, s25;
	s0 =	sshra.s32 s25, $0x1F;
	s30 =	spop (v2sf)  }
0x4f: {  	[smem:$0x7E7] =	sst s24;
	s19 =	smul.u32 $0x68DB8BAD, s0  }
0x50: {  	s2 =	smulhi.u32 $0x68DB8BAD, s30;
	s0 =	sshra.s32 s30, $0x1F;
	s16 =	spop (v2sf)  }
0x51: {  	(v2sf) =	vpush v4, $0xE;
	[smem:$0x7E8] =	sst s29;
	s18 =	smul.u32 $0x68DB8BAD, s0  }
0x52: {  	s20 =	smulhi.u32 $0x68DB8BAD, s16;
	s1 =	sshra.s32 s16, $0x1F;
	s25 =	spop (v2sf)  }
0x53: {  	(v2sf) =	vpush v4, $0xF;
	s26 =	sadd.s32 s26, s14;
	s14 =	sld [smem:$0x7E7];
	s16 =	smul.u32 $0x68DB8BAD, s1  }
0x54: {  	[smem:$0x7E9] =	sst s2;
	s23 =	smulhi.u32 $0x68DB8BAD, s25;
	s25 =	sshra.s32 s25, $0x1F  }
0x55: {  	s24 =	spop (v2sf);
	s1 =	smul.u32 $0x68DB8BAD, s25  }
0x56: {  	(v2sf) =	vpush v4, $0x9;
	[smem:$0x7EA] =	sst s20;
	s29 =	smulhi.u32 $0x68DB8BAD, s24;
	s25 =	sshra.s32 s24, $0x1F  }
0x57: {  	s2 =	spop (v2sf);
	s30 =	smul.u32 $0x68DB8BAD, s25  }
0x58: {  	[smem:$0x7EB] =	sst s23;
	s20 =	smulhi.u32 $0x68DB8BAD, s2;
	s25 =	sshra.s32 s2, $0x1F  }
0x59: {  	(v2sf) =	vpush v4, $0x8;
	[smem:$0x7EC] =	sst s29;
	s2 =	smul.u32 $0x68DB8BAD, s25  }
0x5a: {  	s28 =	sadd.s32 s28, s9;
	s9 =	sld [smem:$0x7EB];
	s23 =	spop (v2sf)  }
0x5b: {  	(v2sf) =	vpush v4, $0xA;
	[smem:$0x7ED] =	sst s30;
	s24 =	smulhi.u32 $0x68DB8BAD, s23;
	s25 =	sshra.s32 s23, $0x1F  }
0x5c: {  	s30 =	spop (v2sf);
	s29 =	smul.u32 $0x68DB8BAD, s25  }
0x5d: {  	(v2sf) =	vpush v4, $0xB;
	[smem:$0x7EE] =	sst s20;
	s20 =	smulhi.u32 $0x68DB8BAD, s30  }
0x5e: {  	s25 =	sshra.s32 s30, $0x1F;
	s30 =	sadd.s32 s4, s5;
	[smem:$0x7EF] =	sst s24  }
0x5f: {  	s23 =	smul.u32 $0x68DB8BAD, s25;
	[smem:$0x7F8] =	sst s30  }
0x60: {  	s21 =	sadd.s32 s21, s7;
	s24 =	spop (v2sf);
	[smem:$0x7F0] =	sst s29  }
0x61: {  	[smem:$0x7F1] =	sst s20;
	s29 =	sadd.s32 s15, s3;
	s3 =	smulhi.u32 $0x68DB8BAD, s24  }
0x62: {  	(v2sf) =	vpush v4, $0x0;
	s25 =	sshra.s32 s24, $0x1F;
	s5 =	spop (v2sf);
	s15 =	sld [smem:$0x7E8]  }
0x63: {  	[smem:$0x7F2] =	sst s23;
	s23 =	sadd.s32 s17, s6;
	s4 =	smul.u32 $0x68DB8BAD, s25  }
0x64: {  	(v2sf) =	vpush v4, $0x1;
	s6 =	smulhi.u32 $0x68DB8BAD, s5;
	s7 =	sshra.s32 s5, $0x1F;
	s5 =	sld [smem:$0x7EA]  }
0x65: {  	s25 =	sadd.s32 s10, s8;
	s8 =	spop (v2sf);
	[smem:$0x7F3] =	sst s3  }
0x66: {  	s0 =	smul.u32 $0x68DB8BAD, s7;
	s3 =	sld [smem:$0x7EE]  }
0x67: {  	s31 =	sadd.s32 s31, s11;
	s10 =	smulhi.u32 $0x68DB8BAD, s8;
	[smem:$0x7F4] =	sst s4  }
0x68: {  	s22 =	sadd.s32 s22, s14;
	s11 =	spop (v2sf);
	s4 =	sld [smem:$0x7E9]  }
0x69: {  	s20 =	smulhi.u32 $0x68DB8BAD, s11;
	s19 =	sadd.s32 s19, s15;
	s15 =	sld [smem:$0x7ED]  }
0x6a: {  	s17 =	sadd.s32 s12, s13;
	s12 =	spop (v2sf);
	[smem:$0x7F6] =	sst s0  }
0x6b: {  	[smem:$0x7F7] =	sst s10;
	s0 =	sshra.s32 s8, $0x1F;
	s14 =	smulhi.u32 $0x68DB8BAD, s12  }
0x6c: {  	s30 =	spop (v2sf);
	s24 =	smul.u32 $0x68DB8BAD, s0  }
0x6d: {  	s10 =	sld [smem:$0x7EC];
	s0 =	sshra.s32 s11, $0x1F;
	s11 =	smulhi.u32 $0x68DB8BAD, s30  }
0x6e: {  	[smem:$0x7F5] =	sst s6;
	s13 =	smul.u32 $0x68DB8BAD, s0  }
0x6f: {  	s0 =	sshra.s32 s12, $0x1F;
	s18 =	sadd.s32 s18, s4;
	s4 =	sld [smem:$0x7EF]  }
0x70: {  	s12 =	smul.u32 $0x68DB8BAD, s0;
	s0 =	sshra.s32 s30, $0x1F;
	s10 =	sadd.s32 s15, s10  }
0x71: {  	(v2sf) =	vpush v4, $0x2;
	s15 =	sadd.s32 s2, s3;
	s8 =	smul.u32 $0x68DB8BAD, s0;
	s6 =	spop (v2sf)  }
0x72: {  	s3 =	sld [smem:$0x7F1];
	s7 =	smulhi.u32 $0x68DB8BAD, s6;
	s0 =	sshra.s32 s6, $0x1F  }
0x73: {  	s16 =	sadd.s32 s16, s5;
	s30 =	spop (v2sf);
	s6 =	smul.u32 $0x68DB8BAD, s0  }
0x74: {  	(v2sf) =	vpush v4, $0x3;
	s5 =	smulhi.u32 $0x68DB8BAD, s30;
	s0 =	sshra.s32 s30, $0x1F;
	s30 =	sld [smem:$0x7F0]  }
0x75: {  	s2 =	sld [smem:$0x7F3];
	s13 =	sadd.s32 s13, s20  }
0x76: {  	s9 =	sadd.s32 s1, s9;
	[smem:$0x7FD] =	sst s13  }
0x77: {  	s12 =	sadd.s32 s12, s14;
	s1 =	sadd.s32 s30, s4;
	s30 =	sld [smem:$0x7F2]  }
0x78: {  	[dreg:$0x15] =	wrdreg s12  }
0x79: {  	[dreg:$0x1c] =	wrdreg s1  }
0x7a: {  	s8 =	sadd.s32 s8, s11;
	s1 =	sadd.s32 s30, s3;
	s30 =	sld [smem:$0x7F4]  }
0x7b: {  	s20 =	sshra.s32 s23, $0xC;
	[dreg:$0x13] =	wrdreg s8  }
0x7c: {  	s14 =	sshrl.u32 s29, $0x1F;
	s12 =	sshrl.u32 s25, $0x1F;
	[smem:$0x7F9] =	sst s1  }
0x7d: {  	s11 =	sshra.s32 s25, $0xC;
	s1 =	sadd.s32 s30, s2;
	s30 =	sld [smem:$0x7F6]  }
0x7e: {  	s25 =	sshrl.u32 s28, $0x1F;
	s8 =	sshrl.u32 s26, $0x1F;
	[smem:$0x7FA] =	sst s1  }
0x7f: {  	(v2sf) =	vpush v4, $0x4;
	v7 =	vmov s8;
	s8 =	sshra.s32 s19, $0xC;
	s4 =	smul.u32 $0x68DB8BAD, s0;
	s1 =	sld [smem:$0x7F5]  }
0x80: {  	s6 =	sadd.s32 s6, s7;
	s7 =	sshra.s32 s31, $0xC;
	s0 =	spop (v2sf)  }
0x81: {  	(v2sf) =	vpush v4, $0x5;
	s5 =	sadd.s32 s4, s5;
	s4 =	sshra.s32 s29, $0xC;
	s3 =	smulhi.u32 $0x68DB8BAD, s0  }
0x82: {  	(v2sf) =	vpush v4, $0x6;
	s0 =	sshra.s32 s0, $0x1F;
	s1 =	sadd.s32 s30, s1;
	s30 =	sld [smem:$0x7F7]  }
0x83: {  	s29 =	sshrl.u32 s23, $0x1F;
	s2 =	smul.u32 $0x68DB8BAD, s0;
	s0 =	spop (v2sf);
	(v2sf) =	vpush v4, $0x7  }
0x84: {  	[smem:$0x7FB] =	sst s1;
	s1 =	smulhi.u32 $0x68DB8BAD, s0;
	s0 =	sshra.s32 s0, $0x1F  }
0x85: {  	s0 =	smul.u32 $0x68DB8BAD, s0;
	s24 =	sadd.s32 s24, s30;
	s30 =	sld [smem:$0x7F8]  }
0x86: {  	s23 =	sshrl.u32 s21, $0x1F;
	s3 =	sadd.s32 s2, s3;
	[smem:$0x7FC] =	sst s24  }
0x87: {  	s2 =	sadd.s32 s0, s1;
	s0 =	sshra.s32 s15, $0x1F;
	s1 =	sshra.s32 s26, $0xC  }
0x88: {  	s26 =	sshra.s32 s26, $0x1F;
	v5 =	vmov s0;
	s0 =	sshrl.u32 s22, $0x1F;
	s24 =	sshrl.u32 s30, $0x1F  }
0x89: {  	s13 =	sshra.s32 s30, $0xC;
	s30 =	sshra.s32 s21, $0xC;
	s21 =	sshra.s32 s28, $0xC  }
0x8a: {  	v7 =	vnsel vm3, $0x0, v7;
	s28 =	sshrl.u32 s31, $0x1F;
	s31 =	sshrl.u32 s17, $0x1F;
	s17 =	sshra.s32 s17, $0xC  }
0x8b: {  	v8 =	vmov s25;
	v5 =	vsel vm3, s1, v5;
	s1 =	sshrl.u32 s19, $0x1F;
	s19 =	sshra.s32 s19, $0x1F;
	v7 =	vsel vm0, s0, v7;
	s0 =	sshra.s32 s16, $0xC  }
0x8c: {  	v8 =	vsel vm0, s12, v8;
	v5 =	vsel vm9, s26, v5;
	s26 =	sshra.s32 s22, $0xC;
	s22 =	sshra.s32 s22, $0x1F;
	v6 =	vmov s24;
	s24 =	sshrl.u32 s18, $0x1F  }
0x8d: {  	v7 =	vsel vm1, s1, v7;
	s1 =	sshra.s32 s9, $0xC;
	v10 =	vmov s21;
	s21 =	rddreg [dreg:$0x1c];
	v5 =	vsel vm0, s26, v5;
	s26 =	sshrl.u32 s16, $0x1F  }
0x8e: {  	v6 =	vsel vm0, s14, v6;
	v7 =	vsel vm2, s24, v7;
	s14 =	sshra.s32 s10, $0xC;
	s24 =	spop (v2sf);
	v10 =	vsel vm0, s11, v10;
	s11 =	rddreg [dreg:$0x15]  }
0x8f: {  	v9 =	vmov s13;
	v5 =	vsel vm10, s22, v5;
	s22 =	sshra.s32 s18, $0xC;
	s18 =	sshra.s32 s18, $0x1F;
	v6 =	vsel vm1, s29, v6;
	s29 =	sshrl.u32 s9, $0x1F  }
0x90: {  	v9 =	vsel vm0, s4, v9;
	s9 =	sshra.s32 s9, $0x1F;
	v7 =	vsel vm4, s26, v7;
	s12 =	smulhi.u32 $0x68DB8BAD, s24;
	s26 =	spop (v2sf);
	v5 =	vsel vm1, s8, v5  }
0x91: {  	v8 =	vsel vm1, s28, v8;
	s25 =	sshra.s32 s24, $0x1F;
	v9 =	vsel vm1, s20, v9;
	s8 =	sshra.s32 s16, $0x1F;
	s16 =	spop (v2sf);
	v5 =	vsel vm11, s19, v5  }
0x92: {  	s20 =	sld [smem:$0x7FB];
	v6 =	vsel vm2, s23, v6;
	v7 =	vsel vm5, s29, v7;
	s29 =	sshrl.u32 s15, $0x1F;
	s23 =	spop (v2sf);
	v5 =	vsel vm2, s22, v5  }
0x93: {  	v8 =	vsel vm2, s31, v8;
	v10 =	vsel vm1, s7, v10;
	s13 =	sshra.s32 s26, $0x1F;
	s24 =	smulhi.u32 $0x68DB8BAD, s23;
	s22 =	sld [smem:$0x7FC];
	v5 =	vsel vm12, s18, v5  }
0x94: {  	v9 =	vsel vm2, s30, v9;
	v10 =	vsel vm2, s17, v10;
	s19 =	sshrl.u32 s10, $0x1F;
	v5 =	vsel vm4, s0, v5;
	s0 =	smul.u32 $0x68DB8BAD, s25;
	s25 =	sld [smem:$0x7F9]  }
0x95: {  	v6 =	vcombine.low v8, v6;
	v7 =	vsel vm6, s19, v7;
	v5 =	vsel vm13, s8, v5;
	s8 =	sshra.s32 s15, $0xC;
	s15 =	smulhi.u32 $0x68DB8BAD, s26;
	s26 =	sshra.s32 s23, $0x1F  }
0x96: {  	s30 =	sshra.s32 s6, $0xC;
	s10 =	sshra.s32 s10, $0x1F;
	v9 =	vcombine.low v10, v9;
	v7 =	vsel vm7, s29, v7;
	s28 =	smul.u32 $0x68DB8BAD, s26  }
0x97: {  	s13 =	smul.u32 $0x68DB8BAD, s13;
	s18 =	sshra.s32 s3, $0xC;
	v6 =	vperm.xlane v6, v1;
	v7 =	vperm.xlane v7, v2;
	s23 =	sld [smem:$0x7FA]  }
0x98: {  	v56 =	vperm.xlane v9, v1;
	s19 =	sshrl.u32 s22, $0x1F;
	v5 =	vsel vm5, s1, v5;
	s29 =	sshrl.u32 s25, $0x1F;
	s1 =	sadd.s32 s28, s24  }
0x99: {  	s26 =	sshrl.u32 s6, $0x1F;
	v6 =	vsel vm8, v7, v6;
	v5 =	vsel vm14, s9, v5;
	s9 =	sshrl.u32 s21, $0x1F;
	v11 =	vmov s29;
	s28 =	sshra.s32 s1, $0x1F  }
0x9a: {  	s0 =	sadd.s32 s0, s12;
	s12 =	sshra.s32 s16, $0x1F;
	v12 =	vmov s26;
	s31 =	sshrl.u32 s23, $0x1F;
	v11 =	vsel vm0, s9, v11;
	v13 =	vmov s28  }
0x9b: {  	s6 =	sshra.s32 s6, $0x1F;
	s4 =	sadd.s32 s13, s15;
	v5 =	vsel vm6, s14, v5;
	s14 =	sshrl.u32 s20, $0x1F;
	v11 =	vsel vm1, s31, v11;
	v13 =	vsel vm3, s30, v13  }
0x9c: {  	s24 =	sld [smem:$0x7FD];
	s29 =	sshrl.u32 s5, $0x1F;
	v12 =	vnsel vm3, $0x0, v12;
	v11 =	vsel vm2, s14, v11;
	s14 =	sshra.s32 s5, $0xC;
	v13 =	vsel vm9, s6, v13  }
0x9d: {  	s13 =	sshrl.u32 s3, $0x1F;
	v5 =	vsel vm15, s10, v5;
	v12 =	vsel vm0, s29, v12;
	s10 =	smul.u32 $0x68DB8BAD, s12;
	s5 =	sshra.s32 s5, $0x1F;
	v13 =	vsel vm0, s14, v13  }
0x9e: {  	s17 =	sshrl.u32 s0, $0x1F;
	v5 =	vsel vm7, s8, v5;
	s31 =	smulhi.u32 $0x68DB8BAD, s16;
	v12 =	vsel vm1, s13, v12;
	s16 =	sshrl.u32 s2, $0x1F;
	v13 =	vsel vm10, s5, v13  }
0x9f: {  	s3 =	sshra.s32 s3, $0x1F;
	s7 =	sshrl.u32 s24, $0x1F;
	v12 =	vsel vm2, s16, v12;
	s30 =	sshra.s32 s25, $0xC;
	v5 =	vperm.xlane v5, v2;
	v13 =	vsel vm1, s18, v13  }
0xa0: {  	s13 =	sshra.s32 s24, $0xC;
	v14 =	vmov s7;
	s6 =	sadd.s32 s10, s31;
	v12 =	vsel vm4, s17, v12;
	s31 =	sshra.s32 s2, $0xC;
	v13 =	vsel vm11, s3, v13  }
0xa1: {  	s15 =	sshrl.u32 s11, $0x1F;
	s28 =	sshrl.u32 s4, $0x1F;
	v15 =	vmov s30;
	s2 =	sshra.s32 s2, $0x1F;
	v16 =	vmov s13;
	v13 =	vsel vm2, s31, v13  }
0xa2: {  	s16 =	sshra.s32 s22, $0xC;
	s10 =	sshra.s32 s21, $0xC;
	v14 =	vsel vm0, s19, v14;
	v12 =	vsel vm5, s28, v12;
	s14 =	sshra.s32 s0, $0xC;
	v13 =	vsel vm12, s2, v13  }
0xa3: {  	s12 =	sshra.s32 s23, $0xC;
	s29 =	sshrl.u32 s6, $0x1F;
	v15 =	vsel vm0, s10, v15;
	s0 =	sshra.s32 s0, $0x1F;
	v16 =	vsel vm0, s16, v16;
	v13 =	vsel vm4, s14, v13  }
0xa4: {  	s17 =	sshra.s32 s11, $0xC;
	s19 =	rddreg [dreg:$0x13];
	v14 =	vsel vm1, s15, v14;
	v12 =	vsel vm6, s29, v12;
	s18 =	sshra.s32 s4, $0xC;
	v13 =	vsel vm13, s0, v13  }
0xa5: {  	s26 =	sshrl.u32 s19, $0x1F;
	v15 =	vsel vm1, s12, v15;
	s15 =	sshra.s32 s20, $0xC;
	v16 =	vsel vm1, s17, v16;
	s20 =	sshra.s32 s4, $0x1F;
	v13 =	vsel vm5, s18, v13  }
0xa6: {  	s21 =	sshra.s32 s6, $0xC;
	s19 =	sshra.s32 s19, $0xC;
	v14 =	vsel vm2, s26, v14;
	v15 =	vsel vm2, s15, v15;
	v55 =	vsel vm14, s20, v13  }
0xa7: {  	s9 =	sshrl.u32 s1, $0x1F;
	s22 =	sshra.s32 s6, $0x1F;
	v54 =	vsel vm2, s19, v16;
	v11 =	vcombine.low v14, v11;
	v10 =	vsel vm6, s21, v55  }
0xa8: {  	s23 =	sshra.s32 s1, $0xC;
	v12 =	vsel vm7, s9, v12;
	v8 =	vcombine.low v54, v15;
	v10 =	vsel vm15, s22, v10  }
0xa9: {  	v58 =	vperm.xlane v12, v2;
	v57 =	vperm.xlane v11, v1;
	v10 =	vsel vm7, s23, v10  }
0xaa: {  	v59 =	vld [tilespmem:$0x0];
	v5 =	vsel vm8, v5, v56;
	v8 =	vperm.xlane v8, v1;
	v10 =	vperm.xlane v10, v2  }
0xab: {  	v5 =	vadd.s32 v6, v5  }
0xac: {  	v61 =	vld [tilespmem:$0x10];
	v5 =	vmul.u32 $0x2710, v5;
	v60 =	vsel vm8, v58, v57;
	v8 =	vsel vm8, v10, v8  }
0xad: {  	v6 =	vadd.s32 v60, v8  }
0xae: {  	v3 =	vsub.s32 v3, v5;
	v62 =	vmul.u32 $0x2710, v6  }
0xaf: {  	v63 =	vmin.u32 v59, $0x3B00;
	v3 =	vshll.u32 v3, $0x1  }
0xb0: {  	[tilespmem:$0x200] =	vst v63;
	v3 =	vor.u32 v0, v3;
	v4 =	vsub.s32 v4, v62  }
0xb1: {  	s24 =	rddreg [dreg:$0x0];
	[tilespmem:$0x100] =	vst v3;
	v3 =	vmin.u32 v61, $0x3B00;
	v4 =	vshll.u32 v4, $0x1  }
.Ltmp2:
0xb2: {  	s25 =	simm.s32 $0x20;
	s30 =	simm.s32 $0x80;
	[tilespmem:$0x210] =	vst v3;
	v3 =	vor.u32 v0, v4;
	(pc) =	sbr.rel .LBB2_2-.Ltmp2, $4  }
0xb3: {  	s28 =	simm.s32 $0x300;
	s6 =	simm.s32 $0x0;
	s26 =	simm.s32 $0x100;
	[tilespmem:$0x110] =	vst v3  }
0xb4: {  	[tilespmem:s28], [sflag:$0x2] =	stream.indirect.gather [hbm4b:s24+s25], $0x80, s26, s25, $0xb8;
	[tilespmem:$0x1FB40] =	vst v63  }
0xb5: {  	s5 =	simm.s32 $0x1;
	s29 =	rddreg [dreg:$0x8];
	s31 =	simm.s32 $0x0  }
0xb6: {  	[tilespmem:s30], [sflag:$0x1] =	stream.linear.gather [hbm4b:s29+s31], $0x40, $0x38;
	[tilespmem:$0x1FB40] =	vst v63  }
.LBB2_4:
0xb7: {  	s0 =	simm.s32 $0x2  }
0xb8: {  	_ =	swait.ge [sflag:s0], $0x1000  }
0xb9: {  	[sflag:s0] =	ssyncset.done $0x0  }
0xba: {  	[sflag:s0] =	ssyncadd.s32 $0xFFFFF000  }
0xbb: {  	s1 =	simm.s32 $0x300;
	s4 =	simm.s32 $0x200;
	s0 =	rddreg [dreg:$0x4]  }
0xbc: {  	[spmem:s0] =	stream.indirect.scatter.add.f32 [tilespmem:s1], [sflag:$0x4], $0x80, s4, s2, $0xb8;
	[tilespmem:$0x1FB40] =	vst v63  }
.LBB2_5:
0xbd: {  	s6 =	sadd.s32 $0x10, s6  }
0xbe: {  	p0 =	sne.s32 s6, $0x9E0  }
.Ltmp3:
0xbf: {  	s1 =	simm.s32 $0x3;
	(pc) =	sbr.rel @!p0 .LBB2_6-.Ltmp3, $4  }
0xc0: {  	_ =	swait.ge [sflag:s1], $0x1000  }
0xc1: {  	[sflag:s1] =	ssyncset.done $0x0  }
0xc2: {  	s31 =	simm.s32 $0x280;
	s5 =	simm.s32 $0x1;
	[sflag:s1] =	ssyncadd.s32 $0xFFFFF000  }
0xc3: {  	[spmem:s0] =	stream.indirect.scatter.add.f32 [tilespmem:s3], [sflag:$0x5], $0x80, s31, s2, $0xb8;
	[tilespmem:$0x1FB40] =	vst v63  }
.LBB2_2:
0xc4: {  	[dreg:$0xf] =	wrdreg s6  }
0xc5: {  	_ =	swait.ge [sflag:s5], $0x40  }
0xc6: {  	p0 =	seq.s32 s6, $0x0;
	[sflag:s5] =	ssyncset.done $0x0  }
0xc7: {  	s0 =	simm.s32 @!p0 $0x5;
	[sflag:s5] =	ssyncadd.s32 $0xFFFFFFC0  }
0xc8: {  	_ =	swait.ge @!p0 [sflag:s0], $0x1000  }
0xc9: {  	[sflag:s0] =	ssyncset.done @!p0 $0x0  }
0xca: {  	[sflag:s0] =	ssyncadd.s32 @!p0 $0xFFFFF000  }
0xcb: {  	v3 =	vld [tilespmem:$0xA0];
	_ =	sdelay $0x4  }
0xcc: {  	(v2sf) =	vpush v3, $0xD;
	_ =	sdelay $0x1  }
0xcd: {  	(v2sf) =	vpush v3, $0xC;
	_ =	sdelay $0x1  }
0xce: {  	(v2sf) =	vpush v3, $0xE;
	_ =	sdelay $0x1  }
0xcf: {  	(v2sf) =	vpush v3, $0xF;
	_ =	sdelay $0x1  }
0xd0: {  	(v2sf) =	vpush v3, $0x9;
	_ =	sdelay $0x1  }
0xd1: {  	(v2sf) =	vpush v3, $0x8;
	_ =	sdelay $0x1  }
0xd2: {  	(v2sf) =	vpush v3, $0xA;
	_ =	sdelay $0x1  }
0xd3: {  	(v2sf) =	vpush v3, $0xB  }
0xd4: {  	s1 =	spop (v2sf)  }
0xd5: {  	(v2sf) =	vpush v3, $0x0;
	s6 =	smulhi.u32 $0x68DB8BAD, s1;
	s1 =	sshra.s32 s1, $0x1F  }
0xd6: {  	s3 =	spop (v2sf);
	s10 =	smul.u32 $0x68DB8BAD, s1  }
0xd7: {  	(v2sf) =	vpush v3, $0x1;
	s8 =	smulhi.u32 $0x68DB8BAD, s3;
	s3 =	sshra.s32 s3, $0x1F  }
0xd8: {  	s4 =	spop (v2sf);
	s15 =	smul.u32 $0x68DB8BAD, s3  }
0xd9: {  	(v2sf) =	vpush v3, $0x2;
	s3 =	smulhi.u32 $0x68DB8BAD, s4;
	s5 =	sshra.s32 s4, $0x1F  }
0xda: {  	s7 =	spop (v2sf);
	s17 =	smul.u32 $0x68DB8BAD, s5  }
0xdb: {  	(v2sf) =	vpush v3, $0x3;
	s14 =	smulhi.u32 $0x68DB8BAD, s7;
	s7 =	sshra.s32 s7, $0x1F  }
0xdc: {  	s9 =	spop (v2sf);
	s20 =	smul.u32 $0x68DB8BAD, s7  }
0xdd: {  	(v2sf) =	vpush v3, $0x4;
	s18 =	smulhi.u32 $0x68DB8BAD, s9;
	s9 =	sshra.s32 s9, $0x1F  }
0xde: {  	s11 =	spop (v2sf);
	s25 =	smul.u32 $0x68DB8BAD, s9  }
0xdf: {  	(v2sf) =	vpush v3, $0x5;
	s9 =	smulhi.u32 $0x68DB8BAD, s11;
	s11 =	sshra.s32 s11, $0x1F  }
0xe0: {  	s13 =	spop (v2sf);
	s21 =	smul.u32 $0x68DB8BAD, s11  }
0xe1: {  	(v2sf) =	vpush v3, $0x6;
	s28 =	smulhi.u32 $0x68DB8BAD, s13;
	s13 =	sshra.s32 s13, $0x1F  }
0xe2: {  	s7 =	spop (v2sf);
	s16 =	smul.u32 $0x68DB8BAD, s13  }
0xe3: {  	v4 =	vld [tilespmem:$0xB0];
	s11 =	smulhi.u32 $0x68DB8BAD, s7;
	s13 =	sshra.s32 s7, $0x1F  }
0xe4: {  	(v2sf) =	vpush v3, $0x7;
	s2 =	smul.u32 $0x68DB8BAD, s13;
	s12 =	spop (v2sf)  }
0xe5: {  	s19 =	smulhi.u32 $0x68DB8BAD, s12;
	s13 =	sshra.s32 s12, $0x1F  }
0xe6: {  	s22 =	spop (v2sf);
	s12 =	smul.u32 $0x68DB8BAD, s13  }
0xe7: {  	s23 =	smulhi.u32 $0x68DB8BAD, s22;
	s13 =	sshra.s32 s22, $0x1F  }
0xe8: {  	(v2sf) =	vpush v4, $0xD;
	s24 =	spop (v2sf);
	s7 =	smul.u32 $0x68DB8BAD, s13  }
0xe9: {  	[smem:$0x7D3] =	sst s19;
	s26 =	smulhi.u32 $0x68DB8BAD, s24;
	s13 =	sshra.s32 s24, $0x1F  }
0xea: {  	(v2sf) =	vpush v4, $0xC;
	s29 =	spop (v2sf);
	s5 =	smul.u32 $0x68DB8BAD, s13  }
0xeb: {  	(v2sf) =	vpush v4, $0xE;
	[smem:$0x7D4] =	sst s23;
	s30 =	smulhi.u32 $0x68DB8BAD, s29;
	s13 =	sshra.s32 s29, $0x1F  }
0xec: {  	s28 =	sadd.s32 s16, s28;
	s31 =	spop (v2sf);
	s4 =	smul.u32 $0x68DB8BAD, s13  }
0xed: {  	s16 =	sadd.s32 s2, s11;
	[smem:$0x7D5] =	sst s26;
	s1 =	smulhi.u32 $0x68DB8BAD, s31  }
0xee: {  	s13 =	sshra.s32 s31, $0x1F;
	s22 =	spop (v2sf);
	s11 =	sld [smem:$0x7D4]  }
0xef: {  	(v2sf) =	vpush v4, $0xF;
	[smem:$0x7D6] =	sst s30;
	s19 =	smul.u32 $0x68DB8BAD, s13  }
0xf0: {  	(v2sf) =	vpush v4, $0x9;
	s23 =	smulhi.u32 $0x68DB8BAD, s22;
	s13 =	sshra.s32 s22, $0x1F;
	s24 =	spop (v2sf)  }
0xf1: {  	[smem:$0x7D7] =	sst s1;
	s1 =	smul.u32 $0x68DB8BAD, s13  }
0xf2: {  	s25 =	sadd.s32 s25, s18;
	(v2sf) =	vpush v4, $0x8;
	s18 =	sld [smem:$0x7D5];
	s26 =	smulhi.u32 $0x68DB8BAD, s24  }
0xf3: {  	s13 =	sshra.s32 s24, $0x1F;
	s30 =	spop (v2sf);
	[smem:$0x7D8] =	sst s19  }
0xf4: {  	[smem:$0x7D9] =	sst s23;
	s29 =	smul.u32 $0x68DB8BAD, s13  }
0xf5: {  	s31 =	smulhi.u32 $0x68DB8BAD, s30;
	s13 =	sshra.s32 s30, $0x1F;
	[smem:$0x7DA] =	sst s26  }
0xf6: {  	s13 =	smul.u32 $0x68DB8BAD, s13;
	[smem:$0x7DB] =	sst s29  }
0xf7: {  	[smem:$0x7DC] =	sst s31;
	s19 =	spop (v2sf)  }
0xf8: {  	[smem:$0x7DD] =	sst s13;
	s22 =	smulhi.u32 $0x68DB8BAD, s19;
	s13 =	sshra.s32 s19, $0x1F  }
0xf9: {  	s24 =	spop (v2sf);
	s23 =	smul.u32 $0x68DB8BAD, s13  }
0xfa: {  	s26 =	smulhi.u32 $0x68DB8BAD, s24;
	s0 =	sshra.s32 s24, $0x1F;
	s29 =	spop (v2sf)  }
0xfb: {  	s19 =	sadd.s32 s17, s3;
	[smem:$0x7DE] =	sst s22;
	s30 =	smul.u32 $0x68DB8BAD, s0  }
0xfc: {  	s31 =	smulhi.u32 $0x68DB8BAD, s29;
	s0 =	sshra.s32 s29, $0x1F;
	[smem:$0x7DF] =	sst s23  }
0xfd: {  	s22 =	sadd.s32 s15, s8;
	[smem:$0x7E0] =	sst s26;
	s26 =	smul.u32 $0x68DB8BAD, s0  }
0xfe: {  	(v2sf) =	vpush v4, $0xA;
	s23 =	sadd.s32 s10, s6;
	s6 =	spop (v2sf);
	[smem:$0x7E1] =	sst s31  }
0xff: {  	s31 =	smulhi.u32 $0x68DB8BAD, s6;
	s0 =	sshra.s32 s6, $0x1F;
	s8 =	spop (v2sf)  }
0x100: {  	(v2sf) =	vpush v4, $0xB;
	s3 =	sld [smem:$0x7D6];
	s29 =	smul.u32 $0x68DB8BAD, s0;
	s0 =	sshra.s32 s8, $0x1F  }
0x101: {  	s21 =	sadd.s32 s21, s9;
	s9 =	spop (v2sf);
	s15 =	smul.u32 $0x68DB8BAD, s0  }
0x102: {  	s6 =	sadd.s32 s5, s18;
	s18 =	sld [smem:$0x7D9];
	s17 =	smulhi.u32 $0x68DB8BAD, s9  }
0x103: {  	(v2sf) =	vpush v4, $0x0;
	s0 =	sshra.s32 s9, $0x1F;
	s9 =	sadd.s32 s4, s3;
	s3 =	sld [smem:$0x7DA]  }
0x104: {  	s4 =	sld [smem:$0x7DB]  }
0x105: {  	s2 =	sld [smem:$0x7DC];
	(v2sf) =	vpush v4, $0x1  }
0x106: {  	s10 =	sld [smem:$0x7D3]  }
0x107: {  	s18 =	sadd.s32 s1, s18;
	s1 =	sadd.s32 s4, s3;
	s3 =	sld [smem:$0x7DD]  }
0x108: {  	s24 =	smulhi.u32 $0x68DB8BAD, s8;
	s8 =	sld [smem:$0x7D7]  }
0x109: {  	[smem:$0x7E3] =	sst s1  }
0x10a: {  	(v2sf) =	vpush v4, $0x2;
	s1 =	sadd.s32 s3, s2;
	s2 =	sld [smem:$0x7DF]  }
0x10b: {  	[smem:$0x7E2] =	sst s1  }
0x10c: {  	s20 =	sadd.s32 s20, s14;
	s1 =	sld [smem:$0x7DE]  }
0x10d: {  	s7 =	sadd.s32 s7, s11;
	s13 =	spop (v2sf);
	s14 =	smul.u32 $0x68DB8BAD, s0  }
0x10e: {  	s11 =	smulhi.u32 $0x68DB8BAD, s13;
	s0 =	sshra.s32 s13, $0x1F;
	s13 =	sld [smem:$0x7D8]  }
0x10f: {  	s12 =	sadd.s32 s12, s10;
	s5 =	spop (v2sf);
	s1 =	sadd.s32 s2, s1  }
0x110: {  	s10 =	smul.u32 $0x68DB8BAD, s0;
	s0 =	sshra.s32 s5, $0x1F;
	[smem:$0x7E4] =	sst s1  }
0x111: {  	s13 =	sadd.s32 s13, s8;
	s8 =	smulhi.u32 $0x68DB8BAD, s5;
	s1 =	sld [smem:$0x7E0]  }
0x112: {  	s5 =	smul.u32 $0x68DB8BAD, s0;
	s0 =	spop (v2sf)  }
0x113: {  	s29 =	sadd.s32 s29, s31;
	s4 =	smulhi.u32 $0x68DB8BAD, s0;
	s0 =	sshra.s32 s0, $0x1F  }
0x114: {  	s3 =	smul.u32 $0x68DB8BAD, s0;
	s0 =	spop (v2sf);
	s1 =	sadd.s32 s30, s1  }
0x115: {  	s2 =	smulhi.u32 $0x68DB8BAD, s0;
	s0 =	sshra.s32 s0, $0x1F;
	[smem:$0x7E5] =	sst s1  }
0x116: {  	s31 =	sshrl.u32 s22, $0x1F;
	s1 =	smul.u32 $0x68DB8BAD, s0;
	s0 =	sld [smem:$0x7E1]  }
0x117: {  	[dreg:$0x1d] =	wrdreg s29;
	v6 =	vmov s31;
	s31 =	sshrl.u32 s7, $0x1F  }
0x118: {  	s29 =	sadd.s32 s14, s17;
	s14 =	sshra.s32 s22, $0xC;
	s22 =	sshra.s32 s25, $0xC  }
0x119: {  	s11 =	sadd.s32 s10, s11;
	(v2sf) =	vpush v4, $0x3;
	s30 =	spop (v2sf);
	s0 =	sadd.s32 s26, s0  }
0x11a: {  	(v2sf) =	vpush v4, $0x4;
	s26 =	smulhi.u32 $0x68DB8BAD, s30;
	[smem:$0x7E6] =	sst s0;
	s0 =	sshra.s32 s30, $0x1F  }
0x11b: {  	s10 =	sshra.s32 s20, $0xC;
	(v2sf) =	vpush v4, $0x5;
	s30 =	sadd.s32 s15, s24;
	s24 =	smul.u32 $0x68DB8BAD, s0  }
0x11c: {  	s17 =	sadd.s32 s5, s8;
	s8 =	sshra.s32 s23, $0xC;
	(v2sf) =	vpush v4, $0x6;
	s0 =	sadd.s32 s3, s4  }
0x11d: {  	v9 =	vmov s14;
	(v2sf) =	vpush v4, $0x7;
	s3 =	sadd.s32 s1, s2;
	s2 =	sadd.s32 s24, s26;
	s26 =	sshrl.u32 s12, $0x1F  }
0x11e: {  	s5 =	sshrl.u32 s19, $0x1F;
	v9 =	vsel vm0, s8, v9;
	s8 =	sshrl.u32 s11, $0x1F;
	s11 =	sshra.s32 s11, $0xC;
	v5 =	vmov s26  }
0x11f: {  	s15 =	sshra.s32 s19, $0xC;
	s19 =	sshrl.u32 s20, $0x1F;
	s20 =	sshrl.u32 s25, $0x1F;
	v5 =	vnsel vm3, $0x0, v5  }
0x120: {  	s25 =	sshra.s32 s28, $0xC;
	s24 =	sshrl.u32 s28, $0x1F;
	s28 =	sshrl.u32 s6, $0x1F;
	v5 =	vsel vm0, s31, v5  }
0x121: {  	s1 =	sshrl.u32 s23, $0x1F;
	s23 =	sshrl.u32 s21, $0x1F;
	s31 =	sshrl.u32 s9, $0x1F;
	v5 =	vsel vm1, s28, v5  }
0x122: {  	s21 =	sshra.s32 s21, $0xC;
	s4 =	sshrl.u32 s16, $0x1F;
	v5 =	vsel vm2, s31, v5;
	s31 =	sld [smem:$0x7E2]  }
0x123: {  	v6 =	vsel vm0, s1, v6;
	v10 =	vmov s21;
	s21 =	sld [smem:$0x7E4];
	s26 =	sshra.s32 s16, $0xC;
	s16 =	sshrl.u32 s13, $0x1F  }
0x124: {  	s1 =	sshra.s32 s12, $0xC;
	v7 =	vmov s23;
	s23 =	sshrl.u32 s18, $0x1F;
	s12 =	sshra.s32 s12, $0x1F;
	v6 =	vsel vm1, s5, v6;
	v5 =	vsel vm4, s16, v5  }
0x125: {  	s5 =	sshra.s32 s7, $0xC;
	v10 =	vsel vm0, s22, v10;
	v6 =	vsel vm2, s19, v6;
	v5 =	vsel vm5, s23, v5;
	s23 =	sld [smem:$0x7E3];
	s19 =	sshra.s32 s31, $0x1F  }
0x126: {  	v9 =	vsel vm1, s15, v9;
	s7 =	sshra.s32 s7, $0x1F;
	v10 =	vsel vm1, s25, v10;
	s25 =	sshrl.u32 s29, $0x1F;
	s15 =	sshrl.u32 s21, $0x1F;
	v8 =	vmov s19  }
0x127: {  	v7 =	vsel vm0, s20, v7;
	s28 =	sshra.s32 s6, $0xC;
	s6 =	sshra.s32 s6, $0x1F;
	s16 =	sshra.s32 s18, $0x1F;
	v8 =	vsel vm3, s1, v8  }
0x128: {  	v7 =	vsel vm1, s24, v7;
	s24 =	sshrl.u32 s31, $0x1F;
	s1 =	spop (v2sf);
	s20 =	sshrl.u32 s23, $0x1F;
	v8 =	vsel vm9, s12, v8  }
0x129: {  	v5 =	vsel vm6, s20, v5;
	s12 =	spop (v2sf);
	s20 =	sshra.s32 s13, $0xC;
	v8 =	vsel vm0, s5, v8;
	s5 =	sshra.s32 s13, $0x1F  }
0x12a: {  	v7 =	vsel vm2, s4, v7;
	v5 =	vsel vm7, s24, v5;
	s4 =	spop (v2sf);
	s13 =	smulhi.u32 $0x68DB8BAD, s1;
	s24 =	sshra.s32 s1, $0x1F  }
0x12b: {  	v8 =	vsel vm10, s7, v8;
	s1 =	spop (v2sf);
	s7 =	sshra.s32 s18, $0xC;
	s18 =	rddreg [dreg:$0x1d]  }
0x12c: {  	s19 =	sshra.s32 s9, $0xC;
	v8 =	vsel vm1, s28, v8;
	s28 =	smul.u32 $0x68DB8BAD, s24;
	s22 =	spop (v2sf)  }
0x12d: {  	v9 =	vsel vm2, s10, v9;
	v8 =	vsel vm11, s6, v8;
	s6 =	smulhi.u32 $0x68DB8BAD, s22;
	s14 =	sshra.s32 s22, $0x1F;
	s22 =	sld [smem:$0x7E5]  }
0x12e: {  	v10 =	vsel vm2, s26, v10;
	v12 =	vmov s25;
	v6 =	vcombine.low v7, v6;
	s10 =	smul.u32 $0x68DB8BAD, s14;
	s13 =	sadd.s32 s28, s13;
	s28 =	sshrl.u32 s30, $0x1F  }
0x12f: {  	v9 =	vcombine.low v10, v9;
	s9 =	sshra.s32 s9, $0x1F;
	v8 =	vsel vm2, s19, v8;
	s19 =	sld [smem:$0x7E6];
	v12 =	vsel vm0, s28, v12;
	s28 =	sshra.s32 s30, $0xC  }
0x130: {  	v6 =	vperm.xlane v6, v1;
	v5 =	vperm.xlane v5, v2;
	v8 =	vsel vm12, s9, v8;
	s30 =	sshrl.u32 s0, $0x1F;
	s24 =	sshrl.u32 s22, $0x1F;
	s14 =	sadd.s32 s10, s6  }
0x131: {  	v9 =	vperm.xlane v9, v1;
	v8 =	vsel vm4, s20, v8;
	s10 =	sshra.s32 s22, $0xC;
	s20 =	sshrl.u32 s17, $0x1F;
	s22 =	sshra.s32 s21, $0xC  }
0x132: {  	v5 =	vsel vm8, v5, v6;
	v12 =	vsel vm1, s8, v12;
	s21 =	sshra.s32 s17, $0xC;
	v58 =	vmov s30;
	s30 =	sshra.s32 s13, $0x1F;
	s25 =	sshra.s32 s14, $0x1F  }
0x133: {  	s17 =	sshra.s32 s23, $0x1F;
	v11 =	vmov s24;
	v13 =	vmov s10;
	s24 =	sshra.s32 s29, $0xC;
	s29 =	sshra.s32 s0, $0xC;
	v55 =	vmov s25  }
0x134: {  	s26 =	sshrl.u32 s19, $0x1F;
	v12 =	vsel vm2, s20, v12;
	s10 =	sshra.s32 s23, $0xC;
	s0 =	sshra.s32 s0, $0x1F;
	v11 =	vsel vm0, s15, v11;
	v7 =	vsel vm3, s29, v55  }
0x135: {  	v8 =	vsel vm13, s5, v8;
	s15 =	sshrl.u32 s18, $0x1F;
	v11 =	vsel vm1, s26, v11;
	s26 =	sshra.s32 s19, $0xC;
	s19 =	sshra.s32 s3, $0xC;
	v7 =	vsel vm9, s0, v7  }
0x136: {  	s20 =	sshrl.u32 s2, $0x1F;
	v14 =	vmov s24;
	v11 =	vsel vm2, s15, v11;
	s15 =	sshrl.u32 s3, $0x1F;
	s3 =	sshra.s32 s3, $0x1F;
	v7 =	vsel vm0, s19, v7  }
0x137: {  	v13 =	vsel vm0, s22, v13;
	s22 =	smulhi.u32 $0x68DB8BAD, s12;
	s24 =	sshra.s32 s12, $0x1F;
	s25 =	sshra.s32 s2, $0xC;
	v14 =	vsel vm0, s28, v14;
	v7 =	vsel vm10, s3, v7  }
0x138: {  	s18 =	sshra.s32 s18, $0xC;
	s2 =	sshra.s32 s2, $0x1F;
	v8 =	vsel vm5, s7, v8;
	v14 =	vsel vm1, s11, v14;
	s11 =	smul.u32 $0x68DB8BAD, s24;
	v7 =	vsel vm1, s25, v7  }
0x139: {  	s28 =	smulhi.u32 $0x68DB8BAD, s4;
	s4 =	sshra.s32 s4, $0x1F;
	s29 =	sshra.s32 s13, $0xC;
	v8 =	vsel vm14, s16, v8;
	v13 =	vsel vm1, s26, v13;
	v7 =	vsel vm11, s2, v7  }
0x13a: {  	s26 =	sshrl.u32 s13, $0x1F;
	s4 =	smul.u32 $0x68DB8BAD, s4;
	v8 =	vsel vm6, s10, v8;
	v13 =	vsel vm2, s18, v13;
	s9 =	sadd.s32 s11, s22;
	v7 =	vsel vm2, s29, v7  }
0x13b: {  	v57 =	vcombine.low v12, v11;
	v11 =	vnsel vm3, $0x0, v58;
	s11 =	smulhi.u32 $0x68DB8BAD, s1;
	s1 =	sshra.s32 s1, $0x1F;
	s12 =	sshra.s32 s9, $0xC;
	v7 =	vsel vm12, s30, v7  }
0x13c: {  	v56 =	vsel vm2, s21, v14;
	v11 =	vsel vm0, s15, v11;
	s13 =	sadd.s32 s4, s28;
	s1 =	smul.u32 $0x68DB8BAD, s1;
	s15 =	sshra.s32 s9, $0x1F;
	v7 =	vsel vm4, s12, v7  }
0x13d: {  	v8 =	vsel vm15, s17, v8;
	s21 =	sshra.s32 s31, $0xC;
	v11 =	vsel vm1, s20, v11;
	s19 =	sshra.s32 s13, $0xC;
	v7 =	vsel vm13, s15, v7  }
0x13e: {  	v6 =	vcombine.low v56, v13;
	s18 =	sshrl.u32 s9, $0x1F;
	s0 =	sshra.s32 s13, $0x1F;
	v11 =	vsel vm2, s26, v11;
	s1 =	sadd.s32 s1, s11;
	v7 =	vsel vm5, s19, v7  }
0x13f: {  	v8 =	vsel vm7, s21, v8;
	s20 =	sshrl.u32 s13, $0x1F;
	v11 =	vsel vm4, s18, v11;
	s23 =	sshra.s32 s1, $0xC;
	v7 =	vsel vm14, s0, v7  }
0x140: {  	v8 =	vperm.xlane v8, v2;
	v11 =	vsel vm5, s20, v11;
	s22 =	sshrl.u32 s1, $0x1F;
	s25 =	sshra.s32 s1, $0x1F;
	v7 =	vsel vm6, s23, v7  }
0x141: {  	s24 =	sshrl.u32 s14, $0x1F;
	v10 =	vperm.xlane v57, v1;
	s26 =	sshra.s32 s14, $0xC;
	v11 =	vsel vm6, s22, v11;
	v7 =	vsel vm15, s25, v7  }
0x142: {  	v6 =	vperm.xlane v6, v1;
	v11 =	vsel vm7, s24, v11;
	v7 =	vsel vm7, s26, v7  }
0x143: {  	v59 =	vld [tilespmem:$0x80];
	v8 =	vsel vm8, v8, v9;
	v11 =	vperm.xlane v11, v2;
	v7 =	vperm.xlane v7, v2  }
0x144: {  	v5 =	vadd.s32 v5, v8  }
0x145: {  	v61 =	vld [tilespmem:$0x90];
	v5 =	vmul.u32 $0x2710, v5;
	v60 =	vsel vm8, v11, v10;
	v6 =	vsel vm8, v7, v6  }
0x146: {  	v6 =	vadd.s32 v60, v6  }
0x147: {  	s6 =	rddreg [dreg:$0xf];
	v3 =	vsub.s32 v3, v5;
	v62 =	vmul.u32 $0x2710, v6  }
0x148: {  	v63 =	vmin.u32 v59, $0x3B00;
	p0 =	seq.s32 s6, $0x9D0;
	v3 =	vshll.u32 v3, $0x1  }
.Ltmp4:
0x149: {  	[tilespmem:$0x280] =	vst v63;
	v3 =	vor.u32 v0, v3;
	v4 =	vsub.s32 v4, v62;
	(pc) =	sbr.rel @p0 .LBB2_4-.Ltmp4, $4  }
0x14a: {  	[tilespmem:$0x180] =	vst v3;
	v3 =	vmin.u32 v61, $0x3B00;
	v4 =	vshll.u32 v4, $0x1  }
0x14b: {  	s31 =	simm.s32 $0x1300;
	s28 =	rddreg [dreg:$0x0];
	s3 =	simm.s32 $0x1300;
	[tilespmem:$0x290] =	vst v3;
	v3 =	vor.u32 v0, v4  }
0x14c: {  	s2 =	simm.s32 $0x20;
	s29 =	simm.s32 $0x180;
	s30 =	simm.s32 $0x20;
	[tilespmem:$0x190] =	vst v3  }
0x14d: {  	[tilespmem:s31], [sflag:$0x3] =	stream.indirect.gather [hbm4b:s28+s30], $0x80, s29, s30, $0xb8;
	[tilespmem:$0x1FB40] =	vst v63  }
0x14e: {  	s1 =	rddreg [dreg:$0x7]  }
0x14f: {  	s5 =	simm.s32 $0x0;
	s1 =	sadd.s32 s6, s1  }
0x150: {  	s6 =	simm.s32 $0x2;
	[dreg:$0x11] =	wrdreg s1;
	s0 =	sadd.s32 $0x10, s1  }
0x151: {  	[tilespmem:s5], [sflag:$0x1] =	stream.linear.gather [hbm4b:s0+s5], $0x40, $0x38;
	[tilespmem:$0x1FB40] =	vst v63  }
0x152: {  	_ =	swait.ge [sflag:s6], $0x1000  }
0x153: {  	[sflag:s6] =	ssyncset.done $0x0  }
0x154: {  	s3 =	simm.s32 $0x300;
	[sflag:s6] =	ssyncadd.s32 $0xFFFFF000  }
0x155: {  	s8 =	simm.s32 $0x200;
	s9 =	simm.s32 $0x1;
	s7 =	rddreg [dreg:$0x4]  }
0x156: {  	[spmem:s7] =	stream.indirect.scatter.add.f32 [tilespmem:s3], [sflag:$0x4], $0x80, s8, s2, $0xb8;
	[tilespmem:$0x1FB40] =	vst v63  }
0x157: {  	_ =	swait.ge [sflag:s9], $0x40  }
0x158: {  	[sflag:s9] =	ssyncset.done $0x0  }
0x159: {  	s10 =	simm.s32 $0x4;
	[sflag:s9] =	ssyncadd.s32 $0xFFFFFFC0  }
0x15a: {  	_ =	swait.ge [sflag:s10], $0x1000  }
0x15b: {  	[sflag:s10] =	ssyncset.done $0x0  }
0x15c: {  	[sflag:s10] =	ssyncadd.s32 $0xFFFFF000  }
0x15d: {  	v3 =	vld [tilespmem:$0x20];
	_ =	sdelay $0x4  }
0x15e: {  	(v2sf) =	vpush v3, $0xD;
	_ =	sdelay $0x1  }
0x15f: {  	(v2sf) =	vpush v3, $0xC;
	_ =	sdelay $0x1  }
0x160: {  	(v2sf) =	vpush v3, $0xE;
	_ =	sdelay $0x1  }
0x161: {  	(v2sf) =	vpush v3, $0xF;
	_ =	sdelay $0x1  }
0x162: {  	(v2sf) =	vpush v3, $0x9  }
0x163: {  	(v2sf) =	vpush v3, $0x8  }
0x164: {  	(v2sf) =	vpush v3, $0xA  }
0x165: {  	(v2sf) =	vpush v3, $0xB;
	_ =	sdelay $0x3  }
0x166: {  	s11 =	spop (v2sf)  }
0x167: {  	(v2sf) =	vpush v3, $0x0;
	s5 =	smulhi.u32 $0x68DB8BAD, s11;
	s0 =	sshra.s32 s11, $0x1F  }
0x168: {  	s12 =	spop (v2sf);
	s4 =	smul.u32 $0x68DB8BAD, s0  }
0x169: {  	(v2sf) =	vpush v3, $0x1;
	s8 =	smulhi.u32 $0x68DB8BAD, s12;
	s0 =	sshra.s32 s12, $0x1F  }
0x16a: {  	s13 =	spop (v2sf);
	s19 =	smul.u32 $0x68DB8BAD, s0  }
0x16b: {  	(v2sf) =	vpush v3, $0x2;
	s21 =	smulhi.u32 $0x68DB8BAD, s13;
	s0 =	sshra.s32 s13, $0x1F  }
0x16c: {  	s14 =	spop (v2sf);
	s13 =	smul.u32 $0x68DB8BAD, s0  }
0x16d: {  	(v2sf) =	vpush v3, $0x3;
	s9 =	smulhi.u32 $0x68DB8BAD, s14;
	s0 =	sshra.s32 s14, $0x1F  }
0x16e: {  	s15 =	spop (v2sf);
	(v2sf) =	vpush v3, $0x4;
	s6 =	smul.u32 $0x68DB8BAD, s0  }
0x16f: {  	s10 =	smulhi.u32 $0x68DB8BAD, s15;
	s0 =	sshra.s32 s15, $0x1F;
	s16 =	spop (v2sf)  }
0x170: {  	s14 =	smul.u32 $0x68DB8BAD, s0;
	s0 =	sshra.s32 s16, $0x1F;
	s17 =	spop (v2sf)  }
0x171: {  	(v2sf) =	vpush v3, $0x5;
	s3 =	smul.u32 $0x68DB8BAD, s0;
	s18 =	spop (v2sf)  }
0x172: {  	s5 =	sadd.s32 s4, s5;
	s22 =	smulhi.u32 $0x68DB8BAD, s18  }
0x173: {  	v4 =	vld [tilespmem:$0x30];
	[smem:$0x7CC] =	sst s5;
	(v2sf) =	vpush v3, $0x6;
	s20 =	smulhi.u32 $0x68DB8BAD, s17;
	s0 =	sshra.s32 s17, $0x1F  }
0x174: {  	(v2sf) =	vpush v3, $0x7;
	s29 =	smul.u32 $0x68DB8BAD, s0;
	[smem:$0x7C4] =	sst s22  }
0x175: {  	s11 =	smulhi.u32 $0x68DB8BAD, s16;
	s0 =	sshra.s32 s18, $0x1F;
	s5 =	sld [smem:$0x7C4]  }
0x176: {  	s2 =	smul.u32 $0x68DB8BAD, s0;
	s4 =	sadd.s32 s29, s20;
	s23 =	spop (v2sf)  }
0x177: {  	[smem:$0x7CE] =	sst s4;
	s24 =	smulhi.u32 $0x68DB8BAD, s23;
	s0 =	sshra.s32 s23, $0x1F  }
0x178: {  	s2 =	sadd.s32 s2, s5;
	(v2sf) =	vpush v4, $0xD;
	s25 =	spop (v2sf);
	s28 =	smul.u32 $0x68DB8BAD, s0  }
0x179: {  	[smem:$0x7CF] =	sst s2;
	(v2sf) =	vpush v4, $0xC;
	s26 =	smulhi.u32 $0x68DB8BAD, s25;
	s0 =	sshra.s32 s25, $0x1F  }
0x17a: {  	s30 =	spop (v2sf);
	s1 =	smul.u32 $0x68DB8BAD, s0  }
0x17b: {  	[smem:$0x7C5] =	sst s24;
	s7 =	smulhi.u32 $0x68DB8BAD, s30;
	s0 =	sshra.s32 s30, $0x1F  }
0x17c: {  	(v2sf) =	vpush v4, $0xE;
	s31 =	spop (v2sf);
	s12 =	smul.u32 $0x68DB8BAD, s0  }
0x17d: {  	s15 =	smulhi.u32 $0x68DB8BAD, s31;
	s18 =	spop (v2sf)  }
0x17e: {  	(v2sf) =	vpush v4, $0xF;
	s0 =	sshra.s32 s31, $0x1F;
	[smem:$0x7C7] =	sst s7;
	s16 =	smulhi.u32 $0x68DB8BAD, s18  }
0x17f: {  	s18 =	sshra.s32 s18, $0x1F;
	[smem:$0x7C8] =	sst s15;
	s15 =	smul.u32 $0x68DB8BAD, s0  }
0x180: {  	(v2sf) =	vpush v4, $0x9;
	s17 =	spop (v2sf);
	s7 =	smul.u32 $0x68DB8BAD, s18  }
0x181: {  	[smem:$0x7C6] =	sst s26;
	s22 =	smulhi.u32 $0x68DB8BAD, s17  }
0x182: {  	(v2sf) =	vpush v4, $0x8;
	s23 =	spop (v2sf);
	s5 =	sld [smem:$0x7C7]  }
0x183: {  	s18 =	sshra.s32 s17, $0x1F;
	s24 =	smulhi.u32 $0x68DB8BAD, s23;
	s25 =	spop (v2sf)  }
0x184: {  	s21 =	sadd.s32 s13, s21;
	[smem:$0x7CA] =	sst s22;
	s22 =	smul.u32 $0x68DB8BAD, s18  }
0x185: {  	(v2sf) =	vpush v4, $0xA;
	[smem:$0x7C9] =	sst s16;
	s18 =	sshra.s32 s23, $0x1F;
	s31 =	smulhi.u32 $0x68DB8BAD, s25  }
0x186: {  	[smem:$0x7CB] =	sst s24;
	s16 =	smul.u32 $0x68DB8BAD, s18;
	s18 =	sshra.s32 s25, $0x1F  }
0x187: {  	s25 =	sadd.s32 s19, s8;
	s17 =	smul.u32 $0x68DB8BAD, s18;
	s26 =	spop (v2sf)  }
0x188: {  	s30 =	smulhi.u32 $0x68DB8BAD, s26;
	s18 =	sshra.s32 s26, $0x1F;
	s8 =	spop (v2sf)  }
0x189: {  	(v2sf) =	vpush v4, $0xB;
	s26 =	sadd.s32 s14, s10;
	s10 =	sadd.s32 s3, s11;
	s23 =	smul.u32 $0x68DB8BAD, s18  }
0x18a: {  	s3 =	sld [smem:$0x7C6];
	s19 =	smulhi.u32 $0x68DB8BAD, s8;
	s18 =	sshra.s32 s8, $0x1F  }
0x18b: {  	s24 =	sadd.s32 s6, s9;
	(v2sf) =	vpush v4, $0x0;
	s9 =	spop (v2sf);
	s13 =	smul.u32 $0x68DB8BAD, s18  }
0x18c: {  	[smem:$0x7CD] =	sst s10;
	s18 =	smulhi.u32 $0x68DB8BAD, s9;
	s6 =	sshra.s32 s9, $0x1F  }
0x18d: {  	s12 =	sadd.s32 s12, s5;
	(v2sf) =	vpush v4, $0x1;
	s11 =	spop (v2sf);
	s14 =	smul.u32 $0x68DB8BAD, s6  }
0x18e: {  	s17 =	sadd.s32 s17, s31;
	s8 =	sld [smem:$0x7C5];
	s20 =	smulhi.u32 $0x68DB8BAD, s11  }
0x18f: {  	(v2sf) =	vpush v4, $0x2;
	s0 =	sshra.s32 s11, $0x1F;
	s6 =	spop (v2sf);
	s29 =	sadd.s32 s1, s3  }
0x190: {  	s3 =	sld [smem:$0x7C9];
	s30 =	sadd.s32 s23, s30;
	s10 =	smul.u32 $0x68DB8BAD, s0  }
0x191: {  	(v2sf) =	vpush v4, $0x3;
	s11 =	smulhi.u32 $0x68DB8BAD, s6;
	s9 =	sshra.s32 s6, $0x1F;
	s4 =	spop (v2sf)  }
0x192: {  	(v2sf) =	vpush v4, $0x4;
	s28 =	sadd.s32 s28, s8;
	s6 =	sld [smem:$0x7C8];
	s8 =	smul.u32 $0x68DB8BAD, s9  }
0x193: {  	[dreg:$0x19] =	wrdreg s30;
	s19 =	sadd.s32 s13, s19;
	s9 =	smulhi.u32 $0x68DB8BAD, s4  }
0x194: {  	(v2sf) =	vpush v4, $0x5;
	s0 =	sshra.s32 s4, $0x1F;
	s2 =	spop (v2sf);
	s4 =	sld [smem:$0x7CA]  }
0x195: {  	(v2sf) =	vpush v4, $0x6;
	[smem:$0x7D0] =	sst s19;
	s18 =	sadd.s32 s14, s18;
	s5 =	smul.u32 $0x68DB8BAD, s0  }
0x196: {  	(v2sf) =	vpush v4, $0x7;
	s7 =	sadd.s32 s7, s3;
	s0 =	sshra.s32 s2, $0x1F;
	s3 =	sld [smem:$0x7CB]  }
0x197: {  	[dreg:$0x1f] =	wrdreg s18;
	s15 =	sadd.s32 s15, s6;
	s6 =	smulhi.u32 $0x68DB8BAD, s2  }
0x198: {  	s2 =	spop (v2sf);
	s22 =	sadd.s32 s22, s4;
	s4 =	smul.u32 $0x68DB8BAD, s0  }
0x199: {  	s0 =	sshra.s32 s2, $0x1F;
	s16 =	sadd.s32 s16, s3;
	s3 =	smulhi.u32 $0x68DB8BAD, s2  }
0x19a: {  	s10 =	sadd.s32 s10, s20;
	s2 =	smul.u32 $0x68DB8BAD, s0;
	s1 =	spop (v2sf)  }
0x19b: {  	[smem:$0x7D1] =	sst s10;
	s30 =	smulhi.u32 $0x68DB8BAD, s1;
	s1 =	sshra.s32 s1, $0x1F  }
0x19c: {  	s4 =	sadd.s32 s4, s6;
	s23 =	spop (v2sf);
	s13 =	smul.u32 $0x68DB8BAD, s1  }
0x19d: {  	[smem:$0x7D2] =	sst s4;
	s1 =	smulhi.u32 $0x68DB8BAD, s23;
	s19 =	sshra.s32 s23, $0x1F  }
0x19e: {  	s2 =	sadd.s32 s2, s3;
	s31 =	spop (v2sf);
	s18 =	smul.u32 $0x68DB8BAD, s19  }
0x19f: {  	[dreg:$0x14] =	wrdreg s2;
	s0 =	smulhi.u32 $0x68DB8BAD, s31;
	s23 =	sshra.s32 s31, $0x1F  }
0x1a0: {  	s8 =	sadd.s32 s8, s11;
	s19 =	spop (v2sf);
	s20 =	smul.u32 $0x68DB8BAD, s23  }
0x1a1: {  	s5 =	sadd.s32 s5, s9;
	s31 =	spop (v2sf);
	s14 =	smulhi.u32 $0x68DB8BAD, s19  }
0x1a2: {  	s19 =	sshra.s32 s19, $0x1F;
	s6 =	sadd.s32 s13, s30;
	s30 =	sshrl.u32 s24, $0x1F  }
0x1a3: {  	s13 =	sshra.s32 s24, $0xC;
	s10 =	spop (v2sf);
	s19 =	smul.u32 $0x68DB8BAD, s19  }
0x1a4: {  	s24 =	sshra.s32 s28, $0xC;
	s23 =	spop (v2sf);
	s20 =	sadd.s32 s20, s0  }
0x1a5: {  	s11 =	spop (v2sf);
	s4 =	sadd.s32 s19, s14;
	s14 =	sld [smem:$0x7CC]  }
0x1a6: {  	s19 =	sshra.s32 s25, $0xC;
	s9 =	smulhi.u32 $0x68DB8BAD, s11;
	s11 =	sshra.s32 s11, $0x1F  }
0x1a7: {  	s0 =	sshra.s32 s28, $0x1F;
	v9 =	vmov s19;
	s19 =	rddreg [dreg:$0x19];
	s2 =	smul.u32 $0x68DB8BAD, s11  }
0x1a8: {  	s11 =	sadd.s32 s18, s1;
	s18 =	sshra.s32 s17, $0x1F;
	s1 =	sshra.s32 s29, $0xC  }
0x1a9: {  	v5 =	vmov s18;
	s18 =	sshra.s32 s26, $0xC;
	s3 =	sadd.s32 s2, s9;
	s9 =	sshrl.u32 s14, $0x1F  }
0x1aa: {  	s2 =	sshra.s32 s14, $0xC;
	s14 =	sshrl.u32 s25, $0x1F;
	s25 =	sshrl.u32 s21, $0x1F;
	v5 =	vsel vm3, s24, v5  }
0x1ab: {  	s21 =	sshra.s32 s21, $0xC;
	s24 =	sshrl.u32 s28, $0x1F;
	v5 =	vsel vm9, s0, v5;
	s0 =	sld [smem:$0x7CD];
	v6 =	vmov s14  }
0x1ac: {  	v7 =	vmov s24;
	s14 =	sshrl.u32 s29, $0x1F;
	v9 =	vsel vm0, s2, v9;
	v5 =	vsel vm0, s1, v5;
	s1 =	sshra.s32 s29, $0x1F;
	s29 =	sld [smem:$0x7CE]  }
0x1ad: {  	s28 =	sshrl.u32 s26, $0x1F;
	s2 =	sshrl.u32 s19, $0x1F;
	v7 =	vnsel vm3, $0x0, v7;
	v9 =	vsel vm1, s21, v9;
	s21 =	sld [smem:$0x7D1]  }
0x1ae: {  	v6 =	vsel vm0, s9, v6;
	v5 =	vsel vm10, s1, v5;
	s1 =	sshra.s32 s12, $0xC;
	v7 =	vsel vm0, s14, v7;
	s14 =	sshrl.u32 s12, $0x1F;
	s12 =	sshra.s32 s12, $0x1F  }
0x1af: {  	v6 =	vsel vm1, s25, v6;
	v9 =	vsel vm2, s13, v9;
	s13 =	sshrl.u32 s8, $0x1F;
	s26 =	sshrl.u32 s0, $0x1F;
	v8 =	vsel vm1, s1, v5;
	s1 =	sld [smem:$0x7CF]  }
0x1b0: {  	s0 =	sshra.s32 s0, $0xC;
	v48 =	vsel vm2, s30, v6;
	v49 =	vsel vm1, s14, v7;
	s30 =	sshrl.u32 s15, $0x1F;
	s14 =	sshra.s32 s11, $0xC  }
0x1b1: {  	s9 =	sshrl.u32 s29, $0x1F;
	s24 =	sshra.s32 s29, $0xC;
	v6 =	vsel vm2, s30, v49;
	s30 =	sshrl.u32 s7, $0x1F  }
0x1b2: {  	v50 =	vsel vm11, s12, v8;
	v51 =	vmov s26;
	s25 =	sshrl.u32 s1, $0x1F;
	s12 =	sshra.s32 s1, $0xC;
	s1 =	sshra.s32 s15, $0xC  }
0x1b3: {  	s29 =	sshra.s32 s15, $0x1F;
	s26 =	sshrl.u32 s17, $0x1F;
	v10 =	vmov s0;
	v6 =	vsel vm4, s30, v6;
	s30 =	sshra.s32 s22, $0xC;
	v7 =	vsel vm2, s1, v50  }
0x1b4: {  	v8 =	vsel vm0, s28, v51;
	s28 =	sshra.s32 s16, $0xC;
	v10 =	vsel vm0, s18, v10;
	s18 =	rddreg [dreg:$0x1f];
	s1 =	sshra.s32 s7, $0xC;
	v7 =	vsel vm12, s29, v7  }
0x1b5: {  	v8 =	vsel vm1, s9, v8;
	s9 =	sshra.s32 s22, $0x1F;
	v10 =	vsel vm1, s24, v10;
	s24 =	sshrl.u32 s6, $0x1F;
	s7 =	sshra.s32 s7, $0x1F;
	v7 =	vsel vm4, s1, v7  }
0x1b6: {  	s15 =	sshrl.u32 s5, $0x1F;
	s5 =	sshra.s32 s5, $0xC;
	v8 =	vsel vm2, s25, v8;
	s25 =	sshra.s32 s31, $0x1F;
	v10 =	vsel vm2, s12, v10;
	v7 =	vsel vm13, s7, v7  }
0x1b7: {  	v11 =	vmov s24;
	s12 =	sshrl.u32 s4, $0x1F;
	v14 =	vmov s15;
	s29 =	sshrl.u32 s22, $0x1F;
	s22 =	smulhi.u32 $0x68DB8BAD, s31;
	v7 =	vsel vm5, s30, v7  }
0x1b8: {  	v14 =	vsel vm0, s13, v14;
	s13 =	sshra.s32 s19, $0xC;
	v6 =	vsel vm5, s29, v6;
	s1 =	sshrl.u32 s16, $0x1F;
	s7 =	smul.u32 $0x68DB8BAD, s25;
	v7 =	vsel vm14, s9, v7  }
0x1b9: {  	v16 =	vmov s5;
	s19 =	sshra.s32 s21, $0xC;
	s29 =	sshra.s32 s16, $0x1F;
	v6 =	vsel vm6, s1, v6;
	s1 =	smulhi.u32 $0x68DB8BAD, s10;
	v7 =	vsel vm6, s28, v7  }
0x1ba: {  	v5 =	vcombine.low v8, v48;
	v52 =	vcombine.low v10, v9;
	s10 =	sshra.s32 s10, $0x1F;
	s30 =	sshra.s32 s17, $0xC;
	s28 =	sshra.s32 s3, $0x1F;
	v7 =	vsel vm15, s29, v7  }
0x1bb: {  	v6 =	vsel vm7, s26, v6;
	s26 =	sld [smem:$0x7D0];
	s10 =	smul.u32 $0x68DB8BAD, s10;
	v13 =	vmov s28;
	v7 =	vsel vm7, s30, v7;
	s30 =	sshra.s32 s6, $0xC  }
0x1bc: {  	s16 =	sshrl.u32 s18, $0x1F;
	s25 =	sshrl.u32 s11, $0x1F;
	v5 =	vperm.xlane v5, v1;
	v6 =	vperm.xlane v6, v2;
	s6 =	sshra.s32 s6, $0x1F;
	v13 =	vsel vm3, s30, v13  }
0x1bd: {  	v11 =	vnsel vm3, $0x0, v11;
	s11 =	sshra.s32 s11, $0x1F;
	v8 =	vperm.xlane v52, v1;
	s7 =	sadd.s32 s7, s22;
	s0 =	sadd.s32 s10, s1;
	v13 =	vsel vm9, s6, v13  }
0x1be: {  	v11 =	vsel vm0, s25, v11;
	s1 =	sshra.s32 s23, $0x1F;
	s31 =	sshrl.u32 s26, $0x1F;
	s29 =	sshrl.u32 s20, $0x1F;
	v5 =	vsel vm8, v6, v5;
	v13 =	vsel vm0, s14, v13  }
0x1bf: {  	s22 =	sshra.s32 s20, $0xC;
	s10 =	smul.u32 $0x68DB8BAD, s1;
	s9 =	sshra.s32 s26, $0xC;
	v12 =	vmov s31;
	v11 =	vsel vm1, s29, v11;
	v13 =	vsel vm10, s11, v13  }
0x1c0: {  	s28 =	sshra.s32 s20, $0x1F;
	s31 =	smulhi.u32 $0x68DB8BAD, s23;
	s23 =	sld [smem:$0x7D2];
	v15 =	vmov s9;
	v12 =	vsel vm0, s2, v12;
	v13 =	vsel vm1, s22, v13  }
0x1c1: {  	s17 =	sshrl.u32 s21, $0x1F;
	s15 =	sshra.s32 s7, $0xC;
	s1 =	sshra.s32 s4, $0xC;
	v11 =	vsel vm2, s12, v11;
	v15 =	vsel vm0, s13, v15;
	v13 =	vsel vm11, s28, v13  }
0x1c2: {  	v7 =	vperm.xlane v7, v2;
	v12 =	vsel vm1, s16, v12;
	s16 =	sshrl.u32 s7, $0x1F;
	s2 =	sadd.s32 s10, s31;
	s10 =	sshra.s32 s4, $0x1F;
	v13 =	vsel vm2, s1, v13  }
0x1c3: {  	s29 =	rddreg [dreg:$0x14];
	v12 =	vsel vm2, s17, v12;
	v11 =	vsel vm4, s16, v11;
	s17 =	sshrl.u32 s0, $0x1F;
	s24 =	sshrl.u32 s23, $0x1F;
	v13 =	vsel vm12, s10, v13  }
0x1c4: {  	s14 =	sshra.s32 s8, $0xC;
	s16 =	sshra.s32 s18, $0xC;
	s18 =	sshra.s32 s7, $0x1F;
	v11 =	vsel vm5, s17, v11;
	v14 =	vsel vm1, s24, v14;
	v13 =	vsel vm4, s15, v13  }
0x1c5: {  	s21 =	sshra.s32 s0, $0xC;
	s30 =	sshrl.u32 s29, $0x1F;
	s25 =	sshrl.u32 s2, $0x1F;
	v16 =	vsel vm0, s14, v16;
	v15 =	vsel vm1, s16, v15;
	v13 =	vsel vm13, s18, v13  }
0x1c6: {  	s0 =	sshra.s32 s0, $0x1F;
	s17 =	sshra.s32 s23, $0xC;
	v11 =	vsel vm6, s25, v11;
	v14 =	vsel vm2, s30, v14;
	v13 =	vsel vm5, s21, v13  }
0x1c7: {  	s20 =	sshra.s32 s29, $0xC;
	v16 =	vsel vm1, s17, v16;
	v15 =	vsel vm2, s19, v15;
	s22 =	sshra.s32 s2, $0xC;
	v53 =	vsel vm14, s0, v13  }
0x1c8: {  	s31 =	sshrl.u32 s3, $0x1F;
	s23 =	sshra.s32 s2, $0x1F;
	v16 =	vsel vm2, s20, v16;
	v54 =	vcombine.low v14, v12;
	v9 =	vsel vm6, s22, v53  }
0x1c9: {  	s24 =	sshra.s32 s3, $0xC;
	v11 =	vsel vm7, s31, v11;
	v55 =	vcombine.low v16, v15;
	v9 =	vsel vm15, s23, v9  }
0x1ca: {  	v57 =	vperm.xlane v11, v2;
	v56 =	vperm.xlane v54, v1;
	v9 =	vsel vm7, s24, v9  }
0x1cb: {  	v58 =	vld [tilespmem:$0x0];
	v7 =	vsel vm8, v7, v8;
	v59 =	vperm.xlane v55, v1;
	v9 =	vperm.xlane v9, v2  }
0x1cc: {  	v5 =	vadd.s32 v5, v7  }
0x1cd: {  	v61 =	vld [tilespmem:$0x10];
	v5 =	vmul.u32 $0x2710, v5;
	v6 =	vsel vm8, v57, v56;
	v60 =	vsel vm8, v9, v59  }
0x1ce: {  	v6 =	vadd.s32 v6, v60  }
0x1cf: {  	v3 =	vsub.s32 v3, v5;
	v62 =	vmul.u32 $0x2710, v6  }
0x1d0: {  	v63 =	vmin.u32 v58, $0x3B00;
	v3 =	vshll.u32 v3, $0x1  }
0x1d1: {  	[tilespmem:$0x200] =	vst v63;
	s26 =	rddreg [dreg:$0x0];
	v3 =	vor.u32 v0, v3;
	v4 =	vsub.s32 v4, v62  }
0x1d2: {  	s29 =	rddreg [dreg:$0x11];
	[tilespmem:$0x100] =	vst v3;
	v3 =	vmin.u32 v61, $0x3B00;
	v4 =	vshll.u32 v4, $0x1  }
0x1d3: {  	s6 =	rddreg [dreg:$0xf];
	s2 =	simm.s32 $0x20;
	[tilespmem:$0x210] =	vst v3;
	v3 =	vor.u32 v0, v4  }
.Ltmp5:
0x1d4: {  	s25 =	simm.s32 $0x100;
	s28 =	simm.s32 $0x300;
	[tilespmem:$0x110] =	vst v3;
	(pc) =	sbr.rel .LBB2_5-.Ltmp5, $4  }
0x1d5: {  	[tilespmem:s28], [sflag:$0x2] =	stream.indirect.gather [hbm4b:s26+s2], $0x80, s25, s2, $0xb8;
	[tilespmem:$0x1FB40] =	vst v63  }
0x1d6: {  	s30 =	simm.s32 $0x80;
	s31 =	simm.s32 $0x0;
	s0 =	sadd.s32 $0x18, s29  }
0x1d7: {  	[tilespmem:s30], [sflag:$0x1] =	stream.linear.gather [hbm4b:s0+s31], $0x40, $0x38;
	[tilespmem:$0x1FB40] =	vst v63  }
0x1d8: {  	s3 =	simm.s32 $0x1300;
	s0 =	rddreg [dreg:$0x4]  }
.LBB2_6:
0x1d9: {  	s0 =	simm.s32 $0x4  }
0x1da: {  	_ =	swait.ge [sflag:s0], $0x1000  }
0x1db: {  	[sflag:s0] =	ssyncset.done $0x0  }
0x1dc: {  	s10 =	simm.s32 $0x5;
	[sflag:s0] =	ssyncadd.s32 $0xFFFFF000  }
0x1dd: {  	_ =	swait.ge [sflag:s10], $0x1000  }
0x1de: {  	[sflag:s10] =	ssyncset.done $0x0  }
0x1df: {  	[sflag:s10] =	ssyncadd.s32 $0xFFFFF000  }
0x1e0: {  	[bflag:$0x0] =	sbarrier.arrive $0xFFFF  }
0x1e1: {  	s1 =	rddreg [dreg:$0x6]  }
0x1e2: {  	s2 =	rddreg [dreg:$0xa]  }
0x1e3: {  	s3 =	simm.s32 $0x6;
	s11 =	rddreg [dreg:$0xb]  }
0x1e4: {  	[hbm:s11], [sflag:s1] =	dma.local [spmem:s2], $0x3B00  }
0x1e5: {  	_ =	swait.ge [sflag:s3], $0x3B00  }
0x1e6: {  	[sflag:s3] =	ssyncset.done $0x0  }
0x1e7: {  	[sflag:s3] =	ssyncadd.s32 $0xFFFFC500  }
0x1e8: {  	[bflag:$0x0] =	sbarrier.arrive $0xFFFF  }
0x1e9: {  	s12 =	rddreg [dreg:$0x2]  }
0x1ea: {  	[spmem:s2], [sflag:s1] =	dma.local [hbm:s12], $0x3B00  }
0x1eb: {  	_ =	swait.ge [sflag:s3], $0x3B00  }
0x1ec: {  	[sflag:s3] =	ssyncset.done $0x0  }
0x1ed: {  	[sflag:s3] =	ssyncadd.s32 $0xFFFFC500  }
0x1ee: {  	[bflag:$0x0] =	sbarrier.arrive $0xFFFF  }
0x1ef: {  	s13 =	simm.s32 $0x0;
	s14 =	rddreg [dreg:$0x7]  }
0x1f0: {  	[tilespmem:s13], [sflag:$0x1] =	stream.linear.gather [hbm4b:s14+s13], $0x40, $0x38;
	[tilespmem:$0x1FB40] =	vst v63  }
0x1f1: {  	_ =	swait.ge [sflag:s5], $0x40  }
0x1f2: {  	[sflag:s5] =	ssyncset.done $0x0  }
0x1f3: {  	[sflag:s5] =	ssyncadd.s32 $0xFFFFFFC0  }
0x1f4: {  	v3 =	vld [tilespmem:$0x20];
	_ =	sdelay $0x4  }
0x1f5: {  	(v2sf) =	vpush v3, $0xD;
	_ =	sdelay $0x1  }
0x1f6: {  	(v2sf) =	vpush v3, $0xC;
	_ =	sdelay $0x1  }
0x1f7: {  	(v2sf) =	vpush v3, $0xE;
	_ =	sdelay $0x1  }
0x1f8: {  	(v2sf) =	vpush v3, $0xF;
	_ =	sdelay $0x1  }
0x1f9: {  	(v2sf) =	vpush v3, $0x9;
	_ =	sdelay $0x1  }
0x1fa: {  	(v2sf) =	vpush v3, $0x8;
	_ =	sdelay $0x1  }
0x1fb: {  	(v2sf) =	vpush v3, $0xA;
	_ =	sdelay $0x1  }
0x1fc: {  	(v2sf) =	vpush v3, $0xB  }
0x1fd: {  	s15 =	spop (v2sf)  }
0x1fe: {  	(v2sf) =	vpush v3, $0x0;
	s8 =	smulhi.u32 $0x68DB8BAD, s15;
	s1 =	sshra.s32 s15, $0x1F  }
0x1ff: {  	s16 =	spop (v2sf);
	s4 =	smul.u32 $0x68DB8BAD, s1  }
0x200: {  	(v2sf) =	vpush v3, $0x1;
	s9 =	smulhi.u32 $0x68DB8BAD, s16;
	s2 =	sshra.s32 s16, $0x1F  }
0x201: {  	s17 =	spop (v2sf);
	s19 =	smul.u32 $0x68DB8BAD, s2  }
0x202: {  	(v2sf) =	vpush v3, $0x2;
	s10 =	smulhi.u32 $0x68DB8BAD, s17;
	s2 =	sshra.s32 s17, $0x1F  }
0x203: {  	s18 =	spop (v2sf);
	s0 =	smul.u32 $0x68DB8BAD, s2  }
0x204: {  	(v2sf) =	vpush v3, $0x3;
	s11 =	smulhi.u32 $0x68DB8BAD, s18;
	s2 =	sshra.s32 s18, $0x1F  }
0x205: {  	s20 =	spop (v2sf);
	s21 =	smul.u32 $0x68DB8BAD, s2  }
0x206: {  	(v2sf) =	vpush v3, $0x4;
	s14 =	smulhi.u32 $0x68DB8BAD, s20;
	s2 =	sshra.s32 s20, $0x1F  }
0x207: {  	s22 =	spop (v2sf);
	s5 =	smul.u32 $0x68DB8BAD, s2  }
0x208: {  	s18 =	smulhi.u32 $0x68DB8BAD, s22;
	s2 =	sshra.s32 s22, $0x1F  }
0x209: {  	s4 =	sadd.s32 s4, s8;
	(v2sf) =	vpush v3, $0x5;
	s23 =	spop (v2sf);
	s6 =	smul.u32 $0x68DB8BAD, s2  }
0x20a: {  	v4 =	vld [tilespmem:$0x30];
	[smem:$0x7BB] =	sst s4;
	(v2sf) =	vpush v3, $0x6;
	s24 =	smulhi.u32 $0x68DB8BAD, s23;
	s2 =	sshra.s32 s23, $0x1F  }
0x20b: {  	s25 =	spop (v2sf);
	(v2sf) =	vpush v3, $0x7;
	s29 =	smul.u32 $0x68DB8BAD, s2  }
0x20c: {  	s26 =	smulhi.u32 $0x68DB8BAD, s25;
	s2 =	sshra.s32 s25, $0x1F;
	[smem:$0x7B1] =	sst s24  }
0x20d: {  	s3 =	smul.u32 $0x68DB8BAD, s2;
	s28 =	spop (v2sf)  }
0x20e: {  	[smem:$0x7B2] =	sst s26;
	s30 =	smulhi.u32 $0x68DB8BAD, s28;
	s2 =	sshra.s32 s28, $0x1F  }
0x20f: {  	(v2sf) =	vpush v4, $0xD;
	s31 =	spop (v2sf);
	s1 =	smul.u32 $0x68DB8BAD, s2  }
0x210: {  	s8 =	sld [smem:$0x7B1];
	(v2sf) =	vpush v4, $0xC;
	s7 =	smulhi.u32 $0x68DB8BAD, s31;
	s2 =	sshra.s32 s31, $0x1F  }
0x211: {  	s12 =	spop (v2sf);
	s2 =	smul.u32 $0x68DB8BAD, s2  }
0x212: {  	(v2sf) =	vpush v4, $0xE;
	[smem:$0x7B3] =	sst s30;
	s13 =	smulhi.u32 $0x68DB8BAD, s12  }
0x213: {  	s15 =	spop (v2sf);
	[smem:$0x7B5] =	sst s2  }
0x214: {  	s16 =	smulhi.u32 $0x68DB8BAD, s15;
	[smem:$0x7B6] =	sst s13;
	s2 =	sshra.s32 s12, $0x1F  }
0x215: {  	(v2sf) =	vpush v4, $0xF;
	s13 =	spop (v2sf);
	s12 =	smul.u32 $0x68DB8BAD, s2  }
0x216: {  	[smem:$0x7B4] =	sst s7;
	s2 =	sshra.s32 s15, $0x1F;
	s17 =	smulhi.u32 $0x68DB8BAD, s13  }
0x217: {  	[smem:$0x7B7] =	sst s16;
	s13 =	sshra.s32 s13, $0x1F;
	s15 =	smul.u32 $0x68DB8BAD, s2  }
0x218: {  	s20 =	spop (v2sf);
	s7 =	smul.u32 $0x68DB8BAD, s13  }
0x219: {  	s22 =	smulhi.u32 $0x68DB8BAD, s20;
	s23 =	spop (v2sf)  }
0x21a: {  	s13 =	sshra.s32 s20, $0x1F;
	s24 =	smulhi.u32 $0x68DB8BAD, s23;
	s25 =	spop (v2sf)  }
0x21b: {  	[smem:$0x7B9] =	sst s22;
	s22 =	smul.u32 $0x68DB8BAD, s13  }
0x21c: {  	(v2sf) =	vpush v4, $0x9;
	[smem:$0x7B8] =	sst s17;
	s13 =	sshra.s32 s23, $0x1F;
	s31 =	smulhi.u32 $0x68DB8BAD, s25  }
0x21d: {  	(v2sf) =	vpush v4, $0x8;
	[smem:$0x7BA] =	sst s24;
	s16 =	smul.u32 $0x68DB8BAD, s13;
	s13 =	sshra.s32 s25, $0x1F  }
0x21e: {  	s24 =	sadd.s32 s0, s10;
	s17 =	smul.u32 $0x68DB8BAD, s13;
	s26 =	spop (v2sf)  }
0x21f: {  	s30 =	smulhi.u32 $0x68DB8BAD, s26;
	s2 =	sshra.s32 s26, $0x1F;
	s28 =	spop (v2sf)  }
0x220: {  	s26 =	sadd.s32 s19, s9;
	s9 =	sld [smem:$0x7B2];
	s23 =	smul.u32 $0x68DB8BAD, s2  }
0x221: {  	s20 =	smulhi.u32 $0x68DB8BAD, s28;
	s2 =	sshra.s32 s28, $0x1F;
	s4 =	spop (v2sf)  }
0x222: {  	(v2sf) =	vpush v4, $0xA;
	s28 =	sadd.s32 s5, s14;
	s5 =	sadd.s32 s6, s18;
	s13 =	smul.u32 $0x68DB8BAD, s2  }
0x223: {  	s25 =	sadd.s32 s21, s11;
	s19 =	smulhi.u32 $0x68DB8BAD, s4;
	[smem:$0x7BC] =	sst s5  }
0x224: {  	(v2sf) =	vpush v4, $0xB;
	s2 =	sshra.s32 s4, $0x1F;
	s6 =	spop (v2sf);
	s4 =	sld [smem:$0x7B5]  }
0x225: {  	s11 =	smul.u32 $0x68DB8BAD, s2;
	s2 =	sadd.s32 s29, s8;
	s29 =	sld [smem:$0x7B3]  }
0x226: {  	(v2sf) =	vpush v4, $0x0;
	s18 =	smulhi.u32 $0x68DB8BAD, s6;
	s0 =	sshra.s32 s6, $0x1F;
	s6 =	sld [smem:$0x7B6]  }
0x227: {  	s8 =	sld [smem:$0x7B7]  }
0x228: {  	(v2sf) =	vpush v4, $0x1;
	[smem:$0x7BD] =	sst s2  }
0x229: {  	s30 =	sadd.s32 s23, s30;
	s2 =	sadd.s32 s3, s9;
	s3 =	sld [smem:$0x7B4]  }
0x22a: {  	s17 =	sadd.s32 s17, s31;
	(v2sf) =	vpush v4, $0x2;
	s14 =	smul.u32 $0x68DB8BAD, s0;
	[dreg:$0x1a] =	wrdreg s30  }
0x22b: {  	s10 =	spop (v2sf);
	s20 =	sadd.s32 s13, s20;
	[smem:$0x7BE] =	sst s2  }
0x22c: {  	(v2sf) =	vpush v4, $0x3;
	s21 =	smulhi.u32 $0x68DB8BAD, s10;
	s0 =	sshra.s32 s10, $0x1F;
	s5 =	spop (v2sf)  }
0x22d: {  	(v2sf) =	vpush v4, $0x4;
	[smem:$0x7BF] =	sst s20;
	s11 =	sadd.s32 s11, s19;
	s29 =	sadd.s32 s1, s29  }
0x22e: {  	(v2sf) =	vpush v4, $0x5;
	s9 =	smul.u32 $0x68DB8BAD, s0;
	s2 =	sadd.s32 s4, s3;
	s4 =	sld [smem:$0x7B8]  }
0x22f: {  	(v2sf) =	vpush v4, $0x6;
	s12 =	sadd.s32 s12, s6;
	s10 =	smulhi.u32 $0x68DB8BAD, s5;
	s0 =	sshra.s32 s5, $0x1F  }
0x230: {  	(v2sf) =	vpush v4, $0x7;
	s15 =	sadd.s32 s15, s8;
	s5 =	sld [smem:$0x7B9];
	s6 =	smul.u32 $0x68DB8BAD, s0  }
0x231: {  	s3 =	spop (v2sf);
	s7 =	sadd.s32 s7, s4;
	s4 =	sld [smem:$0x7BA]  }
0x232: {  	[smem:$0x7C0] =	sst s11;
	s8 =	smulhi.u32 $0x68DB8BAD, s3;
	s0 =	sshra.s32 s3, $0x1F  }
0x233: {  	s3 =	spop (v2sf);
	s22 =	sadd.s32 s22, s5;
	s5 =	smul.u32 $0x68DB8BAD, s0  }
0x234: {  	s0 =	sshra.s32 s3, $0x1F;
	s16 =	sadd.s32 s16, s4;
	s4 =	smulhi.u32 $0x68DB8BAD, s3  }
0x235: {  	s18 =	sadd.s32 s14, s18;
	s3 =	smul.u32 $0x68DB8BAD, s0;
	s1 =	spop (v2sf)  }
0x236: {  	[smem:$0x7C1] =	sst s18;
	s30 =	smulhi.u32 $0x68DB8BAD, s1;
	s1 =	sshra.s32 s1, $0x1F  }
0x237: {  	s9 =	sadd.s32 s9, s21;
	s23 =	spop (v2sf);
	s20 =	smul.u32 $0x68DB8BAD, s1  }
0x238: {  	[smem:$0x7C2] =	sst s9;
	s1 =	smulhi.u32 $0x68DB8BAD, s23;
	s13 =	sshra.s32 s23, $0x1F  }
0x239: {  	s5 =	sadd.s32 s5, s8;
	s31 =	spop (v2sf);
	s11 =	smul.u32 $0x68DB8BAD, s13  }
0x23a: {  	[smem:$0x7C3] =	sst s5;
	s19 =	smulhi.u32 $0x68DB8BAD, s31;
	s23 =	sshra.s32 s31, $0x1F  }
0x23b: {  	s13 =	spop (v2sf);
	s18 =	smul.u32 $0x68DB8BAD, s23  }
0x23c: {  	s31 =	spop (v2sf);
	s0 =	smulhi.u32 $0x68DB8BAD, s13;
	s14 =	sshra.s32 s13, $0x1F  }
0x23d: {  	s10 =	sadd.s32 s6, s10;
	s23 =	spop (v2sf);
	s21 =	smul.u32 $0x68DB8BAD, s14  }
0x23e: {  	s4 =	sadd.s32 s3, s4;
	s11 =	sadd.s32 s11, s1;
	s13 =	spop (v2sf)  }
0x23f: {  	s14 =	spop (v2sf);
	s5 =	sadd.s32 s21, s0;
	s21 =	sld [smem:$0x7BB]  }
0x240: {  	s6 =	smulhi.u32 $0x68DB8BAD, s14;
	s9 =	sshra.s32 s14, $0x1F;
	s14 =	sadd.s32 s20, s30  }
0x241: {  	s20 =	sshra.s32 s26, $0xC;
	s8 =	smul.u32 $0x68DB8BAD, s9;
	s9 =	sadd.s32 s18, s19  }
0x242: {  	s19 =	sshra.s32 s24, $0xC;
	s3 =	sshrl.u32 s21, $0x1F;
	s1 =	sshra.s32 s21, $0xC  }
0x243: {  	s21 =	sshrl.u32 s26, $0x1F;
	s26 =	sshrl.u32 s24, $0x1F;
	s24 =	sshra.s32 s17, $0x1F  }
0x244: {  	s0 =	sshra.s32 s29, $0x1F;
	s30 =	sshra.s32 s29, $0xC;
	s8 =	sadd.s32 s8, s6;
	v5 =	vmov s24  }
0x245: {  	s24 =	sshrl.u32 s25, $0x1F;
	s6 =	sshra.s32 s25, $0xC;
	s25 =	sshrl.u32 s29, $0x1F;
	v6 =	vmov s21;
	v5 =	vsel vm3, s30, v5  }
0x246: {  	s18 =	sshra.s32 s28, $0xC;
	s30 =	sshra.s32 s2, $0xC;
	v7 =	vmov s25;
	v6 =	vsel vm0, s3, v6;
	v5 =	vsel vm9, s0, v5;
	s0 =	sld [smem:$0x7BC]  }
0x247: {  	s29 =	sshrl.u32 s28, $0x1F;
	s25 =	sshrl.u32 s2, $0x1F;
	v7 =	vnsel vm3, $0x0, v7;
	v6 =	vsel vm1, s26, v6;
	v5 =	vsel vm0, s30, v5;
	s30 =	sld [smem:$0x7BD]  }
0x248: {  	s2 =	sshra.s32 s2, $0x1F;
	v7 =	vsel vm0, s25, v7;
	s25 =	sshrl.u32 s12, $0x1F;
	v50 =	vsel vm2, s24, v6;
	s24 =	sld [smem:$0x7C1]  }
0x249: {  	v5 =	vsel vm10, s2, v5;
	s28 =	sshrl.u32 s0, $0x1F;
	s21 =	sshra.s32 s0, $0xC;
	s0 =	sshra.s32 s12, $0xC  }
0x24a: {  	v9 =	vmov s20;
	v51 =	vsel vm1, s25, v7;
	s25 =	sshra.s32 s31, $0x1F;
	s12 =	sshra.s32 s12, $0x1F;
	v8 =	vsel vm1, s0, v5;
	s0 =	sld [smem:$0x7BE]  }
0x24b: {  	v9 =	vsel vm0, s1, v9;
	s2 =	sshrl.u32 s30, $0x1F;
	s3 =	sshra.s32 s30, $0xC;
	s30 =	sshrl.u32 s15, $0x1F  }
0x24c: {  	v9 =	vsel vm1, s19, v9;
	v53 =	vmov s28;
	s28 =	sshrl.u32 s22, $0x1F;
	v10 =	vmov s21;
	s21 =	rddreg [dreg:$0x1a];
	s20 =	sshrl.u32 s24, $0x1F  }
0x24d: {  	v9 =	vsel vm2, s6, v9;
	v52 =	vsel vm11, s12, v8;
	s26 =	sshrl.u32 s0, $0x1F;
	s12 =	sshra.s32 s0, $0xC;
	s0 =	sshra.s32 s15, $0xC  }
0x24e: {  	v6 =	vsel vm2, s30, v51;
	s30 =	sshrl.u32 s7, $0x1F;
	v8 =	vsel vm0, s29, v53;
	s29 =	sshra.s32 s22, $0xC;
	s15 =	sshra.s32 s15, $0x1F;
	v7 =	vsel vm2, s0, v52  }
0x24f: {  	v10 =	vsel vm0, s18, v10;
	s18 =	sshrl.u32 s14, $0x1F;
	v6 =	vsel vm4, s30, v6;
	s30 =	sshra.s32 s22, $0x1F;
	s0 =	sshra.s32 s7, $0xC;
	v7 =	vsel vm12, s15, v7  }
0x250: {  	v8 =	vsel vm1, s2, v8;
	s22 =	smulhi.u32 $0x68DB8BAD, s31;
	s2 =	sshrl.u32 s21, $0x1F;
	v10 =	vsel vm1, s3, v10;
	s7 =	sshra.s32 s7, $0x1F;
	v7 =	vsel vm4, s0, v7  }
0x251: {  	s31 =	sshra.s32 s23, $0x1F;
	v6 =	vsel vm5, s28, v6;
	s28 =	sshra.s32 s16, $0xC;
	v8 =	vsel vm2, s26, v8;
	s0 =	sshrl.u32 s16, $0x1F;
	v7 =	vsel vm13, s7, v7  }
0x252: {  	s1 =	smul.u32 $0x68DB8BAD, s31;
	s31 =	sshra.s32 s14, $0xC;
	s26 =	sshrl.u32 s17, $0x1F;
	v10 =	vsel vm2, s12, v10;
	v6 =	vsel vm6, s0, v6;
	v7 =	vsel vm5, s29, v7  }
0x253: {  	s14 =	sshra.s32 s14, $0x1F;
	s15 =	sshrl.u32 s5, $0x1F;
	v5 =	vcombine.low v8, v50;
	v6 =	vsel vm7, s26, v6;
	s26 =	sld [smem:$0x7BF];
	v7 =	vsel vm14, s30, v7  }
0x254: {  	v11 =	vmov s18;
	v54 =	vcombine.low v10, v9;
	s7 =	smul.u32 $0x68DB8BAD, s25;
	s25 =	sld [smem:$0x7C2];
	s29 =	sshra.s32 s16, $0x1F;
	v7 =	vsel vm6, s28, v7  }
0x255: {  	v11 =	vnsel vm3, $0x0, v11;
	v5 =	vperm.xlane v5, v1;
	s30 =	smulhi.u32 $0x68DB8BAD, s23;
	s23 =	sld [smem:$0x7C0];
	v7 =	vsel vm15, s29, v7;
	s29 =	sshra.s32 s8, $0x1F  }
0x256: {  	s0 =	sshra.s32 s17, $0xC;
	v8 =	vperm.xlane v54, v1;
	v6 =	vperm.xlane v6, v2;
	s28 =	sshrl.u32 s11, $0x1F;
	s17 =	sshrl.u32 s26, $0x1F;
	v13 =	vmov s29  }
0x257: {  	s16 =	sshra.s32 s11, $0xC;
	s7 =	sadd.s32 s7, s22;
	s22 =	sld [smem:$0x7C3];
	v11 =	vsel vm0, s28, v11;
	v12 =	vmov s17;
	v13 =	vsel vm3, s31, v13  }
0x258: {  	s3 =	sshrl.u32 s25, $0x1F;
	s18 =	sshrl.u32 s7, $0x1F;
	v5 =	vsel vm8, v6, v5;
	s19 =	sshrl.u32 s23, $0x1F;
	v12 =	vsel vm0, s2, v12;
	v13 =	vsel vm9, s14, v13  }
0x259: {  	s11 =	sshra.s32 s11, $0x1F;
	v7 =	vsel vm7, s0, v7;
	s0 =	sadd.s32 s1, s30;
	s30 =	sshrl.u32 s9, $0x1F;
	v12 =	vsel vm1, s19, v12;
	v13 =	vsel vm0, s16, v13  }
0x25a: {  	s1 =	smulhi.u32 $0x68DB8BAD, s13;
	s17 =	sshrl.u32 s10, $0x1F;
	v11 =	vsel vm1, s30, v11;
	v12 =	vsel vm2, s20, v12;
	s20 =	sshra.s32 s9, $0xC;
	v13 =	vsel vm10, s11, v13  }
0x25b: {  	s13 =	sshra.s32 s13, $0x1F;
	s28 =	sshrl.u32 s22, $0x1F;
	v14 =	vmov s17;
	v7 =	vperm.xlane v7, v2;
	s9 =	sshra.s32 s9, $0x1F;
	v13 =	vsel vm1, s20, v13  }
0x25c: {  	s12 =	smul.u32 $0x68DB8BAD, s13;
	s13 =	sshra.s32 s10, $0xC;
	v11 =	vsel vm2, s15, v11;
	v14 =	vsel vm0, s3, v14;
	s11 =	sshra.s32 s5, $0xC;
	v13 =	vsel vm11, s9, v13  }
0x25d: {  	s30 =	sshrl.u32 s4, $0x1F;
	v16 =	vmov s13;
	s15 =	sshra.s32 s25, $0xC;
	v11 =	vsel vm4, s18, v11;
	s5 =	sshra.s32 s5, $0x1F;
	v13 =	vsel vm2, s11, v13  }
0x25e: {  	s19 =	sshrl.u32 s0, $0x1F;
	s2 =	sadd.s32 s12, s1;
	v14 =	vsel vm1, s28, v14;
	s16 =	sshra.s32 s7, $0xC;
	v16 =	vsel vm0, s15, v16;
	v13 =	vsel vm12, s5, v13  }
0x25f: {  	s12 =	sshra.s32 s26, $0xC;
	s18 =	sshra.s32 s22, $0xC;
	v11 =	vsel vm5, s19, v11;
	v14 =	vsel vm2, s30, v14;
	s19 =	sshra.s32 s7, $0x1F;
	v13 =	vsel vm4, s16, v13  }
0x260: {  	s14 =	sshra.s32 s21, $0xC;
	s21 =	sshra.s32 s0, $0xC;
	s29 =	sshrl.u32 s2, $0x1F;
	v15 =	vmov s12;
	v16 =	vsel vm1, s18, v16;
	v13 =	vsel vm13, s19, v13  }
0x261: {  	s17 =	sshra.s32 s23, $0xC;
	s4 =	sshra.s32 s4, $0xC;
	s0 =	sshra.s32 s0, $0x1F;
	v11 =	vsel vm6, s29, v11;
	v15 =	vsel vm0, s14, v15;
	v13 =	vsel vm5, s21, v13  }
0x262: {  	s22 =	sshra.s32 s2, $0xC;
	s20 =	sshra.s32 s24, $0xC;
	v16 =	vsel vm2, s4, v16;
	v15 =	vsel vm1, s17, v15;
	v55 =	vsel vm14, s0, v13  }
0x263: {  	s31 =	sshrl.u32 s8, $0x1F;
	s23 =	sshra.s32 s2, $0x1F;
	v56 =	vcombine.low v14, v12;
	v15 =	vsel vm2, s20, v15;
	v9 =	vsel vm6, s22, v55  }
0x264: {  	s24 =	sshra.s32 s8, $0xC;
	v11 =	vsel vm7, s31, v11;
	v57 =	vcombine.low v16, v15;
	v9 =	vsel vm15, s23, v9  }
0x265: {  	v58 =	vld [tilespmem:$0x0];
	v10 =	vperm.xlane v56, v1;
	v11 =	vperm.xlane v11, v2;
	v9 =	vsel vm7, s24, v9  }
0x266: {  	v7 =	vsel vm8, v7, v8;
	v59 =	vperm.xlane v57, v1;
	v9 =	vperm.xlane v9, v2  }
0x267: {  	v60 =	vld [tilespmem:$0x10];
	v5 =	vadd.s32 v5, v7  }
0x268: {  	v5 =	vmul.u32 $0x2710, v5;
	v10 =	vsel vm8, v11, v10;
	v8 =	vsel vm8, v9, v59  }
0x269: {  	v8 =	vadd.s32 v10, v8  }
0x26a: {  	v61 =	vadd.s32 $0xFFFFC500, v58;
	v3 =	vsub.s32 v3, v5;
	v62 =	vmul.u32 $0x2710, v8  }
0x26b: {  	v5 =	vmin.u32 v61, $0x3B00;
	v3 =	vshll.u32 v3, $0x1  }
0x26c: {  	v63 =	vadd.s32 $0xFFFFC500, v60;
	[tilespmem:$0x200] =	vst v5;
	v3 =	vor.u32 v0, v3;
	v4 =	vsub.s32 v4, v62  }
0x26d: {  	[tilespmem:$0x100] =	vst v3;
	v3 =	vmin.u32 v63, $0x3B00;
	v4 =	vshll.u32 v4, $0x1  }
.Ltmp6:
0x26e: {  	s6 =	simm.s32 $0x0;
	s25 =	rddreg [dreg:$0x0];
	[tilespmem:$0x210] =	vst v3;
	v3 =	vor.u32 v0, v4;
	(pc) =	sbr.rel .LBB2_7-.Ltmp6, $4  }
0x26f: {  	s26 =	simm.s32 $0x100;
	s28 =	simm.s32 $0x300;
	s29 =	simm.s32 $0x20;
	[tilespmem:$0x110] =	vst v3  }
0x270: {  	[tilespmem:s28], [sflag:$0x2] =	stream.indirect.gather [hbm4b:s25+s29], $0x80, s26, s29, $0xb8;
	[tilespmem:$0x1FB40] =	vst v63  }
0x271: {  	s30 =	rddreg [dreg:$0x8];
	s31 =	simm.s32 $0x80;
	s5 =	simm.s32 $0x1  }
0x272: {  	[tilespmem:s31], [sflag:$0x1] =	stream.linear.gather [hbm4b:s30+s6], $0x40, $0x38;
	[tilespmem:$0x1FB40] =	vst v63  }
.LBB2_9:
0x273: {  	s0 =	simm.s32 $0x2  }
0x274: {  	_ =	swait.ge [sflag:s0], $0x1000  }
0x275: {  	[sflag:s0] =	ssyncset.done $0x0  }
0x276: {  	[sflag:s0] =	ssyncadd.s32 $0xFFFFF000  }
0x277: {  	s1 =	simm.s32 $0x300;
	s4 =	simm.s32 $0x200;
	s0 =	rddreg [dreg:$0x4]  }
0x278: {  	[spmem:s0] =	stream.indirect.scatter.add.f32 [tilespmem:s1], [sflag:$0x4], $0x80, s4, s2, $0xb8;
	[tilespmem:$0x1FB40] =	vst v63  }
.LBB2_10:
0x279: {  	s6 =	sadd.s32 $0x10, s6  }
0x27a: {  	p0 =	sne.s32 s6, $0x9E0  }
.Ltmp7:
0x27b: {  	s1 =	simm.s32 $0x3;
	(pc) =	sbr.rel @!p0 .LBB2_11-.Ltmp7, $4  }
0x27c: {  	_ =	swait.ge [sflag:s1], $0x1000  }
0x27d: {  	[sflag:s1] =	ssyncset.done $0x0  }
0x27e: {  	s31 =	simm.s32 $0x280;
	s5 =	simm.s32 $0x1;
	[sflag:s1] =	ssyncadd.s32 $0xFFFFF000  }
0x27f: {  	[spmem:s0] =	stream.indirect.scatter.add.f32 [tilespmem:s3], [sflag:$0x5], $0x80, s31, s2, $0xb8;
	[tilespmem:$0x1FB40] =	vst v63  }
.LBB2_7:
0x280: {  	[dreg:$0xe] =	wrdreg s6  }
0x281: {  	_ =	swait.ge [sflag:s5], $0x40  }
0x282: {  	p0 =	seq.s32 s6, $0x0;
	[sflag:s5] =	ssyncset.done $0x0  }
0x283: {  	s0 =	simm.s32 @!p0 $0x5;
	[sflag:s5] =	ssyncadd.s32 $0xFFFFFFC0  }
0x284: {  	_ =	swait.ge @!p0 [sflag:s0], $0x1000  }
0x285: {  	[sflag:s0] =	ssyncset.done @!p0 $0x0  }
0x286: {  	[sflag:s0] =	ssyncadd.s32 @!p0 $0xFFFFF000  }
0x287: {  	v3 =	vld [tilespmem:$0xA0];
	_ =	sdelay $0x4  }
0x288: {  	(v2sf) =	vpush v3, $0xD;
	_ =	sdelay $0x1  }
0x289: {  	(v2sf) =	vpush v3, $0xC;
	_ =	sdelay $0x1  }
0x28a: {  	(v2sf) =	vpush v3, $0xE;
	_ =	sdelay $0x1  }
0x28b: {  	(v2sf) =	vpush v3, $0xF;
	_ =	sdelay $0x1  }
0x28c: {  	(v2sf) =	vpush v3, $0x9;
	_ =	sdelay $0x1  }
0x28d: {  	(v2sf) =	vpush v3, $0x8;
	_ =	sdelay $0x1  }
0x28e: {  	(v2sf) =	vpush v3, $0xA;
	_ =	sdelay $0x1  }
0x28f: {  	(v2sf) =	vpush v3, $0xB  }
0x290: {  	s1 =	spop (v2sf)  }
0x291: {  	(v2sf) =	vpush v3, $0x0;
	s2 =	smulhi.u32 $0x68DB8BAD, s1;
	s1 =	sshra.s32 s1, $0x1F  }
0x292: {  	s3 =	spop (v2sf);
	s8 =	smul.u32 $0x68DB8BAD, s1  }
0x293: {  	(v2sf) =	vpush v3, $0x1;
	s1 =	smulhi.u32 $0x68DB8BAD, s3;
	s3 =	sshra.s32 s3, $0x1F  }
0x294: {  	s19 =	spop (v2sf);
	s4 =	smul.u32 $0x68DB8BAD, s3  }
0x295: {  	(v2sf) =	vpush v3, $0x2;
	s10 =	smulhi.u32 $0x68DB8BAD, s19;
	s5 =	sshra.s32 s19, $0x1F  }
0x296: {  	s7 =	spop (v2sf);
	(v2sf) =	vpush v3, $0x3;
	s19 =	smul.u32 $0x68DB8BAD, s5  }
0x297: {  	s12 =	smulhi.u32 $0x68DB8BAD, s7;
	s7 =	sshra.s32 s7, $0x1F  }
0x298: {  	s9 =	spop (v2sf);
	(v2sf) =	vpush v3, $0x4;
	s5 =	smul.u32 $0x68DB8BAD, s7  }
0x299: {  	s15 =	smulhi.u32 $0x68DB8BAD, s9;
	s9 =	sshra.s32 s9, $0x1F  }
0x29a: {  	s11 =	spop (v2sf);
	s7 =	smul.u32 $0x68DB8BAD, s9  }
0x29b: {  	(v2sf) =	vpush v3, $0x5;
	s9 =	smulhi.u32 $0x68DB8BAD, s11;
	s11 =	sshra.s32 s11, $0x1F  }
0x29c: {  	s13 =	spop (v2sf);
	(v2sf) =	vpush v3, $0x6;
	s11 =	smul.u32 $0x68DB8BAD, s11  }
0x29d: {  	v4 =	vld [tilespmem:$0xB0];
	s21 =	smulhi.u32 $0x68DB8BAD, s13;
	s13 =	sshra.s32 s13, $0x1F  }
0x29e: {  	s14 =	spop (v2sf);
	(v2sf) =	vpush v3, $0x7;
	s22 =	smul.u32 $0x68DB8BAD, s13  }
0x29f: {  	s29 =	smulhi.u32 $0x68DB8BAD, s14;
	s14 =	sshra.s32 s14, $0x1F  }
0x2a0: {  	s25 =	smul.u32 $0x68DB8BAD, s14;
	s20 =	spop (v2sf)  }
0x2a1: {  	s26 =	smulhi.u32 $0x68DB8BAD, s20;
	s14 =	sshra.s32 s20, $0x1F  }
0x2a2: {  	(v2sf) =	vpush v4, $0xD;
	s23 =	spop (v2sf);
	s20 =	smul.u32 $0x68DB8BAD, s14  }
0x2a3: {  	s24 =	smulhi.u32 $0x68DB8BAD, s23;
	s14 =	sshra.s32 s23, $0x1F  }
0x2a4: {  	(v2sf) =	vpush v4, $0xC;
	s28 =	spop (v2sf);
	s18 =	smul.u32 $0x68DB8BAD, s14  }
0x2a5: {  	(v2sf) =	vpush v4, $0xE;
	s30 =	smulhi.u32 $0x68DB8BAD, s28;
	s14 =	sshra.s32 s28, $0x1F;
	s31 =	spop (v2sf)  }
0x2a6: {  	[smem:$0x7A1] =	sst s24;
	s6 =	smul.u32 $0x68DB8BAD, s14  }
0x2a7: {  	(v2sf) =	vpush v4, $0xF;
	s3 =	smulhi.u32 $0x68DB8BAD, s31;
	s14 =	sshra.s32 s31, $0x1F;
	s13 =	spop (v2sf)  }
0x2a8: {  	[smem:$0x7A2] =	sst s30;
	s17 =	smul.u32 $0x68DB8BAD, s14  }
0x2a9: {  	s25 =	sadd.s32 s25, s29;
	(v2sf) =	vpush v4, $0x9;
	s16 =	smulhi.u32 $0x68DB8BAD, s13;
	s29 =	sld [smem:$0x7A1]  }
0x2aa: {  	s23 =	spop (v2sf);
	[smem:$0x7A3] =	sst s3  }
0x2ab: {  	s14 =	sshra.s32 s13, $0x1F;
	s24 =	smulhi.u32 $0x68DB8BAD, s23;
	s28 =	spop (v2sf)  }
0x2ac: {  	s19 =	sadd.s32 s19, s10;
	[smem:$0x7A4] =	sst s16;
	s16 =	smul.u32 $0x68DB8BAD, s14  }
0x2ad: {  	s26 =	sadd.s32 s20, s26;
	(v2sf) =	vpush v4, $0x8;
	s30 =	smulhi.u32 $0x68DB8BAD, s28;
	s31 =	spop (v2sf)  }
0x2ae: {  	s14 =	sshra.s32 s23, $0x1F;
	[smem:$0x7A5] =	sst s24;
	s3 =	smulhi.u32 $0x68DB8BAD, s31  }
0x2af: {  	s13 =	smul.u32 $0x68DB8BAD, s14;
	s14 =	sshra.s32 s28, $0x1F;
	[smem:$0x7A6] =	sst s30  }
0x2b0: {  	(v2sf) =	vpush v4, $0xA;
	s30 =	smul.u32 $0x68DB8BAD, s14;
	s14 =	sshra.s32 s31, $0x1F;
	[smem:$0x7A7] =	sst s3  }
0x2b1: {  	(v2sf) =	vpush v4, $0xB;
	s20 =	sadd.s32 s18, s29;
	s3 =	smul.u32 $0x68DB8BAD, s14;
	s23 =	spop (v2sf)  }
0x2b2: {  	s29 =	sld [smem:$0x7A5];
	s24 =	smulhi.u32 $0x68DB8BAD, s23;
	s28 =	sshra.s32 s23, $0x1F  }
0x2b3: {  	s31 =	spop (v2sf);
	s23 =	sadd.s32 s4, s1;
	s1 =	sld [smem:$0x7A2]  }
0x2b4: {  	s11 =	sadd.s32 s11, s9;
	s0 =	smul.u32 $0x68DB8BAD, s28;
	s4 =	spop (v2sf)  }
0x2b5: {  	[smem:$0x7A8] =	sst s24;
	s24 =	sadd.s32 s8, s2;
	s2 =	smulhi.u32 $0x68DB8BAD, s31  }
0x2b6: {  	s14 =	sadd.s32 s5, s12;
	s5 =	smulhi.u32 $0x68DB8BAD, s4;
	s8 =	spop (v2sf)  }
0x2b7: {  	(v2sf) =	vpush v4, $0x0;
	[smem:$0x7A9] =	sst s0;
	s0 =	sshra.s32 s31, $0x1F;
	s9 =	smulhi.u32 $0x68DB8BAD, s8  }
0x2b8: {  	s10 =	spop (v2sf);
	s18 =	sadd.s32 s6, s1;
	s6 =	sld [smem:$0x7A4]  }
0x2b9: {  	s12 =	sadd.s32 s7, s15;
	s1 =	sld [smem:$0x7A6];
	s31 =	smul.u32 $0x68DB8BAD, s0  }
0x2ba: {  	[smem:$0x7AA] =	sst s2;
	s0 =	sshra.s32 s4, $0x1F;
	s15 =	smulhi.u32 $0x68DB8BAD, s10  }
0x2bb: {  	[smem:$0x7AB] =	sst s5;
	s0 =	smul.u32 $0x68DB8BAD, s0  }
0x2bc: {  	s22 =	sadd.s32 s22, s21;
	s28 =	spop (v2sf);
	[smem:$0x7AD] =	sst s9  }
0x2bd: {  	s9 =	smulhi.u32 $0x68DB8BAD, s28;
	[smem:$0x7AC] =	sst s0;
	s0 =	sshra.s32 s8, $0x1F  }
0x2be: {  	s5 =	sld [smem:$0x7A3];
	s21 =	smul.u32 $0x68DB8BAD, s0;
	s0 =	sshra.s32 s10, $0x1F  }
0x2bf: {  	(v2sf) =	vpush v4, $0x1;
	s2 =	spop (v2sf);
	s10 =	smul.u32 $0x68DB8BAD, s0;
	s0 =	sshra.s32 s28, $0x1F  }
0x2c0: {  	s16 =	sadd.s32 s16, s6;
	s28 =	spop (v2sf);
	s8 =	smul.u32 $0x68DB8BAD, s0  }
0x2c1: {  	s17 =	sadd.s32 s17, s5;
	s0 =	sshra.s32 s2, $0x1F;
	s5 =	smulhi.u32 $0x68DB8BAD, s28  }
0x2c2: {  	s6 =	smul.u32 $0x68DB8BAD, s0;
	s0 =	sshra.s32 s28, $0x1F;
	s28 =	sld [smem:$0x7A7]  }
0x2c3: {  	s13 =	sadd.s32 s13, s29;
	s7 =	smulhi.u32 $0x68DB8BAD, s2  }
0x2c4: {  	s30 =	sadd.s32 s30, s1;
	s1 =	sld [smem:$0x7A8];
	s10 =	sadd.s32 s10, s15  }
0x2c5: {  	s4 =	smul.u32 $0x68DB8BAD, s0;
	s29 =	sadd.s32 s3, s28;
	s28 =	sld [smem:$0x7A9]  }
0x2c6: {  	[smem:$0x7B0] =	sst s10;
	s8 =	sadd.s32 s8, s9;
	s2 =	spop (v2sf)  }
0x2c7: {  	[dreg:$0x18] =	wrdreg s8;
	s6 =	sadd.s32 s6, s7;
	s3 =	smulhi.u32 $0x68DB8BAD, s2  }
0x2c8: {  	s0 =	sshra.s32 s2, $0x1F;
	s2 =	sadd.s32 s28, s1;
	s28 =	sld [smem:$0x7AA]  }
0x2c9: {  	[dreg:$0x16] =	wrdreg s6;
	s4 =	sadd.s32 s4, s5  }
0x2ca: {  	s15 =	sshra.s32 s25, $0xC;
	[dreg:$0x12] =	wrdreg s4  }
0x2cb: {  	s10 =	sshra.s32 s19, $0xC;
	s1 =	sadd.s32 s31, s28;
	s31 =	sld [smem:$0x7AB]  }
0x2cc: {  	s9 =	sshra.s32 s22, $0xC;
	s7 =	sshra.s32 s14, $0xC;
	s28 =	sld [smem:$0x7AC]  }
0x2cd: {  	(v2sf) =	vpush v4, $0x2;
	s6 =	sshra.s32 s24, $0xC;
	[dreg:$0x1e] =	wrdreg s2;
	s2 =	smul.u32 $0x68DB8BAD, s0  }
0x2ce: {  	s4 =	sshra.s32 s23, $0xC;
	s0 =	spop (v2sf);
	[smem:$0x7AE] =	sst s1  }
0x2cf: {  	v9 =	vmov s4;
	(v2sf) =	vpush v4, $0x3;
	s1 =	smulhi.u32 $0x68DB8BAD, s0;
	s0 =	sshra.s32 s0, $0x1F;
	s31 =	sadd.s32 s28, s31  }
0x2d0: {  	s8 =	sshra.s32 s12, $0xC;
	v9 =	vsel vm0, s6, v9;
	s0 =	smul.u32 $0x68DB8BAD, s0;
	[smem:$0x7AF] =	sst s31  }
0x2d1: {  	v9 =	vsel vm1, s10, v9;
	s10 =	sshra.s32 s29, $0xC;
	(v2sf) =	vpush v4, $0x4;
	s5 =	sadd.s32 s2, s3;
	s31 =	sld [smem:$0x7AD]  }
0x2d2: {  	(v2sf) =	vpush v4, $0x5;
	s2 =	sshrl.u32 s20, $0x1F;
	s3 =	sadd.s32 s0, s1;
	s0 =	sshra.s32 s29, $0x1F  }
0x2d3: {  	(v2sf) =	vpush v4, $0x6;
	s1 =	sshra.s32 s26, $0xC;
	v6 =	vmov s0;
	s0 =	sshra.s32 s20, $0xC;
	s20 =	sshra.s32 s20, $0x1F  }
0x2d4: {  	(v2sf) =	vpush v4, $0x7;
	s28 =	sadd.s32 s21, s31;
	s21 =	sshrl.u32 s24, $0x1F;
	s24 =	sshrl.u32 s23, $0x1F  }
0x2d5: {  	s23 =	sshrl.u32 s19, $0x1F;
	s19 =	sshrl.u32 s14, $0x1F;
	s31 =	sshrl.u32 s22, $0x1F  }
0x2d6: {  	v6 =	vsel vm3, s1, v6;
	s22 =	sshrl.u32 s25, $0x1F;
	s25 =	sshrl.u32 s26, $0x1F;
	s26 =	sshra.s32 s26, $0x1F  }
0x2d7: {  	s14 =	sshrl.u32 s12, $0x1F;
	s12 =	sshrl.u32 s11, $0x1F;
	s11 =	sshra.s32 s11, $0xC;
	v5 =	vmov s24;
	v6 =	vsel vm9, s26, v6  }
0x2d8: {  	s1 =	sshra.s32 s18, $0xC;
	s24 =	sshrl.u32 s18, $0x1F;
	s18 =	sshra.s32 s18, $0x1F;
	v7 =	vmov s25;
	v8 =	vmov s12;
	v10 =	vmov s11  }
0x2d9: {  	s26 =	sshrl.u32 s16, $0x1F;
	s25 =	sshrl.u32 s13, $0x1F;
	s12 =	sshra.s32 s13, $0xC;
	v5 =	vsel vm0, s21, v5;
	v6 =	vsel vm0, s0, v6;
	v7 =	vnsel vm3, $0x0, v7  }
0x2da: {  	s21 =	sshrl.u32 s17, $0x1F;
	s0 =	sshra.s32 s16, $0xC;
	v8 =	vsel vm0, s14, v8;
	v10 =	vsel vm0, s8, v10;
	v5 =	vsel vm1, s23, v5;
	s23 =	sshra.s32 s17, $0xC  }
0x2db: {  	s17 =	sshra.s32 s17, $0x1F;
	v6 =	vsel vm10, s20, v6;
	s20 =	sshra.s32 s13, $0x1F;
	v7 =	vsel vm0, s2, v7;
	v8 =	vsel vm1, s31, v8;
	s31 =	sshrl.u32 s30, $0x1F  }
0x2dc: {  	v10 =	vsel vm1, s9, v10;
	v5 =	vsel vm2, s19, v5;
	s19 =	sshra.s32 s16, $0x1F;
	s16 =	spop (v2sf);
	v7 =	vsel vm1, s24, v7;
	s24 =	sshra.s32 s30, $0xC  }
0x2dd: {  	v6 =	vsel vm1, s1, v6;
	v8 =	vsel vm2, s22, v8;
	s22 =	sld [smem:$0x7AE];
	v10 =	vsel vm2, s15, v10;
	s15 =	sshra.s32 s3, $0xC;
	s1 =	smulhi.u32 $0x68DB8BAD, s16  }
0x2de: {  	s16 =	sshra.s32 s16, $0x1F;
	v6 =	vsel vm11, s18, v6;
	v7 =	vsel vm2, s21, v7;
	s21 =	sshra.s32 s30, $0x1F;
	s13 =	spop (v2sf)  }
0x2df: {  	v6 =	vsel vm2, s23, v6;
	s2 =	smul.u32 $0x68DB8BAD, s16;
	v7 =	vsel vm4, s26, v7;
	s26 =	sshrl.u32 s29, $0x1F;
	s29 =	sshrl.u32 s28, $0x1F  }
0x2e0: {  	s14 =	spop (v2sf);
	v6 =	vsel vm12, s17, v6;
	s4 =	smulhi.u32 $0x68DB8BAD, s13;
	s23 =	sshra.s32 s13, $0x1F  }
0x2e1: {  	v7 =	vsel vm5, s25, v7;
	s25 =	sshrl.u32 s22, $0x1F;
	s16 =	spop (v2sf);
	v6 =	vsel vm4, s0, v6;
	s0 =	smul.u32 $0x68DB8BAD, s23  }
0x2e2: {  	s23 =	sld [smem:$0x7B0];
	s13 =	spop (v2sf);
	s11 =	sshra.s32 s16, $0x1F  }
0x2e3: {  	s2 =	sadd.s32 s2, s1;
	v6 =	vsel vm13, s19, v6;
	s30 =	spop (v2sf);
	s9 =	smul.u32 $0x68DB8BAD, s11  }
0x2e4: {  	s19 =	rddreg [dreg:$0x1e];
	v6 =	vsel vm5, s12, v6;
	s18 =	smulhi.u32 $0x68DB8BAD, s30;
	s17 =	sshra.s32 s30, $0x1F  }
0x2e5: {  	v7 =	vsel vm6, s31, v7;
	s31 =	sshrl.u32 s19, $0x1F;
	v6 =	vsel vm14, s20, v6;
	s20 =	sld [smem:$0x7AF];
	s6 =	smul.u32 $0x68DB8BAD, s17  }
0x2e6: {  	v9 =	vsel vm2, s7, v9;
	v5 =	vcombine.low v8, v5;
	v11 =	vmov s25;
	s0 =	sadd.s32 s0, s4;
	s12 =	rddreg [dreg:$0x16];
	s30 =	smulhi.u32 $0x68DB8BAD, s14  }
0x2e7: {  	v9 =	vcombine.low v10, v9;
	v7 =	vsel vm7, s26, v7;
	v11 =	vsel vm0, s31, v11;
	s31 =	sshra.s32 s14, $0x1F;
	s14 =	rddreg [dreg:$0x18];
	s1 =	sadd.s32 s6, s18  }
0x2e8: {  	v5 =	vperm.xlane v5, v1;
	v7 =	vperm.xlane v7, v2;
	s25 =	sshrl.u32 s12, $0x1F;
	v6 =	vsel vm6, s24, v6;
	s26 =	sshrl.u32 s20, $0x1F;
	s24 =	sshra.s32 s1, $0x1F  }
0x2e9: {  	v54 =	vperm.xlane v9, v1;
	s17 =	sshrl.u32 s23, $0x1F;
	s8 =	smul.u32 $0x68DB8BAD, s31;
	v11 =	vsel vm1, s26, v11;
	s26 =	sshra.s32 s5, $0xC;
	v51 =	vmov s24  }
0x2ea: {  	s31 =	smulhi.u32 $0x68DB8BAD, s16;
	v5 =	vsel vm8, v7, v5;
	v6 =	vsel vm15, s21, v6;
	s21 =	sshrl.u32 s5, $0x1F;
	s5 =	sshra.s32 s5, $0x1F;
	v8 =	vsel vm3, s26, v51  }
0x2eb: {  	s16 =	sshrl.u32 s0, $0x1F;
	s18 =	sshrl.u32 s14, $0x1F;
	v6 =	vsel vm7, s10, v6;
	v12 =	vmov s21;
	s7 =	sadd.s32 s8, s30;
	v8 =	vsel vm9, s5, v8  }
0x2ec: {  	s30 =	sshrl.u32 s2, $0x1F;
	v13 =	vmov s18;
	v11 =	vsel vm2, s29, v11;
	s29 =	sshrl.u32 s3, $0x1F;
	s3 =	sshra.s32 s3, $0x1F;
	v8 =	vsel vm0, s15, v8  }
0x2ed: {  	s21 =	sshra.s32 s2, $0xC;
	s2 =	sshra.s32 s2, $0x1F;
	s6 =	sadd.s32 s9, s31;
	v12 =	vnsel vm3, $0x0, v12;
	v6 =	vperm.xlane v6, v2;
	v8 =	vsel vm10, s3, v8  }
0x2ee: {  	s10 =	sshra.s32 s22, $0xC;
	s18 =	sshra.s32 s13, $0x1F;
	v13 =	vsel vm0, s17, v13;
	s17 =	smulhi.u32 $0x68DB8BAD, s13;
	v12 =	vsel vm0, s29, v12;
	v8 =	vsel vm1, s21, v8  }
0x2ef: {  	v57 =	vmov s10;
	s24 =	rddreg [dreg:$0x12];
	s13 =	sshra.s32 s14, $0xC;
	v52 =	vsel vm1, s30, v12;
	s30 =	sshra.s32 s0, $0xC;
	v8 =	vsel vm11, s2, v8  }
0x2f0: {  	s31 =	sshrl.u32 s6, $0x1F;
	v53 =	vsel vm1, s25, v13;
	s25 =	sshrl.u32 s24, $0x1F;
	v58 =	vmov s13;
	s0 =	sshra.s32 s0, $0x1F;
	v8 =	vsel vm2, s30, v8  }
0x2f1: {  	s9 =	sshra.s32 s7, $0xC;
	s26 =	smul.u32 $0x68DB8BAD, s18;
	s29 =	sshrl.u32 s7, $0x1F;
	v56 =	vsel vm2, s25, v53;
	v10 =	vsel vm2, s16, v52;
	v8 =	vsel vm12, s0, v8  }
0x2f2: {  	s14 =	sshra.s32 s7, $0x1F;
	s15 =	sshra.s32 s19, $0xC;
	s16 =	sshra.s32 s23, $0xC;
	v55 =	vsel vm4, s29, v10;
	v10 =	vcombine.low v56, v11;
	v8 =	vsel vm4, s9, v8  }
0x2f3: {  	s18 =	sshra.s32 s20, $0xC;
	s4 =	sadd.s32 s26, s17;
	s17 =	sshra.s32 s6, $0xC;
	v11 =	vsel vm0, s15, v57;
	v12 =	vsel vm0, s16, v58;
	v8 =	vsel vm13, s14, v8  }
0x2f4: {  	s20 =	sshra.s32 s6, $0x1F;
	s19 =	sshra.s32 s12, $0xC;
	s8 =	sshrl.u32 s4, $0x1F;
	v9 =	vsel vm5, s31, v55;
	v11 =	vsel vm1, s18, v11;
	v8 =	vsel vm5, s17, v8  }
0x2f5: {  	s22 =	sshra.s32 s24, $0xC;
	s23 =	sshra.s32 s4, $0xC;
	s21 =	sshra.s32 s28, $0xC;
	v12 =	vsel vm1, s19, v12;
	v9 =	vsel vm6, s8, v9;
	v8 =	vsel vm14, s20, v8  }
0x2f6: {  	s24 =	sshrl.u32 s1, $0x1F;
	s25 =	sshra.s32 s4, $0x1F;
	v11 =	vsel vm2, s21, v11;
	v12 =	vsel vm2, s22, v12;
	v8 =	vsel vm6, s23, v8  }
0x2f7: {  	s26 =	sshra.s32 s1, $0xC;
	v9 =	vsel vm7, s24, v9;
	v11 =	vcombine.low v12, v11;
	v8 =	vsel vm15, s25, v8  }
0x2f8: {  	v59 =	vld [tilespmem:$0x80];
	v10 =	vperm.xlane v10, v1;
	v9 =	vperm.xlane v9, v2;
	v8 =	vsel vm7, s26, v8  }
0x2f9: {  	v6 =	vsel vm8, v6, v54;
	v60 =	vperm.xlane v11, v1;
	v8 =	vperm.xlane v8, v2  }
0x2fa: {  	v61 =	vld [tilespmem:$0x90];
	v5 =	vadd.s32 v5, v6  }
0x2fb: {  	v5 =	vmul.u32 $0x2710, v5;
	v9 =	vsel vm8, v9, v10;
	v7 =	vsel vm8, v8, v60  }
0x2fc: {  	v7 =	vadd.s32 v9, v7  }
0x2fd: {  	v62 =	vadd.s32 $0xFFFFC500, v59;
	s6 =	rddreg [dreg:$0xe];
	v3 =	vsub.s32 v3, v5;
	v7 =	vmul.u32 $0x2710, v7  }
0x2fe: {  	p0 =	seq.s32 s6, $0x9D0;
	v5 =	vmin.u32 v62, $0x3B00;
	v3 =	vshll.u32 v3, $0x1  }
.Ltmp8:
0x2ff: {  	v63 =	vadd.s32 $0xFFFFC500, v61;
	[tilespmem:$0x280] =	vst v5;
	v3 =	vor.u32 v0, v3;
	v4 =	vsub.s32 v4, v7;
	(pc) =	sbr.rel @p0 .LBB2_9-.Ltmp8, $4  }
0x300: {  	[tilespmem:$0x180] =	vst v3;
	v3 =	vmin.u32 v63, $0x3B00;
	v4 =	vshll.u32 v4, $0x1  }
0x301: {  	s29 =	simm.s32 $0x180;
	s3 =	simm.s32 $0x1300;
	s28 =	rddreg [dreg:$0x0];
	[tilespmem:$0x290] =	vst v3;
	v3 =	vor.u32 v0, v4  }
0x302: {  	s31 =	simm.s32 $0x1300;
	s2 =	simm.s32 $0x20;
	s30 =	simm.s32 $0x20;
	[tilespmem:$0x190] =	vst v3  }
0x303: {  	[tilespmem:s31], [sflag:$0x3] =	stream.indirect.gather [hbm4b:s28+s30], $0x80, s29, s30, $0xb8;
	[tilespmem:$0x1FB40] =	vst v63  }
0x304: {  	s1 =	rddreg [dreg:$0x7]  }
0x305: {  	s28 =	simm.s32 $0x0;
	s1 =	sadd.s32 s6, s1  }
0x306: {  	s29 =	simm.s32 $0x2;
	[dreg:$0x10] =	wrdreg s1;
	s0 =	sadd.s32 $0x10, s1  }
0x307: {  	[tilespmem:s28], [sflag:$0x1] =	stream.linear.gather [hbm4b:s0+s28], $0x40, $0x38;
	[tilespmem:$0x1FB40] =	vst v63  }
0x308: {  	_ =	swait.ge [sflag:s29], $0x1000  }
0x309: {  	[sflag:s29] =	ssyncset.done $0x0  }
0x30a: {  	[sflag:s29] =	ssyncadd.s32 $0xFFFFF000  }
0x30b: {  	s3 =	simm.s32 $0x300;
	s31 =	simm.s32 $0x200;
	s30 =	rddreg [dreg:$0x4]  }
0x30c: {  	[spmem:s30] =	stream.indirect.scatter.add.f32 [tilespmem:s3], [sflag:$0x4], $0x80, s31, s2, $0xb8;
	[tilespmem:$0x1FB40] =	vst v63  }
0x30d: {  	s3 =	simm.s32 $0x1  }
0x30e: {  	_ =	swait.ge [sflag:s3], $0x40  }
0x30f: {  	[sflag:s3] =	ssyncset.done $0x0  }
0x310: {  	s4 =	simm.s32 $0x4;
	[sflag:s3] =	ssyncadd.s32 $0xFFFFFFC0  }
0x311: {  	_ =	swait.ge [sflag:s4], $0x1000  }
0x312: {  	[sflag:s4] =	ssyncset.done $0x0  }
0x313: {  	[sflag:s4] =	ssyncadd.s32 $0xFFFFF000  }
0x314: {  	v3 =	vld [tilespmem:$0x20];
	_ =	sdelay $0x4  }
0x315: {  	(v2sf) =	vpush v3, $0xD;
	_ =	sdelay $0x1  }
0x316: {  	(v2sf) =	vpush v3, $0xC;
	_ =	sdelay $0x1  }
0x317: {  	(v2sf) =	vpush v3, $0xE;
	_ =	sdelay $0x1  }
0x318: {  	(v2sf) =	vpush v3, $0xF;
	_ =	sdelay $0x1  }
0x319: {  	(v2sf) =	vpush v3, $0x9;
	_ =	sdelay $0x1  }
0x31a: {  	(v2sf) =	vpush v3, $0x8;
	_ =	sdelay $0x1  }
0x31b: {  	(v2sf) =	vpush v3, $0xA;
	_ =	sdelay $0x1  }
0x31c: {  	(v2sf) =	vpush v3, $0xB  }
0x31d: {  	s5 =	spop (v2sf)  }
0x31e: {  	(v2sf) =	vpush v3, $0x0;
	s11 =	smulhi.u32 $0x68DB8BAD, s5;
	s1 =	sshra.s32 s5, $0x1F  }
0x31f: {  	s6 =	spop (v2sf);
	s13 =	smul.u32 $0x68DB8BAD, s1  }
0x320: {  	(v2sf) =	vpush v3, $0x1;
	s14 =	smulhi.u32 $0x68DB8BAD, s6;
	s1 =	sshra.s32 s6, $0x1F  }
0x321: {  	s7 =	spop (v2sf);
	s19 =	smul.u32 $0x68DB8BAD, s1  }
0x322: {  	(v2sf) =	vpush v3, $0x2;
	s18 =	smulhi.u32 $0x68DB8BAD, s7;
	s1 =	sshra.s32 s7, $0x1F  }
0x323: {  	s8 =	spop (v2sf);
	s5 =	smul.u32 $0x68DB8BAD, s1  }
0x324: {  	(v2sf) =	vpush v3, $0x3;
	s21 =	smulhi.u32 $0x68DB8BAD, s8;
	s1 =	sshra.s32 s8, $0x1F  }
0x325: {  	s9 =	spop (v2sf);
	s3 =	smul.u32 $0x68DB8BAD, s1  }
0x326: {  	s30 =	smulhi.u32 $0x68DB8BAD, s9;
	s1 =	sshra.s32 s9, $0x1F  }
0x327: {  	(v2sf) =	vpush v3, $0x4;
	s10 =	spop (v2sf);
	s8 =	smul.u32 $0x68DB8BAD, s1  }
0x328: {  	(v2sf) =	vpush v3, $0x5;
	s12 =	smulhi.u32 $0x68DB8BAD, s10;
	s1 =	sshra.s32 s10, $0x1F  }
0x329: {  	s15 =	spop (v2sf);
	(v2sf) =	vpush v3, $0x6;
	s10 =	smul.u32 $0x68DB8BAD, s1  }
0x32a: {  	v4 =	vld [tilespmem:$0x30];
	s16 =	smulhi.u32 $0x68DB8BAD, s15;
	s1 =	sshra.s32 s15, $0x1F  }
0x32b: {  	s17 =	spop (v2sf);
	s9 =	smul.u32 $0x68DB8BAD, s1  }
0x32c: {  	(v2sf) =	vpush v3, $0x7;
	[smem:$0x78E] =	sst s12;
	s20 =	smulhi.u32 $0x68DB8BAD, s17;
	s1 =	sshra.s32 s17, $0x1F  }
0x32d: {  	s6 =	smul.u32 $0x68DB8BAD, s1;
	s22 =	spop (v2sf)  }
0x32e: {  	[smem:$0x78F] =	sst s16;
	s23 =	smulhi.u32 $0x68DB8BAD, s22;
	s1 =	sshra.s32 s22, $0x1F  }
0x32f: {  	(v2sf) =	vpush v4, $0xD;
	s24 =	spop (v2sf);
	s29 =	smul.u32 $0x68DB8BAD, s1  }
0x330: {  	[smem:$0x790] =	sst s20;
	s25 =	smulhi.u32 $0x68DB8BAD, s24;
	s1 =	sshra.s32 s24, $0x1F  }
0x331: {  	s30 =	sadd.s32 s8, s30;
	(v2sf) =	vpush v4, $0xC;
	s26 =	spop (v2sf);
	s2 =	smul.u32 $0x68DB8BAD, s1  }
0x332: {  	s8 =	sld [smem:$0x78F];
	s28 =	smulhi.u32 $0x68DB8BAD, s26;
	s1 =	sshra.s32 s26, $0x1F  }
0x333: {  	s31 =	spop (v2sf);
	s12 =	smul.u32 $0x68DB8BAD, s1  }
0x334: {  	(v2sf) =	vpush v4, $0xE;
	[smem:$0x791] =	sst s23;
	s4 =	smulhi.u32 $0x68DB8BAD, s31;
	s1 =	sshra.s32 s31, $0x1F  }
0x335: {  	[smem:$0x792] =	sst s25;
	s15 =	smul.u32 $0x68DB8BAD, s1  }
0x336: {  	[smem:$0x794] =	sst s4;
	s4 =	spop (v2sf)  }
0x337: {  	(v2sf) =	vpush v4, $0xF;
	s7 =	smulhi.u32 $0x68DB8BAD, s4;
	s16 =	spop (v2sf)  }
0x338: {  	s4 =	sshra.s32 s4, $0x1F;
	s17 =	smulhi.u32 $0x68DB8BAD, s16;
	s20 =	spop (v2sf)  }
0x339: {  	[smem:$0x795] =	sst s7;
	s7 =	smul.u32 $0x68DB8BAD, s4  }
0x33a: {  	[smem:$0x793] =	sst s28;
	s4 =	sshra.s32 s16, $0x1F;
	s23 =	smulhi.u32 $0x68DB8BAD, s20  }
0x33b: {  	s24 =	spop (v2sf);
	s22 =	smul.u32 $0x68DB8BAD, s4  }
0x33c: {  	(v2sf) =	vpush v4, $0x9;
	[smem:$0x796] =	sst s17;
	s4 =	sshra.s32 s20, $0x1F;
	s25 =	smulhi.u32 $0x68DB8BAD, s24  }
0x33d: {  	[smem:$0x797] =	sst s23;
	s16 =	smul.u32 $0x68DB8BAD, s4;
	s4 =	sshra.s32 s24, $0x1F  }
0x33e: {  	(v2sf) =	vpush v4, $0x8;
	s17 =	smul.u32 $0x68DB8BAD, s4;
	s26 =	spop (v2sf)  }
0x33f: {  	s4 =	sld [smem:$0x78E];
	s28 =	smulhi.u32 $0x68DB8BAD, s26;
	s0 =	sshra.s32 s26, $0x1F  }
0x340: {  	s1 =	spop (v2sf);
	s20 =	smul.u32 $0x68DB8BAD, s0  }
0x341: {  	(v2sf) =	vpush v4, $0xA;
	[smem:$0x798] =	sst s25;
	s25 =	sadd.s32 s3, s21;
	s23 =	smulhi.u32 $0x68DB8BAD, s1  }
0x342: {  	s0 =	sshra.s32 s1, $0x1F;
	s1 =	sadd.s32 s10, s4;
	s4 =	sld [smem:$0x792]  }
0x343: {  	(v2sf) =	vpush v4, $0xB;
	s26 =	sadd.s32 s19, s14;
	s3 =	spop (v2sf);
	[smem:$0x799] =	sst s1  }
0x344: {  	s14 =	smul.u32 $0x68DB8BAD, s0;
	s1 =	sadd.s32 s9, s8;
	s9 =	sld [smem:$0x790]  }
0x345: {  	s21 =	smulhi.u32 $0x68DB8BAD, s3;
	s0 =	sshra.s32 s3, $0x1F;
	s3 =	sld [smem:$0x791]  }
0x346: {  	s24 =	sadd.s32 s5, s18;
	s5 =	spop (v2sf);
	s8 =	sld [smem:$0x794]  }
0x347: {  	s31 =	sadd.s32 s13, s11;
	s13 =	smul.u32 $0x68DB8BAD, s0;
	[smem:$0x79A] =	sst s1  }
0x348: {  	(v2sf) =	vpush v4, $0x0;
	s19 =	smulhi.u32 $0x68DB8BAD, s5;
	s0 =	sshra.s32 s5, $0x1F;
	s20 =	sadd.s32 s20, s28  }
0x349: {  	s11 =	smul.u32 $0x68DB8BAD, s0;
	[dreg:$0x1b] =	wrdreg s20  }
0x34a: {  	(v2sf) =	vpush v4, $0x1;
	s28 =	sadd.s32 s14, s23;
	s1 =	sadd.s32 s6, s9;
	s6 =	sld [smem:$0x793]  }
0x34b: {  	s10 =	spop (v2sf);
	[smem:$0x79C] =	sst s28  }
0x34c: {  	(v2sf) =	vpush v4, $0x2;
	s15 =	sadd.s32 s15, s8;
	[smem:$0x79B] =	sst s1;
	s1 =	sadd.s32 s29, s3  }
0x34d: {  	(v2sf) =	vpush v4, $0x3;
	s18 =	smulhi.u32 $0x68DB8BAD, s10;
	s0 =	sshra.s32 s10, $0x1F;
	s5 =	spop (v2sf)  }
0x34e: {  	(v2sf) =	vpush v4, $0x4;
	s29 =	sadd.s32 s2, s4;
	s4 =	sld [smem:$0x795];
	s9 =	smul.u32 $0x68DB8BAD, s0  }
0x34f: {  	(v2sf) =	vpush v4, $0x5;
	s13 =	sadd.s32 s13, s21;
	s10 =	smulhi.u32 $0x68DB8BAD, s5;
	s0 =	sshra.s32 s5, $0x1F  }
0x350: {  	s3 =	spop (v2sf);
	s5 =	sld [smem:$0x796];
	s12 =	sadd.s32 s12, s6  }
0x351: {  	(v2sf) =	vpush v4, $0x6;
	s6 =	smul.u32 $0x68DB8BAD, s0;
	s7 =	sadd.s32 s7, s4;
	s4 =	sld [smem:$0x797]  }
0x352: {  	s8 =	smulhi.u32 $0x68DB8BAD, s3;
	s0 =	sshra.s32 s3, $0x1F;
	s3 =	spop (v2sf)  }
0x353: {  	(v2sf) =	vpush v4, $0x7;
	s22 =	sadd.s32 s22, s5;
	s5 =	smul.u32 $0x68DB8BAD, s0;
	s0 =	sshra.s32 s3, $0x1F  }
0x354: {  	s16 =	sadd.s32 s16, s4;
	s4 =	smulhi.u32 $0x68DB8BAD, s3;
	s3 =	sld [smem:$0x798]  }
0x355: {  	[smem:$0x79E] =	sst s13;
	s11 =	sadd.s32 s11, s19  }
0x356: {  	[smem:$0x79F] =	sst s11;
	s9 =	sadd.s32 s9, s18  }
0x357: {  	s17 =	sadd.s32 s17, s3;
	s3 =	smul.u32 $0x68DB8BAD, s0;
	s0 =	spop (v2sf)  }
0x358: {  	[smem:$0x7A0] =	sst s9;
	s20 =	smulhi.u32 $0x68DB8BAD, s0;
	s0 =	sshra.s32 s0, $0x1F  }
0x359: {  	s10 =	sadd.s32 s6, s10;
	s2 =	smul.u32 $0x68DB8BAD, s0;
	s0 =	spop (v2sf)  }
0x35a: {  	s9 =	sadd.s32 s5, s8;
	s23 =	smulhi.u32 $0x68DB8BAD, s0;
	s14 =	sshra.s32 s0, $0x1F  }
0x35b: {  	s5 =	sshra.s32 s25, $0xC;
	s28 =	spop (v2sf);
	s13 =	smul.u32 $0x68DB8BAD, s14  }
0x35c: {  	s14 =	spop (v2sf);
	s0 =	smulhi.u32 $0x68DB8BAD, s28;
	s21 =	sshra.s32 s28, $0x1F  }
0x35d: {  	s3 =	sadd.s32 s3, s4;
	s28 =	spop (v2sf);
	s21 =	smul.u32 $0x68DB8BAD, s21  }
0x35e: {  	s11 =	smulhi.u32 $0x68DB8BAD, s14;
	s14 =	sshra.s32 s14, $0x1F;
	s19 =	spop (v2sf)  }
0x35f: {  	s18 =	smul.u32 $0x68DB8BAD, s14;
	s23 =	sadd.s32 s13, s23;
	s13 =	sshra.s32 s24, $0xC  }
0x360: {  	[smem:$0x79D] =	sst s19;
	s19 =	spop (v2sf);
	s8 =	sadd.s32 s21, s0  }
0x361: {  	s21 =	sshrl.u32 s24, $0x1F;
	s24 =	sshra.s32 s17, $0x1F;
	s0 =	sshra.s32 s30, $0xC  }
0x362: {  	[dreg:$0x17] =	wrdreg s19;
	s14 =	spop (v2sf);
	s4 =	sadd.s32 s18, s11  }
0x363: {  	s11 =	sshrl.u32 s31, $0x1F;
	s18 =	sshrl.u32 s26, $0x1F;
	v5 =	vmov s24;
	s24 =	sshrl.u32 s25, $0x1F  }
0x364: {  	s25 =	sshra.s32 s1, $0xC;
	s6 =	smulhi.u32 $0x68DB8BAD, s14;
	s19 =	sshra.s32 s14, $0x1F  }
0x365: {  	s14 =	sadd.s32 s2, s20;
	s2 =	sshra.s32 s31, $0xC;
	s20 =	sshra.s32 s26, $0xC  }
0x366: {  	v5 =	vsel vm3, s25, v5;
	s25 =	sshrl.u32 s1, $0x1F;
	s26 =	sshra.s32 s1, $0x1F;
	s1 =	sshrl.u32 s30, $0x1F  }
0x367: {  	s31 =	sshra.s32 s29, $0xC;
	v6 =	vmov s18;
	s30 =	sld [smem:$0x79A];
	s19 =	smul.u32 $0x68DB8BAD, s19  }
0x368: {  	v5 =	vsel vm9, s26, v5;
	v7 =	vmov s25;
	s25 =	sshrl.u32 s29, $0x1F;
	s29 =	sshra.s32 s29, $0x1F;
	v9 =	vmov s20;
	s20 =	sld [smem:$0x79F]  }
0x369: {  	v6 =	vsel vm0, s11, v6;
	v5 =	vsel vm0, s31, v5;
	s31 =	sshra.s32 s12, $0xC;
	s6 =	sadd.s32 s19, s6;
	s19 =	sld [smem:$0x799]  }
0x36a: {  	v6 =	vsel vm1, s21, v6;
	v5 =	vsel vm10, s29, v5;
	s11 =	sshrl.u32 s30, $0x1F;
	s29 =	sshra.s32 s30, $0xC;
	s30 =	sld [smem:$0x79B]  }
0x36b: {  	s21 =	smulhi.u32 $0x68DB8BAD, s28;
	s28 =	sshra.s32 s28, $0x1F;
	v50 =	vsel vm2, s24, v6;
	s24 =	sshra.s32 s22, $0x1F  }
0x36c: {  	v7 =	vnsel vm3, $0x0, v7;
	v9 =	vsel vm0, s2, v9;
	v8 =	vsel vm1, s31, v5;
	s31 =	sshrl.u32 s15, $0x1F;
	s26 =	sshrl.u32 s19, $0x1F;
	s18 =	sshra.s32 s19, $0xC  }
0x36d: {  	v7 =	vsel vm0, s25, v7;
	v9 =	vsel vm1, s13, v9;
	s19 =	sshrl.u32 s12, $0x1F;
	s12 =	sshra.s32 s12, $0x1F;
	s25 =	sshrl.u32 s30, $0x1F  }
0x36e: {  	v9 =	vsel vm2, s5, v9;
	v51 =	vsel vm1, s19, v7;
	v52 =	vsel vm11, s12, v8;
	s12 =	sshra.s32 s30, $0xC;
	s19 =	sshra.s32 s15, $0xC;
	s15 =	sshra.s32 s15, $0x1F  }
0x36f: {  	v53 =	vmov s26;
	s26 =	sshrl.u32 s7, $0x1F;
	s30 =	sshra.s32 s7, $0xC;
	v10 =	vmov s18;
	s18 =	rddreg [dreg:$0x1b];
	v6 =	vsel vm2, s31, v51  }
0x370: {  	v7 =	vsel vm2, s19, v52;
	v8 =	vsel vm0, s1, v53;
	s31 =	sshra.s32 s7, $0x1F;
	s19 =	sshra.s32 s22, $0xC;
	s1 =	smul.u32 $0x68DB8BAD, s28;
	v10 =	vsel vm0, s0, v10  }
0x371: {  	s2 =	sshrl.u32 s18, $0x1F;
	v6 =	vsel vm4, s26, v6;
	v7 =	vsel vm12, s15, v7;
	s15 =	sshrl.u32 s22, $0x1F;
	v8 =	vsel vm1, s11, v8;
	s26 =	sshrl.u32 s16, $0x1F  }
0x372: {  	v10 =	vsel vm1, s29, v10;
	s22 =	sld [smem:$0x7A0];
	s29 =	sshra.s32 s14, $0xC;
	v6 =	vsel vm5, s15, v6;
	v7 =	vsel vm4, s30, v7;
	s30 =	sshrl.u32 s17, $0x1F  }
0x373: {  	v8 =	vsel vm2, s25, v8;
	s15 =	sshra.s32 s16, $0x1F;
	s25 =	sshra.s32 s17, $0xC;
	v6 =	vsel vm6, s26, v6;
	v7 =	vsel vm13, s31, v7;
	s26 =	sld [smem:$0x79D]  }
0x374: {  	s17 =	sshrl.u32 s20, $0x1F;
	v10 =	vsel vm2, s12, v10;
	s1 =	sadd.s32 s1, s21;
	s12 =	sshra.s32 s4, $0xC;
	v5 =	vcombine.low v8, v50;
	v7 =	vsel vm5, s19, v7  }
0x375: {  	s31 =	sshra.s32 s16, $0xC;
	s21 =	sshrl.u32 s1, $0x1F;
	v54 =	vcombine.low v10, v9;
	v6 =	vsel vm7, s30, v6;
	s19 =	sld [smem:$0x79E];
	v7 =	vsel vm14, s24, v7  }
0x376: {  	s5 =	sshrl.u32 s22, $0x1F;
	s24 =	sld [smem:$0x79C];
	v5 =	vperm.xlane v5, v1;
	v6 =	vperm.xlane v6, v2;
	s28 =	smulhi.u32 $0x68DB8BAD, s26;
	v7 =	vsel vm6, s31, v7  }
0x377: {  	v8 =	vperm.xlane v54, v1;
	s30 =	sshra.s32 s26, $0x1F;
	s31 =	sshrl.u32 s14, $0x1F;
	s26 =	sshra.s32 s6, $0x1F;
	v7 =	vsel vm15, s15, v7  }
0x378: {  	s14 =	sshra.s32 s14, $0x1F;
	s13 =	sshrl.u32 s19, $0x1F;
	s0 =	smul.u32 $0x68DB8BAD, s30;
	v11 =	vmov s31;
	v13 =	vmov s26;
	v5 =	vsel vm8, v6, v5  }
0x379: {  	s30 =	rddreg [dreg:$0x17];
	s16 =	sshrl.u32 s24, $0x1F;
	v7 =	vsel vm7, s25, v7;
	s25 =	sshrl.u32 s23, $0x1F;
	v11 =	vnsel vm3, $0x0, v11;
	v13 =	vsel vm3, s29, v13  }
0x37a: {  	s15 =	sshrl.u32 s4, $0x1F;
	v12 =	vmov s16;
	s0 =	sadd.s32 s0, s28;
	v11 =	vsel vm0, s25, v11;
	v13 =	vsel vm9, s14, v13;
	s16 =	sshra.s32 s23, $0xC  }
0x37b: {  	s28 =	sshrl.u32 s8, $0x1F;
	s25 =	sshra.s32 s23, $0x1F;
	s14 =	sshra.s32 s10, $0xC;
	v7 =	vperm.xlane v7, v2;
	v12 =	vsel vm0, s2, v12;
	v13 =	vsel vm0, s16, v13  }
0x37c: {  	s4 =	sshra.s32 s4, $0x1F;
	s31 =	smulhi.u32 $0x68DB8BAD, s30;
	v11 =	vsel vm1, s28, v11;
	s28 =	sshra.s32 s8, $0xC;
	v16 =	vmov s14;
	v13 =	vsel vm10, s25, v13  }
0x37d: {  	s11 =	sshra.s32 s30, $0x1F;
	s8 =	sshra.s32 s8, $0x1F;
	s16 =	sshra.s32 s22, $0xC;
	v12 =	vsel vm1, s13, v12;
	v11 =	vsel vm2, s15, v11;
	v13 =	vsel vm1, s28, v13  }
0x37e: {  	s11 =	smul.u32 $0x68DB8BAD, s11;
	s13 =	sshra.s32 s24, $0xC;
	s15 =	sshra.s32 s18, $0xC;
	v16 =	vsel vm0, s16, v16;
	v12 =	vsel vm2, s17, v12;
	v13 =	vsel vm11, s8, v13  }
0x37f: {  	s18 =	sshra.s32 s19, $0xC;
	s19 =	sshra.s32 s9, $0xC;
	s17 =	sshrl.u32 s10, $0x1F;
	v11 =	vsel vm4, s21, v11;
	v15 =	vmov s13;
	v13 =	vsel vm2, s12, v13  }
0x380: {  	s26 =	sshrl.u32 s0, $0x1F;
	s2 =	sadd.s32 s11, s31;
	v16 =	vsel vm1, s19, v16;
	v14 =	vmov s17;
	s17 =	sshra.s32 s1, $0xC;
	v13 =	vsel vm12, s4, v13  }
0x381: {  	s31 =	sshrl.u32 s3, $0x1F;
	s3 =	sshra.s32 s3, $0xC;
	v11 =	vsel vm5, s26, v11;
	v15 =	vsel vm0, s15, v15;
	s1 =	sshra.s32 s1, $0x1F;
	v13 =	vsel vm4, s17, v13  }
0x382: {  	s30 =	sshrl.u32 s2, $0x1F;
	s21 =	sshra.s32 s0, $0xC;
	v16 =	vsel vm2, s3, v16;
	v14 =	vsel vm0, s5, v14;
	v13 =	vsel vm13, s1, v13  }
0x383: {  	s20 =	sshra.s32 s20, $0xC;
	s29 =	sshrl.u32 s9, $0x1F;
	s0 =	sshra.s32 s0, $0x1F;
	v11 =	vsel vm6, s30, v11;
	v15 =	vsel vm1, s18, v15;
	v13 =	vsel vm5, s21, v13  }
0x384: {  	s22 =	sshra.s32 s2, $0xC;
	v14 =	vsel vm1, s29, v14;
	v15 =	vsel vm2, s20, v15;
	v55 =	vsel vm14, s0, v13  }
0x385: {  	s11 =	sshrl.u32 s6, $0x1F;
	s23 =	sshra.s32 s2, $0x1F;
	v14 =	vsel vm2, s31, v14;
	v57 =	vcombine.low v16, v15;
	v9 =	vsel vm6, s22, v55  }
0x386: {  	s24 =	sshra.s32 s6, $0xC;
	v11 =	vsel vm7, s11, v11;
	v56 =	vcombine.low v14, v12;
	v9 =	vsel vm15, s23, v9  }
0x387: {  	v58 =	vld [tilespmem:$0x0];
	v11 =	vperm.xlane v11, v2;
	v59 =	vperm.xlane v57, v1;
	v9 =	vsel vm7, s24, v9  }
0x388: {  	v7 =	vsel vm8, v7, v8;
	v10 =	vperm.xlane v56, v1;
	v9 =	vperm.xlane v9, v2  }
0x389: {  	v60 =	vld [tilespmem:$0x10];
	v5 =	vadd.s32 v5, v7  }
0x38a: {  	v5 =	vmul.u32 $0x2710, v5;
	v10 =	vsel vm8, v11, v10;
	v8 =	vsel vm8, v9, v59  }
0x38b: {  	v8 =	vadd.s32 v10, v8  }
0x38c: {  	v61 =	vadd.s32 $0xFFFFC500, v58;
	v3 =	vsub.s32 v3, v5;
	v62 =	vmul.u32 $0x2710, v8  }
0x38d: {  	v5 =	vmin.u32 v61, $0x3B00;
	v3 =	vshll.u32 v3, $0x1  }
0x38e: {  	v63 =	vadd.s32 $0xFFFFC500, v60;
	[tilespmem:$0x200] =	vst v5;
	v3 =	vor.u32 v0, v3;
	v4 =	vsub.s32 v4, v62  }
0x38f: {  	s6 =	rddreg [dreg:$0xe];
	[tilespmem:$0x100] =	vst v3;
	v3 =	vmin.u32 v63, $0x3B00;
	v4 =	vshll.u32 v4, $0x1  }
0x390: {  	s25 =	simm.s32 $0x100;
	s2 =	simm.s32 $0x20;
	s26 =	rddreg [dreg:$0x0];
	[tilespmem:$0x210] =	vst v3;
	v3 =	vor.u32 v0, v4  }
.Ltmp9:
0x391: {  	s28 =	simm.s32 $0x300;
	s29 =	rddreg [dreg:$0x10];
	[tilespmem:$0x110] =	vst v3;
	(pc) =	sbr.rel .LBB2_10-.Ltmp9, $4  }
0x392: {  	[tilespmem:s28], [sflag:$0x2] =	stream.indirect.gather [hbm4b:s26+s2], $0x80, s25, s2, $0xb8;
	[tilespmem:$0x1FB40] =	vst v63  }
0x393: {  	s30 =	simm.s32 $0x80;
	s31 =	simm.s32 $0x0;
	s0 =	sadd.s32 $0x18, s29  }
0x394: {  	[tilespmem:s30], [sflag:$0x1] =	stream.linear.gather [hbm4b:s0+s31], $0x40, $0x38;
	[tilespmem:$0x1FB40] =	vst v63  }
0x395: {  	s3 =	simm.s32 $0x1300;
	s0 =	rddreg [dreg:$0x4]  }
.LBB2_12:
0x396: {  	_ =	sfence.sel $0x180000  }
0x397: {  	[bflag:$0x0] =	sbarrier.arrive $0xFFFF  }
0x398: {  	_ =	strace $0x90000047  }
0x399: {  	s0 =	stileid.u32;
	[bflag:$0x2] =	sbarrier.arrive $0xFFFF  }
0x39a: {  	p0 =	sne.s32 s0, $0x0;
	s0 =	rddreg [dreg:$0x5]  }
0x39b: {  	s0 =	sadd.s32 @!p0 $0x100000, s0  }
0x39c: {  	[sflag:s0] =	ssyncadd.tile.s32 @!p0 $0x1;
	_ =	shalt  }
.Lfunc_end2:
_tile_overlayer_lowered:
.L_overlay_start_2:
0x39d: {  	(tag) =	ssettag $0x2  }
0x39e: {  	s0 =	rddreg [dreg:$0x0];
	s2 =	stileid.u32  }
0x39f: {  	s1 =	rddreg [dreg:$0x1];
	p0 =	sne.s32 s2, $0x0  }
0x3a0: {  	s3 =	rddreg [dreg:$0x2];
	[bflag:$0x3] =	sbarrier.arrive $0xFFFF;
	s2 =	simm.s32 @!p0 $0x1C06  }
0x3a1: {  	[timem:s3], [sflag:s2] =	dma.local @!p0 [hbm:s0], s1  }
0x3a2: {  	s0 =	simm.s32 @!p0 $0x6  }
0x3a3: {  	_ =	swait.ge @!p0 [sflag:s0], s1  }
0x3a4: {  	s1 =	ssub.s32 @!p0 $0x0, s1;
	[sflag:s0] =	ssyncset.done @!p0 $0x0  }
0x3a5: {  	[sflag:s0] =	ssyncadd.s32 @!p0 s1  }
0x3a6: {  	[bflag:$0x3] =	sbarrier.arrive $0xFFFF  }
0x3a7: {  	_ =	shalt  }

</sc_bundles>
